<compile_context>
chip_gen: v7x
topology: tpu7x:2x2x1
jax: 0.10.2.dev20260603
libtpu: 0.0.44.dev20260713+nightly
codegen_flags: <defaults>
</compile_context>

<pallas_src>
import functools

import jax
import jax.numpy as jnp
from jax import lax
from jax.experimental import pallas as pl
from jax.experimental.pallas import tpu as pltpu
from jax.experimental.pallas import tpu_sc as plsc

N = 10000
NF = 5000
NFP = 5120
F = 128
H = 128
HEADS = 8
K = 2048
PAD_CLUSTER = 2047
ZROW = 2040

NSUB = 16
CHUNK = NFP // NSUB
BLKS = CHUNK // 16
IDX_MINOR = 64
NIDX = CHUNK // IDX_MINOR


def _tca_body(fx_ref, Wa_ref, ba_ref, fh_ref):
    fh = jnp.dot(fx_ref[...], Wa_ref[...], preferred_element_type=jnp.float32)
    fh = jnp.maximum(fh + ba_ref[...], 0.0)
    fh_ref[pl.ds(0, NF), :] = fh
    fh_ref[pl.ds(NF, NFP - NF), :] = jnp.zeros((NFP - NF, H), jnp.float32)


def _tca(frag_x, W_a, b_a):
    return pl.pallas_call(
        _tca_body,
        out_shape=jax.ShapeDtypeStruct((NFP, H), jnp.float32),
    )(frag_x, W_a, b_a.reshape(1, H))


def _tcb_body(x_ref, Wa_ref, ba_ref, g1_ref, b1_ref, Wout_ref, bout_ref,
              mw_ref):
    xa = jnp.dot(x_ref[...], Wa_ref[...], preferred_element_type=jnp.float32)
    xa = xa + ba_ref[...]
    mu = jnp.mean(xa, axis=0, keepdims=True)
    var = jnp.mean((xa - mu) ** 2, axis=0, keepdims=True)
    mol = (xa - mu) / jnp.sqrt(var + 1e-5) * g1_ref[...] + b1_ref[...]
    mol = jnp.maximum(mol, 0.0)
    Wo1 = Wout_ref[pl.ds(0, H), :]
    mw_ref[...] = (jnp.dot(mol, Wo1, preferred_element_type=jnp.float32)
                   + bout_ref[...])


def _tcb(x, W_a, b_a, gamma1, beta1, W_out, b_out):
    return pl.pallas_call(
        _tcb_body,
        out_shape=jax.ShapeDtypeStruct((N, 1), jnp.float32),
    )(x, W_a, b_a.reshape(1, H), gamma1.reshape(1, H), beta1.reshape(1, H),
      W_out, b_out.reshape(1, 1))


def _sc_mid_body(fh_hbm, ci_hbm, G_hbm,
                 ci_v, fh_v, rows_v, sidx_v, gidx_v, zb_v, fp_sh,
                 sem_ci, sem_fh, sem_s, sem_g):
    sid = lax.axis_index("s")
    base = sid * CHUNK
    iota = lax.broadcasted_iota(jnp.int32, (16,), 0)

    a_ci = pltpu.async_copy(ci_hbm, ci_v.at[pl.ds(0, NF)], sem_ci)
    a_fh = pltpu.async_copy(fh_hbm.at[pl.ds(base, CHUNK)], fh_v, sem_fh)
    for rr in range(16):
        for kk in range(H // 16):
            zb_v[rr, pl.ds(kk * 16, 16)] = jnp.zeros((16,), jnp.float32)
    for rr in range(K // NSUB // 16):
        pltpu.sync_copy(zb_v, fp_sh.at[pl.ds(sid * (K // NSUB) + rr * 16, 16)])

    a_ci.wait()
    sent = jnp.full((16,), PAD_CLUSTER, jnp.int32)
    for k in range((NFP - NF) // 16):
        plsc.store_scatter(ci_v, [NF + 16 * k + iota], sent)
    plsc.store_scatter(ci_v, [NFP - 16 + iota], sent)
    plsc.store_scatter(ci_v, [NFP + iota], sent)

    for b in range(BLKS):
        v = ci_v[pl.ds(base + 16 * b, 16)]
        sidx_v[b // (IDX_MINOR // 16), pl.ds((b % (IDX_MINOR // 16)) * 16, 16)] = v

    a_fh.wait()
    plsc.subcore_barrier()

    scat = [pltpu.async_copy(fh_v.at[pl.ds(j * IDX_MINOR, IDX_MINOR)],
                             fp_sh.at[sidx_v.at[j]], sem_s, add=True)
            for j in range(NIDX)]

    def _pref(b4, acc):
        for t in range(4):
            b = 4 * b4 + t
            v = ci_v[pl.ds(16 * b, 16)]
            nxt = plsc.load_gather(ci_v, [16 * b + 1 + iota])
            acc = acc + jnp.where(v != nxt, 1, 0).astype(jnp.int32)
        return acc

    acc0 = jnp.zeros((16,), jnp.int32)
    acc = lax.fori_loop(0, sid * (BLKS // 4), _pref, acc0)
    carry = jnp.sum(acc)

    for b in range(BLKS):
        j = base + 16 * b + iota
        v = ci_v[pl.ds(base + 16 * b, 16)]
        nxt = plsc.load_gather(ci_v, [base + 16 * b + 1 + iota])
        last = v != nxt
        lasti = jnp.where(last, 1, 0).astype(jnp.int32)
        cs = plsc.cumsum(lasti)
        inv = carry + cs - lasti
        mask = last & (j < NF)
        gidx = jnp.where(mask, inv, ZROW)
        gidx_v[b // (IDX_MINOR // 16), pl.ds((b % (IDX_MINOR // 16)) * 16, 16)] = gidx
        carry = carry + jnp.sum(lasti)

    for a in scat:
        a.wait()
    plsc.subcore_barrier()

    gath = [pltpu.async_copy(fp_sh.at[gidx_v.at[j]],
                             rows_v.at[pl.ds(j * IDX_MINOR, IDX_MINOR)], sem_g)
            for j in range(NIDX)]
    wr = []
    for j in range(NIDX):
        gath[j].wait()
        wr.append(pltpu.async_copy(
            rows_v.at[pl.ds(j * IDX_MINOR, IDX_MINOR)],
            G_hbm.at[pl.ds(base + j * IDX_MINOR, IDX_MINOR)], sem_ci))
    for a in wr:
        a.wait()


def _sc_mid(fh_pad, ci_raw):
    mesh = plsc.VectorSubcoreMesh(core_axis_name="c", subcore_axis_name="s",
                                  num_cores=1)
    fn = functools.partial(
        pl.kernel,
        mesh=mesh,
        compiler_params=pltpu.CompilerParams(needs_layout_passes=False),
        out_type=jax.ShapeDtypeStruct((NFP, H), jnp.float32),
        scratch_types=[
            pltpu.VMEM((NFP + 16,), jnp.int32),
            pltpu.VMEM((CHUNK, H), jnp.float32),
            pltpu.VMEM((CHUNK, H), jnp.float32),
            pltpu.VMEM((NIDX, IDX_MINOR), jnp.int32),
            pltpu.VMEM((NIDX, IDX_MINOR), jnp.int32),
            pltpu.VMEM((16, H), jnp.float32),
            pltpu.VMEM_SHARED((K, H), jnp.float32),
            pltpu.SemaphoreType.DMA,
            pltpu.SemaphoreType.DMA,
            pltpu.SemaphoreType.DMA,
            pltpu.SemaphoreType.DMA,
        ],
    )(_sc_mid_body)
    return fn(fh_pad, ci_raw)


def _tc2_body(mw_ref, G_ref, Wsrc_ref, bgat_ref, Wout_ref, out_ref):
    G = jnp.maximum(G_ref[...], 0.0)
    r = jax.lax.broadcasted_iota(jnp.int32, (HEADS * H, H), 0)
    c = jax.lax.broadcasted_iota(jnp.int32, (HEADS * H, H), 1)
    S = jnp.where(r % H == c, 1.0 / HEADS, 0.0).astype(jnp.float32)
    W_mean = jnp.dot(Wsrc_ref[...], S, preferred_element_type=jnp.float32)
    s_mean = jnp.dot(G, W_mean, preferred_element_type=jnp.float32)
    frag_m = jnp.maximum(s_mean + bgat_ref[...], 0.0)
    cb = jnp.maximum(bgat_ref[...], 0.0)
    Wo2 = Wout_ref[pl.ds(H, H), :]
    top = jnp.dot(frag_m, Wo2, preferred_element_type=jnp.float32)
    cb2 = jnp.dot(cb, Wo2, preferred_element_type=jnp.float32)
    rows = jax.lax.broadcasted_iota(jnp.int32, (N, 1), 0)
    top_full = jnp.concatenate(
        [top, jnp.zeros((N - NFP, 1), jnp.float32)], axis=0)
    out_ref[...] = mw_ref[...] + jnp.where(rows < NFP, top_full, cb2)


def _tc2(mw, G, W_gat_src, b_gat, W_out):
    return pl.pallas_call(
        _tc2_body,
        out_shape=jax.ShapeDtypeStruct((N, 1), jnp.float32),
    )(mw, G, W_gat_src, b_gat.reshape(1, H), W_out)


def kernel(x, edge_index, edge_attr, frag_x, frag_edge_index, frag_edge_attr,
           cluster_index, W_a, b_a, gamma1, beta1, W_b, b_b, gamma2, beta2,
           W_gat_src, W_gat_dst, att_src, att_dst, b_gat, W_out, b_out):
    fh_pad = _tca(frag_x, W_a, b_a)
    G = _sc_mid(fh_pad, cluster_index.astype(jnp.int32))
    mw = _tcb(x, W_a, b_a, gamma1, beta1, W_out, b_out)
    return _tc2(mw, G, W_gat_src, b_gat, W_out)

# --- scband reference (transcript-rebuilt; emitter-appended) ---
"""Pipeline reference for scband-hier-net-19533511262571 (READ-ONLY COPY).

The authoritative reference and input builder live on the scoring server;
editing this copy changes nothing except your own understanding.
"""

import jax, jax.numpy as jnp
import numpy as np


def _bn(v, g, b, eps=1e-5):
    mu = v.mean(0)
    var = jnp.var(v, axis=0)
    return (v - mu) / jnp.sqrt(var + eps) * g + b


def setup_inputs(seed: int = 0) -> dict:
    key = jax.random.key(seed)
    ks = jax.random.split(key, 20)
    N, E, F, Ed, H = 10000, 320000, 128, 16, 128
    NF, EF = 5000, 20000
    heads = 8
    s = 0.05
    inp = {}
    inp["x"] = jax.random.normal(ks[0], (N, F), dtype=jnp.float32)
    inp["edge_index"] = jax.random.randint(ks[1], (2, E), 0, N)
    inp["edge_attr"] = jax.random.normal(ks[2], (E, Ed), dtype=jnp.float32)
    inp["frag_x"] = jax.random.normal(ks[3], (NF, F), dtype=jnp.float32)
    inp["frag_edge_index"] = jax.random.randint(ks[4], (2, EF), 0, NF)
    inp["frag_edge_attr"] = jax.random.normal(ks[5], (EF, Ed), dtype=jnp.float32)
    inp["cluster_index"] = jnp.sort(jax.random.randint(ks[6], (NF,), 0, 2000))
    inp["W_a"] = jax.random.normal(ks[7], (F, H), dtype=jnp.float32) * s
    inp["b_a"] = jnp.zeros((H,), dtype=jnp.float32)
    inp["gamma1"] = jnp.ones((H,), dtype=jnp.float32)
    inp["beta1"] = jnp.zeros((H,), dtype=jnp.float32)
    inp["W_b"] = jax.random.normal(ks[8], (Ed, H), dtype=jnp.float32) * s
    inp["b_b"] = jnp.zeros((H,), dtype=jnp.float32)
    inp["gamma2"] = jnp.ones((H,), dtype=jnp.float32)
    inp["beta2"] = jnp.zeros((H,), dtype=jnp.float32)
    inp["W_gat_src"] = jax.random.normal(ks[9], (H, heads * H), dtype=jnp.float32) * s
    inp["W_gat_dst"] = jax.random.normal(ks[10], (H, heads * H), dtype=jnp.float32) * s
    inp["att_src"] = jax.random.normal(ks[11], (heads, H), dtype=jnp.float32) * s
    inp["att_dst"] = jax.random.normal(ks[12], (heads, H), dtype=jnp.float32) * s
    inp["b_gat"] = jnp.zeros((H,), dtype=jnp.float32)
    inp["W_out"] = jax.random.normal(ks[13], (2 * H, 1), dtype=jnp.float32) * s
    inp["b_out"] = jnp.zeros((1,), dtype=jnp.float32)
    return inp


def reference(x, edge_index, edge_attr, frag_x, frag_edge_index, frag_edge_attr,
              cluster_index, W_a, b_a, gamma1, beta1, W_b, b_b, gamma2, beta2,
              W_gat_src, W_gat_dst, att_src, att_dst, b_gat, W_out, b_out):
    N = x.shape[0]
    # atom branch: lin_a -> bn1 -> relu
    h = jax.nn.relu(_bn(x @ W_a + b_a, gamma1, beta1))
    # edge branch: lin_b -> bn2 -> relu (computed in original but unused because
    # the NTNConv loop body is always skipped: `if (edge_index > x.size(0)).any:` is
    # a truthy bound-method reference -> `continue` every iteration)
    ea = jax.nn.relu(_bn(edge_attr @ W_b + b_b, gamma2, beta2))
    batch1 = jnp.arange(N)
    # global_add_pool with batch=arange(N) is identity per node, then relu_
    mol_vec = jax.nn.relu(jax.ops.segment_sum(h, batch1, num_segments=N))
    # fragment branch (MacFrag): lin_a -> relu; conv loop skipped by same bug
    frag_h = jax.nn.relu(frag_x @ W_a + b_a)
    NF = cluster_index.shape[0]
    K = 2000
    frag_pooled = jax.nn.relu(jax.ops.segment_sum(frag_h, cluster_index, num_segments=K))
    # consecutive_cluster
    is_new = jnp.concatenate([jnp.ones((1,), dtype=bool),
                              cluster_index[1:] != cluster_index[:-1]])
    inv = jnp.cumsum(is_new.astype(jnp.int32)) - 1
    n_cl = inv[-1] + 1
    perm = jax.ops.segment_max(jnp.arange(NF), inv.reshape(-1), num_segments=K)
    row = jnp.arange(K)
    edge_valid = row < n_cl
    dst = jnp.where(edge_valid, perm, N)  # frag_m_batch = batch2[perm] with batch2 = arange
    # bipartite GATConv((frag_pooled, mol_vec), [row; dst]), heads=8, concat=False, eval (no dropout)
    heads, C = att_src.shape[0], att_src.shape[1]
    src_feat = (frag_pooled @ W_gat_src).reshape(-1, heads, C)
    dst_feat = (mol_vec @ W_gat_dst).reshape(-1, heads, C)
    a_src = (src_feat * att_src[None, :, :]).sum(-1)
    a_dst = (dst_feat * att_dst[None, :, :]).sum(-1)
    e = jax.nn.leaky_relu(a_src[row] + a_dst[dst], negative_slope=0.01)
    m = jax.ops.segment_max(e, dst, num_segments=N)
    m = jnp.where(jnp.isfinite(m), m, 0.0)
    alpha = jnp.exp(e - m[dst])
    denom = jax.ops.segment_sum(alpha, dst, num_segments=N)
    alpha = alpha / (denom[dst] + 1e-16)
    msg = src_feat[row] * alpha[:, :, None]
    agg = jax.ops.segment_sum(msg, dst, num_segments=N)
    frag_m_vec = jax.nn.relu(agg.mean(axis=1) + b_gat)
    out = jnp.concatenate([mol_vec, frag_m_vec], axis=1) @ W_out + b_out
    return out

if __name__ == "__main__":
    import jax
    _d = setup_inputs()
    print(jax.jit(kernel)(*tuple(_d.values())))

</pallas_src>

<mosaic_0001>
#map = affine_map<(d0, d1) -> (0, 0)>
#map1 = affine_map<(d0, d1) -> (0)>
module attributes {stable_mosaic.version = 14 : i64} {
  func.func @_sc_mid_body(%arg0: i32, %arg1: i32, %arg2: memref<5120x128xf32, #tpu.memory_space<hbm>>, %arg3: memref<5000xi32, #tpu.memory_space<hbm>>, %arg4: memref<5120x128xf32, #tpu.memory_space<hbm>>, %arg5: memref<5136xi32, #tpu.memory_space<vmem>>, %arg6: memref<320x128xf32, #tpu.memory_space<vmem>>, %arg7: memref<320x128xf32, #tpu.memory_space<vmem>>, %arg8: memref<5x64xi32, #tpu.memory_space<vmem>>, %arg9: memref<5x64xi32, #tpu.memory_space<vmem>>, %arg10: memref<16x128xf32, #tpu.memory_space<vmem>>, %arg11: memref<2048x128xf32, #tpu.memory_space<vmem_shared>>, %arg12: memref<!tpu.dma_semaphore, #tpu.memory_space<semaphore_mem>>, %arg13: memref<!tpu.dma_semaphore, #tpu.memory_space<semaphore_mem>>, %arg14: memref<!tpu.dma_semaphore, #tpu.memory_space<semaphore_mem>>, %arg15: memref<!tpu.dma_semaphore, #tpu.memory_space<semaphore_mem>>) attributes {dimension_semantics = [#tpu.dimension_semantics<core_parallel>, #tpu.dimension_semantics<subcore_parallel>], iteration_bounds = array<i64: 1, 16>, scalar_prefetch = 0 : i64, scratch_operands = 11 : i64, tpu.core_type = #tpu.core_type<sc_vector_subcore>, window_params = [{transform_indices = #map}, {transform_indices = #map1}, {transform_indices = #map}]} {
    %mul3A = arith.constant 320 : i32
    %mul3A_0 = arith.muli %arg1, %mul3A : i32
    %iota3A = tpu.iota {dimensions = array<i32: 0>} : vector<16xi32>
    %dma_start3A = arith.constant 0 : i32
    %dma_start3A_1 = tpu.memref_slice %arg5[%dma_start3A] : memref<5136xi32, #tpu.memory_space<vmem>> -> memref<5000xi32, #tpu.memory_space<vmem>>
    %dma_start3A_2 = arith.constant 0 : i32
    %dma_start3A_3 = tpu.memref_slice %arg5[%dma_start3A_2] : memref<5136xi32, #tpu.memory_space<vmem>> -> memref<5000xi32, #tpu.memory_space<vmem>>
    tpu.enqueue_dma source(%arg3 : memref<5000xi32, #tpu.memory_space<hbm>>) target(%dma_start3A_3 : memref<5000xi32, #tpu.memory_space<vmem>>) target_semaphore(%arg12 : memref<!tpu.dma_semaphore, #tpu.memory_space<semaphore_mem>>)
    %dma_start3A_4 = arith.constant 0 : i32
    %dma_start3A_5 = tpu.memref_slice %arg2[%mul3A_0, %dma_start3A_4] : memref<5120x128xf32, #tpu.memory_space<hbm>> -> memref<320x128xf32, #tpu.memory_space<hbm>>
    %dma_start3A_6 = arith.constant 0 : i32
    %dma_start3A_7 = tpu.memref_slice %arg2[%mul3A_0, %dma_start3A_6] : memref<5120x128xf32, #tpu.memory_space<hbm>> -> memref<320x128xf32, #tpu.memory_space<hbm>>
    tpu.enqueue_dma source(%dma_start3A_7 : memref<320x128xf32, #tpu.memory_space<hbm>>) target(%arg6 : memref<320x128xf32, #tpu.memory_space<vmem>>) target_semaphore(%arg13 : memref<!tpu.dma_semaphore, #tpu.memory_space<semaphore_mem>>)
    %broadcast_in_dim3A = arith.constant 0.000000e+00 : f32
    %broadcast_in_dim3A_8 = vector.broadcast %broadcast_in_dim3A : f32 to vector<16xf32>
    %swap3A = arith.constant 0 : i32
    %swap3A_9 = arith.index_cast %swap3A : i32 to index
    %swap3A_10 = arith.constant 0 : index
    %swap3A_11 = tpu.vector_load %arg10[%swap3A_9, %swap3A_10] {strides = array<i32>} : memref<16x128xf32, #tpu.memory_space<vmem>>, vector<16xf32>,
    tpu.vector_store %arg10[%swap3A_9, %swap3A_10], %broadcast_in_dim3A_8 {strides = array<i32>} : memref<16x128xf32, #tpu.memory_space<vmem>>, vector<16xf32>,
    %broadcast_in_dim3A_12 = arith.constant 0.000000e+00 : f32
    %broadcast_in_dim3A_13 = vector.broadcast %broadcast_in_dim3A_12 : f32 to vector<16xf32>
    %swap3A_14 = arith.constant 0 : i32
    %swap3A_15 = arith.index_cast %swap3A_14 : i32 to index
    %swap3A_16 = arith.constant 16 : index
    %swap3A_17 = tpu.vector_load %arg10[%swap3A_15, %swap3A_16] {strides = array<i32>} : memref<16x128xf32, #tpu.memory_space<vmem>>, vector<16xf32>,
    tpu.vector_store %arg10[%swap3A_15, %swap3A_16], %broadcast_in_dim3A_13 {strides = array<i32>} : memref<16x128xf32, #tpu.memory_space<vmem>>, vector<16xf32>,
    %broadcast_in_dim3A_18 = arith.constant 0.000000e+00 : f32
    %broadcast_in_dim3A_19 = vector.broadcast %broadcast_in_dim3A_18 : f32 to vector<16xf32>
    %swap3A_20 = arith.constant 0 : i32
    %swap3A_21 = arith.index_cast %swap3A_20 : i32 to index
    %swap3A_22 = arith.constant 32 : index
    %swap3A_23 = tpu.vector_load %arg10[%swap3A_21, %swap3A_22] {strides = array<i32>} : memref<16x128xf32, #tpu.memory_space<vmem>>, vector<16xf32>,
    tpu.vector_store %arg10[%swap3A_21, %swap3A_22], %broadcast_in_dim3A_19 {strides = array<i32>} : memref<16x128xf32, #tpu.memory_space<vmem>>, vector<16xf32>,
    %broadcast_in_dim3A_24 = arith.constant 0.000000e+00 : f32
    %broadcast_in_dim3A_25 = vector.broadcast %broadcast_in_dim3A_24 : f32 to vector<16xf32>
    %swap3A_26 = arith.constant 0 : i32
    %swap3A_27 = arith.index_cast %swap3A_26 : i32 to index
    %swap3A_28 = arith.constant 48 : index
    %swap3A_29 = tpu.vector_load %arg10[%swap3A_27, %swap3A_28] {strides = array<i32>} : memref<16x128xf32, #tpu.memory_space<vmem>>, vector<16xf32>,
    tpu.vector_store %arg10[%swap3A_27, %swap3A_28], %broadcast_in_dim3A_25 {strides = array<i32>} : memref<16x128xf32, #tpu.memory_space<vmem>>, vector<16xf32>,
    %broadcast_in_dim3A_30 = arith.constant 0.000000e+00 : f32
    %broadcast_in_dim3A_31 = vector.broadcast %broadcast_in_dim3A_30 : f32 to vector<16xf32>
    %swap3A_32 = arith.constant 0 : i32
    %swap3A_33 = arith.index_cast %swap3A_32 : i32 to index
    %swap3A_34 = arith.constant 64 : index
    %swap3A_35 = tpu.vector_load %arg10[%swap3A_33, %swap3A_34] {strides = array<i32>} : memref<16x128xf32, #tpu.memory_space<vmem>>, vector<16xf32>,
    tpu.vector_store %arg10[%swap3A_33, %swap3A_34], %broadcast_in_dim3A_31 {strides = array<i32>} : memref<16x128xf32, #tpu.memory_space<vmem>>, vector<16xf32>,
    %broadcast_in_dim3A_36 = arith.constant 0.000000e+00 : f32
    %broadcast_in_dim3A_37 = vector.broadcast %broadcast_in_dim3A_36 : f32 to vector<16xf32>
    %swap3A_38 = arith.constant 0 : i32
    %swap3A_39 = arith.index_cast %swap3A_38 : i32 to index
    %swap3A_40 = arith.constant 80 : index
    %swap3A_41 = tpu.vector_load %arg10[%swap3A_39, %swap3A_40] {strides = array<i32>} : memref<16x128xf32, #tpu.memory_space<vmem>>, vector<16xf32>,
    tpu.vector_store %arg10[%swap3A_39, %swap3A_40], %broadcast_in_dim3A_37 {strides = array<i32>} : memref<16x128xf32, #tpu.memory_space<vmem>>, vector<16xf32>,
    %broadcast_in_dim3A_42 = arith.constant 0.000000e+00 : f32
    %broadcast_in_dim3A_43 = vector.broadcast %broadcast_in_dim3A_42 : f32 to vector<16xf32>
    %swap3A_44 = arith.constant 0 : i32
    %swap3A_45 = arith.index_cast %swap3A_44 : i32 to index
    %swap3A_46 = arith.constant 96 : index
    %swap3A_47 = tpu.vector_load %arg10[%swap3A_45, %swap3A_46] {strides = array<i32>} : memref<16x128xf32, #tpu.memory_space<vmem>>, vector<16xf32>,
    tpu.vector_store %arg10[%swap3A_45, %swap3A_46], %broadcast_in_dim3A_43 {strides = array<i32>} : memref<16x128xf32, #tpu.memory_space<vmem>>, vector<16xf32>,
    %broadcast_in_dim3A_48 = arith.constant 0.000000e+00 : f32
    %broadcast_in_dim3A_49 = vector.broadcast %broadcast_in_dim3A_48 : f32 to vector<16xf32>
    %swap3A_50 = arith.constant 0 : i32
    %swap3A_51 = arith.index_cast %swap3A_50 : i32 to index
    %swap3A_52 = arith.constant 112 : index
    %swap3A_53 = tpu.vector_load %arg10[%swap3A_51, %swap3A_52] {strides = array<i32>} : memref<16x128xf32, #tpu.memory_space<vmem>>, vector<16xf32>,
    tpu.vector_store %arg10[%swap3A_51, %swap3A_52], %broadcast_in_dim3A_49 {strides = array<i32>} : memref<16x128xf32, #tpu.memory_space<vmem>>, vector<16xf32>,
    %broadcast_in_dim3A_54 = arith.constant 0.000000e+00 : f32
    %broadcast_in_dim3A_55 = vector.broadcast %broadcast_in_dim3A_54 : f32 to vector<16xf32>
    %swap3A_56 = arith.constant 1 : i32
    %swap3A_57 = arith.index_cast %swap3A_56 : i32 to index
    %swap3A_58 = arith.constant 0 : index
    %swap3A_59 = tpu.vector_load %arg10[%swap3A_57, %swap3A_58] {strides = array<i32>} : memref<16x128xf32, #tpu.memory_space<vmem>>, vector<16xf32>,
    tpu.vector_store %arg10[%swap3A_57, %swap3A_58], %broadcast_in_dim3A_55 {strides = array<i32>} : memref<16x128xf32, #tpu.memory_space<vmem>>, vector<16xf32>,
    %broadcast_in_dim3A_60 = arith.constant 0.000000e+00 : f32
    %broadcast_in_dim3A_61 = vector.broadcast %broadcast_in_dim3A_60 : f32 to vector<16xf32>
    %swap3A_62 = arith.constant 1 : i32
    %swap3A_63 = arith.index_cast %swap3A_62 : i32 to index
    %swap3A_64 = arith.constant 16 : index
    %swap3A_65 = tpu.vector_load %arg10[%swap3A_63, %swap3A_64] {strides = array<i32>} : memref<16x128xf32, #tpu.memory_space<vmem>>, vector<16xf32>,
    tpu.vector_store %arg10[%swap3A_63, %swap3A_64], %broadcast_in_dim3A_61 {strides = array<i32>} : memref<16x128xf32, #tpu.memory_space<vmem>>, vector<16xf32>,
    %broadcast_in_dim3A_66 = arith.constant 0.000000e+00 : f32
    %broadcast_in_dim3A_67 = vector.broadcast %broadcast_in_dim3A_66 : f32 to vector<16xf32>
    %swap3A_68 = arith.constant 1 : i32
    %swap3A_69 = arith.index_cast %swap3A_68 : i32 to index
    %swap3A_70 = arith.constant 32 : index
    %swap3A_71 = tpu.vector_load %arg10[%swap3A_69, %swap3A_70] {strides = array<i32>} : memref<16x128xf32, #tpu.memory_space<vmem>>, vector<16xf32>,
    tpu.vector_store %arg10[%swap3A_69, %swap3A_70], %broadcast_in_dim3A_67 {strides = array<i32>} : memref<16x128xf32, #tpu.memory_space<vmem>>, vector<16xf32>,
    %broadcast_in_dim3A_72 = arith.constant 0.000000e+00 : f32
    %broadcast_in_dim3A_73 = vector.broadcast %broadcast_in_dim3A_72 : f32 to vector<16xf32>
    %swap3A_74 = arith.constant 1 : i32
    %swap3A_75 = arith.index_cast %swap3A_74 : i32 to index
    %swap3A_76 = arith.constant 48 : index
    %swap3A_77 = tpu.vector_load %arg10[%swap3A_75, %swap3A_76] {strides = array<i32>} : memref<16x128xf32, #tpu.memory_space<vmem>>, vector<16xf32>,
    tpu.vector_store %arg10[%swap3A_75, %swap3A_76], %broadcast_in_dim3A_73 {strides = array<i32>} : memref<16x128xf32, #tpu.memory_space<vmem>>, vector<16xf32>,
    %broadcast_in_dim3A_78 = arith.constant 0.000000e+00 : f32
    %broadcast_in_dim3A_79 = vector.broadcast %broadcast_in_dim3A_78 : f32 to vector<16xf32>
    %swap3A_80 = arith.constant 1 : i32
    %swap3A_81 = arith.index_cast %swap3A_80 : i32 to index
    %swap3A_82 = arith.constant 64 : index
    %swap3A_83 = tpu.vector_load %arg10[%swap3A_81, %swap3A_82] {strides = array<i32>} : memref<16x128xf32, #tpu.memory_space<vmem>>, vector<16xf32>,
    tpu.vector_store %arg10[%swap3A_81, %swap3A_82], %broadcast_in_dim3A_79 {strides = array<i32>} : memref<16x128xf32, #tpu.memory_space<vmem>>, vector<16xf32>,
    %broadcast_in_dim3A_84 = arith.constant 0.000000e+00 : f32
    %broadcast_in_dim3A_85 = vector.broadcast %broadcast_in_dim3A_84 : f32 to vector<16xf32>
    %swap3A_86 = arith.constant 1 : i32
    %swap3A_87 = arith.index_cast %swap3A_86 : i32 to index
    %swap3A_88 = arith.constant 80 : index
    %swap3A_89 = tpu.vector_load %arg10[%swap3A_87, %swap3A_88] {strides = array<i32>} : memref<16x128xf32, #tpu.memory_space<vmem>>, vector<16xf32>,
    tpu.vector_store %arg10[%swap3A_87, %swap3A_88], %broadcast_in_dim3A_85 {strides = array<i32>} : memref<16x128xf32, #tpu.memory_space<vmem>>, vector<16xf32>,
    %broadcast_in_dim3A_90 = arith.constant 0.000000e+00 : f32
    %broadcast_in_dim3A_91 = vector.broadcast %broadcast_in_dim3A_90 : f32 to vector<16xf32>
    %swap3A_92 = arith.constant 1 : i32
    %swap3A_93 = arith.index_cast %swap3A_92 : i32 to index
    %swap3A_94 = arith.constant 96 : index
    %swap3A_95 = tpu.vector_load %arg10[%swap3A_93, %swap3A_94] {strides = array<i32>} : memref<16x128xf32, #tpu.memory_space<vmem>>, vector<16xf32>,
    tpu.vector_store %arg10[%swap3A_93, %swap3A_94], %broadcast_in_dim3A_91 {strides = array<i32>} : memref<16x128xf32, #tpu.memory_space<vmem>>, vector<16xf32>,
    %broadcast_in_dim3A_96 = arith.constant 0.000000e+00 : f32
    %broadcast_in_dim3A_97 = vector.broadcast %broadcast_in_dim3A_96 : f32 to vector<16xf32>
    %swap3A_98 = arith.constant 1 : i32
    %swap3A_99 = arith.index_cast %swap3A_98 : i32 to index
    %swap3A_100 = arith.constant 112 : index
    %swap3A_101 = tpu.vector_load %arg10[%swap3A_99, %swap3A_100] {strides = array<i32>} : memref<16x128xf32, #tpu.memory_space<vmem>>, vector<16xf32>,
    tpu.vector_store %arg10[%swap3A_99, %swap3A_100], %broadcast_in_dim3A_97 {strides = array<i32>} : memref<16x128xf32, #tpu.memory_space<vmem>>, vector<16xf32>,
    %broadcast_in_dim3A_102 = arith.constant 0.000000e+00 : f32
    %broadcast_in_dim3A_103 = vector.broadcast %broadcast_in_dim3A_102 : f32 to vector<16xf32>
    %swap3A_104 = arith.constant 2 : i32
    %swap3A_105 = arith.index_cast %swap3A_104 : i32 to index
    %swap3A_106 = arith.constant 0 : index
    %swap3A_107 = tpu.vector_load %arg10[%swap3A_105, %swap3A_106] {strides = array<i32>} : memref<16x128xf32, #tpu.memory_space<vmem>>, vector<16xf32>,
    tpu.vector_store %arg10[%swap3A_105, %swap3A_106], %broadcast_in_dim3A_103 {strides = array<i32>} : memref<16x128xf32, #tpu.memory_space<vmem>>, vector<16xf32>,
    %broadcast_in_dim3A_108 = arith.constant 0.000000e+00 : f32
    %broadcast_in_dim3A_109 = vector.broadcast %broadcast_in_dim3A_108 : f32 to vector<16xf32>
    %swap3A_110 = arith.constant 2 : i32
    %swap3A_111 = arith.index_cast %swap3A_110 : i32 to index
    %swap3A_112 = arith.constant 16 : index
    %swap3A_113 = tpu.vector_load %arg10[%swap3A_111, %swap3A_112] {strides = array<i32>} : memref<16x128xf32, #tpu.memory_space<vmem>>, vector<16xf32>,
    tpu.vector_store %arg10[%swap3A_111, %swap3A_112], %broadcast_in_dim3A_109 {strides = array<i32>} : memref<16x128xf32, #tpu.memory_space<vmem>>, vector<16xf32>,
    %broadcast_in_dim3A_114 = arith.constant 0.000000e+00 : f32
    %broadcast_in_dim3A_115 = vector.broadcast %broadcast_in_dim3A_114 : f32 to vector<16xf32>
    %swap3A_116 = arith.constant 2 : i32
    %swap3A_117 = arith.index_cast %swap3A_116 : i32 to index
    %swap3A_118 = arith.constant 32 : index
    %swap3A_119 = tpu.vector_load %arg10[%swap3A_117, %swap3A_118] {strides = array<i32>} : memref<16x128xf32, #tpu.memory_space<vmem>>, vector<16xf32>,
    tpu.vector_store %arg10[%swap3A_117, %swap3A_118], %broadcast_in_dim3A_115 {strides = array<i32>} : memref<16x128xf32, #tpu.memory_space<vmem>>, vector<16xf32>,
    %broadcast_in_dim3A_120 = arith.constant 0.000000e+00 : f32
    %broadcast_in_dim3A_121 = vector.broadcast %broadcast_in_dim3A_120 : f32 to vector<16xf32>
    %swap3A_122 = arith.constant 2 : i32
    %swap3A_123 = arith.index_cast %swap3A_122 : i32 to index
    %swap3A_124 = arith.constant 48 : index
    %swap3A_125 = tpu.vector_load %arg10[%swap3A_123, %swap3A_124] {strides = array<i32>} : memref<16x128xf32, #tpu.memory_space<vmem>>, vector<16xf32>,
    tpu.vector_store %arg10[%swap3A_123, %swap3A_124], %broadcast_in_dim3A_121 {strides = array<i32>} : memref<16x128xf32, #tpu.memory_space<vmem>>, vector<16xf32>,
    %broadcast_in_dim3A_126 = arith.constant 0.000000e+00 : f32
    %broadcast_in_dim3A_127 = vector.broadcast %broadcast_in_dim3A_126 : f32 to vector<16xf32>
    %swap3A_128 = arith.constant 2 : i32
    %swap3A_129 = arith.index_cast %swap3A_128 : i32 to index
    %swap3A_130 = arith.constant 64 : index
    %swap3A_131 = tpu.vector_load %arg10[%swap3A_129, %swap3A_130] {strides = array<i32>} : memref<16x128xf32, #tpu.memory_space<vmem>>, vector<16xf32>,
    tpu.vector_store %arg10[%swap3A_129, %swap3A_130], %broadcast_in_dim3A_127 {strides = array<i32>} : memref<16x128xf32, #tpu.memory_space<vmem>>, vector<16xf32>,
    %broadcast_in_dim3A_132 = arith.constant 0.000000e+00 : f32
    %broadcast_in_dim3A_133 = vector.broadcast %broadcast_in_dim3A_132 : f32 to vector<16xf32>
    %swap3A_134 = arith.constant 2 : i32
    %swap3A_135 = arith.index_cast %swap3A_134 : i32 to index
    %swap3A_136 = arith.constant 80 : index
    %swap3A_137 = tpu.vector_load %arg10[%swap3A_135, %swap3A_136] {strides = array<i32>} : memref<16x128xf32, #tpu.memory_space<vmem>>, vector<16xf32>,
    tpu.vector_store %arg10[%swap3A_135, %swap3A_136], %broadcast_in_dim3A_133 {strides = array<i32>} : memref<16x128xf32, #tpu.memory_space<vmem>>, vector<16xf32>,
    %broadcast_in_dim3A_138 = arith.constant 0.000000e+00 : f32
    %broadcast_in_dim3A_139 = vector.broadcast %broadcast_in_dim3A_138 : f32 to vector<16xf32>
    %swap3A_140 = arith.constant 2 : i32
    %swap3A_141 = arith.index_cast %swap3A_140 : i32 to index
    %swap3A_142 = arith.constant 96 : index
    %swap3A_143 = tpu.vector_load %arg10[%swap3A_141, %swap3A_142] {strides = array<i32>} : memref<16x128xf32, #tpu.memory_space<vmem>>, vector<16xf32>,
    tpu.vector_store %arg10[%swap3A_141, %swap3A_142], %broadcast_in_dim3A_139 {strides = array<i32>} : memref<16x128xf32, #tpu.memory_space<vmem>>, vector<16xf32>,
    %broadcast_in_dim3A_144 = arith.constant 0.000000e+00 : f32
    %broadcast_in_dim3A_145 = vector.broadcast %broadcast_in_dim3A_144 : f32 to vector<16xf32>
    %swap3A_146 = arith.constant 2 : i32
    %swap3A_147 = arith.index_cast %swap3A_146 : i32 to index
    %swap3A_148 = arith.constant 112 : index
    %swap3A_149 = tpu.vector_load %arg10[%swap3A_147, %swap3A_148] {strides = array<i32>} : memref<16x128xf32, #tpu.memory_space<vmem>>, vector<16xf32>,
    tpu.vector_store %arg10[%swap3A_147, %swap3A_148], %broadcast_in_dim3A_145 {strides = array<i32>} : memref<16x128xf32, #tpu.memory_space<vmem>>, vector<16xf32>,
    %broadcast_in_dim3A_150 = arith.constant 0.000000e+00 : f32
    %broadcast_in_dim3A_151 = vector.broadcast %broadcast_in_dim3A_150 : f32 to vector<16xf32>
    %swap3A_152 = arith.constant 3 : i32
    %swap3A_153 = arith.index_cast %swap3A_152 : i32 to index
    %swap3A_154 = arith.constant 0 : index
    %swap3A_155 = tpu.vector_load %arg10[%swap3A_153, %swap3A_154] {strides = array<i32>} : memref<16x128xf32, #tpu.memory_space<vmem>>, vector<16xf32>,
    tpu.vector_store %arg10[%swap3A_153, %swap3A_154], %broadcast_in_dim3A_151 {strides = array<i32>} : memref<16x128xf32, #tpu.memory_space<vmem>>, vector<16xf32>,
    %broadcast_in_dim3A_156 = arith.constant 0.000000e+00 : f32
    %broadcast_in_dim3A_157 = vector.broadcast %broadcast_in_dim3A_156 : f32 to vector<16xf32>
    %swap3A_158 = arith.constant 3 : i32
    %swap3A_159 = arith.index_cast %swap3A_158 : i32 to index
    %swap3A_160 = arith.constant 16 : index
    %swap3A_161 = tpu.vector_load %arg10[%swap3A_159, %swap3A_160] {strides = array<i32>} : memref<16x128xf32, #tpu.memory_space<vmem>>, vector<16xf32>,
    tpu.vector_store %arg10[%swap3A_159, %swap3A_160], %broadcast_in_dim3A_157 {strides = array<i32>} : memref<16x128xf32, #tpu.memory_space<vmem>>, vector<16xf32>,
    %broadcast_in_dim3A_162 = arith.constant 0.000000e+00 : f32
    %broadcast_in_dim3A_163 = vector.broadcast %broadcast_in_dim3A_162 : f32 to vector<16xf32>
    %swap3A_164 = arith.constant 3 : i32
    %swap3A_165 = arith.index_cast %swap3A_164 : i32 to index
    %swap3A_166 = arith.constant 32 : index
    %swap3A_167 = tpu.vector_load %arg10[%swap3A_165, %swap3A_166] {strides = array<i32>} : memref<16x128xf32, #tpu.memory_space<vmem>>, vector<16xf32>,
    tpu.vector_store %arg10[%swap3A_165, %swap3A_166], %broadcast_in_dim3A_163 {strides = array<i32>} : memref<16x128xf32, #tpu.memory_space<vmem>>, vector<16xf32>,
    %broadcast_in_dim3A_168 = arith.constant 0.000000e+00 : f32
    %broadcast_in_dim3A_169 = vector.broadcast %broadcast_in_dim3A_168 : f32 to vector<16xf32>
    %swap3A_170 = arith.constant 3 : i32
    %swap3A_171 = arith.index_cast %swap3A_170 : i32 to index
    %swap3A_172 = arith.constant 48 : index
    %swap3A_173 = tpu.vector_load %arg10[%swap3A_171, %swap3A_172] {strides = array<i32>} : memref<16x128xf32, #tpu.memory_space<vmem>>, vector<16xf32>,
    tpu.vector_store %arg10[%swap3A_171, %swap3A_172], %broadcast_in_dim3A_169 {strides = array<i32>} : memref<16x128xf32, #tpu.memory_space<vmem>>, vector<16xf32>,
    %broadcast_in_dim3A_174 = arith.constant 0.000000e+00 : f32
    %broadcast_in_dim3A_175 = vector.broadcast %broadcast_in_dim3A_174 : f32 to vector<16xf32>
    %swap3A_176 = arith.constant 3 : i32
    %swap3A_177 = arith.index_cast %swap3A_176 : i32 to index
    %swap3A_178 = arith.constant 64 : index
    %swap3A_179 = tpu.vector_load %arg10[%swap3A_177, %swap3A_178] {strides = array<i32>} : memref<16x128xf32, #tpu.memory_space<vmem>>, vector<16xf32>,
    tpu.vector_store %arg10[%swap3A_177, %swap3A_178], %broadcast_in_dim3A_175 {strides = array<i32>} : memref<16x128xf32, #tpu.memory_space<vmem>>, vector<16xf32>,
    %broadcast_in_dim3A_180 = arith.constant 0.000000e+00 : f32
    %broadcast_in_dim3A_181 = vector.broadcast %broadcast_in_dim3A_180 : f32 to vector<16xf32>
    %swap3A_182 = arith.constant 3 : i32
    %swap3A_183 = arith.index_cast %swap3A_182 : i32 to index
    %swap3A_184 = arith.constant 80 : index
    %swap3A_185 = tpu.vector_load %arg10[%swap3A_183, %swap3A_184] {strides = array<i32>} : memref<16x128xf32, #tpu.memory_space<vmem>>, vector<16xf32>,
    tpu.vector_store %arg10[%swap3A_183, %swap3A_184], %broadcast_in_dim3A_181 {strides = array<i32>} : memref<16x128xf32, #tpu.memory_space<vmem>>, vector<16xf32>,
    %broadcast_in_dim3A_186 = arith.constant 0.000000e+00 : f32
    %broadcast_in_dim3A_187 = vector.broadcast %broadcast_in_dim3A_186 : f32 to vector<16xf32>
    %swap3A_188 = arith.constant 3 : i32
    %swap3A_189 = arith.index_cast %swap3A_188 : i32 to index
    %swap3A_190 = arith.constant 96 : index
    %swap3A_191 = tpu.vector_load %arg10[%swap3A_189, %swap3A_190] {strides = array<i32>} : memref<16x128xf32, #tpu.memory_space<vmem>>, vector<16xf32>,
    tpu.vector_store %arg10[%swap3A_189, %swap3A_190], %broadcast_in_dim3A_187 {strides = array<i32>} : memref<16x128xf32, #tpu.memory_space<vmem>>, vector<16xf32>,
    %broadcast_in_dim3A_192 = arith.constant 0.000000e+00 : f32
    %broadcast_in_dim3A_193 = vector.broadcast %broadcast_in_dim3A_192 : f32 to vector<16xf32>
    %swap3A_194 = arith.constant 3 : i32
    %swap3A_195 = arith.index_cast %swap3A_194 : i32 to index
    %swap3A_196 = arith.constant 112 : index
    %swap3A_197 = tpu.vector_load %arg10[%swap3A_195, %swap3A_196] {strides = array<i32>} : memref<16x128xf32, #tpu.memory_space<vmem>>, vector<16xf32>,
    tpu.vector_store %arg10[%swap3A_195, %swap3A_196], %broadcast_in_dim3A_193 {strides = array<i32>} : memref<16x128xf32, #tpu.memory_space<vmem>>, vector<16xf32>,
    %broadcast_in_dim3A_198 = arith.constant 0.000000e+00 : f32
    %broadcast_in_dim3A_199 = vector.broadcast %broadcast_in_dim3A_198 : f32 to vector<16xf32>
    %swap3A_200 = arith.constant 4 : i32
    %swap3A_201 = arith.index_cast %swap3A_200 : i32 to index
    %swap3A_202 = arith.constant 0 : index
    %swap3A_203 = tpu.vector_load %arg10[%swap3A_201, %swap3A_202] {strides = array<i32>} : memref<16x128xf32, #tpu.memory_space<vmem>>, vector<16xf32>,
    tpu.vector_store %arg10[%swap3A_201, %swap3A_202], %broadcast_in_dim3A_199 {strides = array<i32>} : memref<16x128xf32, #tpu.memory_space<vmem>>, vector<16xf32>,
    %broadcast_in_dim3A_204 = arith.constant 0.000000e+00 : f32
    %broadcast_in_dim3A_205 = vector.broadcast %broadcast_in_dim3A_204 : f32 to vector<16xf32>
    %swap3A_206 = arith.constant 4 : i32
    %swap3A_207 = arith.index_cast %swap3A_206 : i32 to index
    %swap3A_208 = arith.constant 16 : index
    %swap3A_209 = tpu.vector_load %arg10[%swap3A_207, %swap3A_208] {strides = array<i32>} : memref<16x128xf32, #tpu.memory_space<vmem>>, vector<16xf32>,
    tpu.vector_store %arg10[%swap3A_207, %swap3A_208], %broadcast_in_dim3A_205 {strides = array<i32>} : memref<16x128xf32, #tpu.memory_space<vmem>>, vector<16xf32>,
    %broadcast_in_dim3A_210 = arith.constant 0.000000e+00 : f32
    %broadcast_in_dim3A_211 = vector.broadcast %broadcast_in_dim3A_210 : f32 to vector<16xf32>
    %swap3A_212 = arith.constant 4 : i32
    %swap3A_213 = arith.index_cast %swap3A_212 : i32 to index
    %swap3A_214 = arith.constant 32 : index
    %swap3A_215 = tpu.vector_load %arg10[%swap3A_213, %swap3A_214] {strides = array<i32>} : memref<16x128xf32, #tpu.memory_space<vmem>>, vector<16xf32>,
    tpu.vector_store %arg10[%swap3A_213, %swap3A_214], %broadcast_in_dim3A_211 {strides = array<i32>} : memref<16x128xf32, #tpu.memory_space<vmem>>, vector<16xf32>,
    %broadcast_in_dim3A_216 = arith.constant 0.000000e+00 : f32
    %broadcast_in_dim3A_217 = vector.broadcast %broadcast_in_dim3A_216 : f32 to vector<16xf32>
    %swap3A_218 = arith.constant 4 : i32
    %swap3A_219 = arith.index_cast %swap3A_218 : i32 to index
    %swap3A_220 = arith.constant 48 : index
    %swap3A_221 = tpu.vector_load %arg10[%swap3A_219, %swap3A_220] {strides = array<i32>} : memref<16x128xf32, #tpu.memory_space<vmem>>, vector<16xf32>,
    tpu.vector_store %arg10[%swap3A_219, %swap3A_220], %broadcast_in_dim3A_217 {strides = array<i32>} : memref<16x128xf32, #tpu.memory_space<vmem>>, vector<16xf32>,
    %broadcast_in_dim3A_222 = arith.constant 0.000000e+00 : f32
    %broadcast_in_dim3A_223 = vector.broadcast %broadcast_in_dim3A_222 : f32 to vector<16xf32>
    %swap3A_224 = arith.constant 4 : i32
    %swap3A_225 = arith.index_cast %swap3A_224 : i32 to index
    %swap3A_226 = arith.constant 64 : index
    %swap3A_227 = tpu.vector_load %arg10[%swap3A_225, %swap3A_226] {strides = array<i32>} : memref<16x128xf32, #tpu.memory_space<vmem>>, vector<16xf32>,
    tpu.vector_store %arg10[%swap3A_225, %swap3A_226], %broadcast_in_dim3A_223 {strides = array<i32>} : memref<16x128xf32, #tpu.memory_space<vmem>>, vector<16xf32>,
    %broadcast_in_dim3A_228 = arith.constant 0.000000e+00 : f32
    %broadcast_in_dim3A_229 = vector.broadcast %broadcast_in_dim3A_228 : f32 to vector<16xf32>
    %swap3A_230 = arith.constant 4 : i32
    %swap3A_231 = arith.index_cast %swap3A_230 : i32 to index
    %swap3A_232 = arith.constant 80 : index
    %swap3A_233 = tpu.vector_load %arg10[%swap3A_231, %swap3A_232] {strides = array<i32>} : memref<16x128xf32, #tpu.memory_space<vmem>>, vector<16xf32>,
    tpu.vector_store %arg10[%swap3A_231, %swap3A_232], %broadcast_in_dim3A_229 {strides = array<i32>} : memref<16x128xf32, #tpu.memory_space<vmem>>, vector<16xf32>,
    %broadcast_in_dim3A_234 = arith.constant 0.000000e+00 : f32
    %broadcast_in_dim3A_235 = vector.broadcast %broadcast_in_dim3A_234 : f32 to vector<16xf32>
    %swap3A_236 = arith.constant 4 : i32
    %swap3A_237 = arith.index_cast %swap3A_236 : i32 to index
    %swap3A_238 = arith.constant 96 : index
    %swap3A_239 = tpu.vector_load %arg10[%swap3A_237, %swap3A_238] {strides = array<i32>} : memref<16x128xf32, #tpu.memory_space<vmem>>, vector<16xf32>,
    tpu.vector_store %arg10[%swap3A_237, %swap3A_238], %broadcast_in_dim3A_235 {strides = array<i32>} : memref<16x128xf32, #tpu.memory_space<vmem>>, vector<16xf32>,
    %broadcast_in_dim3A_240 = arith.constant 0.000000e+00 : f32
    %broadcast_in_dim3A_241 = vector.broadcast %broadcast_in_dim3A_240 : f32 to vector<16xf32>
    %swap3A_242 = arith.constant 4 : i32
    %swap3A_243 = arith.index_cast %swap3A_242 : i32 to index
    %swap3A_244 = arith.constant 112 : index
    %swap3A_245 = tpu.vector_load %arg10[%swap3A_243, %swap3A_244] {strides = array<i32>} : memref<16x128xf32, #tpu.memory_space<vmem>>, vector<16xf32>,
    tpu.vector_store %arg10[%swap3A_243, %swap3A_244], %broadcast_in_dim3A_241 {strides = array<i32>} : memref<16x128xf32, #tpu.memory_space<vmem>>, vector<16xf32>,
    %broadcast_in_dim3A_246 = arith.constant 0.000000e+00 : f32
    %broadcast_in_dim3A_247 = vector.broadcast %broadcast_in_dim3A_246 : f32 to vector<16xf32>
    %swap3A_248 = arith.constant 5 : i32
    %swap3A_249 = arith.index_cast %swap3A_248 : i32 to index
    %swap3A_250 = arith.constant 0 : index
    %swap3A_251 = tpu.vector_load %arg10[%swap3A_249, %swap3A_250] {strides = array<i32>} : memref<16x128xf32, #tpu.memory_space<vmem>>, vector<16xf32>,
    tpu.vector_store %arg10[%swap3A_249, %swap3A_250], %broadcast_in_dim3A_247 {strides = array<i32>} : memref<16x128xf32, #tpu.memory_space<vmem>>, vector<16xf32>,
    %broadcast_in_dim3A_252 = arith.constant 0.000000e+00 : f32
    %broadcast_in_dim3A_253 = vector.broadcast %broadcast_in_dim3A_252 : f32 to vector<16xf32>
    %swap3A_254 = arith.constant 5 : i32
    %swap3A_255 = arith.index_cast %swap3A_254 : i32 to index
    %swap3A_256 = arith.constant 16 : index
    %swap3A_257 = tpu.vector_load %arg10[%swap3A_255, %swap3A_256] {strides = array<i32>} : memref<16x128xf32, #tpu.memory_space<vmem>>, vector<16xf32>,
    tpu.vector_store %arg10[%swap3A_255, %swap3A_256], %broadcast_in_dim3A_253 {strides = array<i32>} : memref<16x128xf32, #tpu.memory_space<vmem>>, vector<16xf32>,
    %broadcast_in_dim3A_258 = arith.constant 0.000000e+00 : f32
    %broadcast_in_dim3A_259 = vector.broadcast %broadcast_in_dim3A_258 : f32 to vector<16xf32>
    %swap3A_260 = arith.constant 5 : i32
    %swap3A_261 = arith.index_cast %swap3A_260 : i32 to index
    %swap3A_262 = arith.constant 32 : index
    %swap3A_263 = tpu.vector_load %arg10[%swap3A_261, %swap3A_262] {strides = array<i32>} : memref<16x128xf32, #tpu.memory_space<vmem>>, vector<16xf32>,
    tpu.vector_store %arg10[%swap3A_261, %swap3A_262], %broadcast_in_dim3A_259 {strides = array<i32>} : memref<16x128xf32, #tpu.memory_space<vmem>>, vector<16xf32>,
    %broadcast_in_dim3A_264 = arith.constant 0.000000e+00 : f32
    %broadcast_in_dim3A_265 = vector.broadcast %broadcast_in_dim3A_264 : f32 to vector<16xf32>
    %swap3A_266 = arith.constant 5 : i32
    %swap3A_267 = arith.index_cast %swap3A_266 : i32 to index
    %swap3A_268 = arith.constant 48 : index
    %swap3A_269 = tpu.vector_load %arg10[%swap3A_267, %swap3A_268] {strides = array<i32>} : memref<16x128xf32, #tpu.memory_space<vmem>>, vector<16xf32>,
    tpu.vector_store %arg10[%swap3A_267, %swap3A_268], %broadcast_in_dim3A_265 {strides = array<i32>} : memref<16x128xf32, #tpu.memory_space<vmem>>, vector<16xf32>,
    %broadcast_in_dim3A_270 = arith.constant 0.000000e+00 : f32
    %broadcast_in_dim3A_271 = vector.broadcast %broadcast_in_dim3A_270 : f32 to vector<16xf32>
    %swap3A_272 = arith.constant 5 : i32
    %swap3A_273 = arith.index_cast %swap3A_272 : i32 to index
    %swap3A_274 = arith.constant 64 : index
    %swap3A_275 = tpu.vector_load %arg10[%swap3A_273, %swap3A_274] {strides = array<i32>} : memref<16x128xf32, #tpu.memory_space<vmem>>, vector<16xf32>,
    tpu.vector_store %arg10[%swap3A_273, %swap3A_274], %broadcast_in_dim3A_271 {strides = array<i32>} : memref<16x128xf32, #tpu.memory_space<vmem>>, vector<16xf32>,
    %broadcast_in_dim3A_276 = arith.constant 0.000000e+00 : f32
    %broadcast_in_dim3A_277 = vector.broadcast %broadcast_in_dim3A_276 : f32 to vector<16xf32>
    %swap3A_278 = arith.constant 5 : i32
    %swap3A_279 = arith.index_cast %swap3A_278 : i32 to index
    %swap3A_280 = arith.constant 80 : index
    %swap3A_281 = tpu.vector_load %arg10[%swap3A_279, %swap3A_280] {strides = array<i32>} : memref<16x128xf32, #tpu.memory_space<vmem>>, vector<16xf32>,
    tpu.vector_store %arg10[%swap3A_279, %swap3A_280], %broadcast_in_dim3A_277 {strides = array<i32>} : memref<16x128xf32, #tpu.memory_space<vmem>>, vector<16xf32>,
    %broadcast_in_dim3A_282 = arith.constant 0.000000e+00 : f32
    %broadcast_in_dim3A_283 = vector.broadcast %broadcast_in_dim3A_282 : f32 to vector<16xf32>
    %swap3A_284 = arith.constant 5 : i32
    %swap3A_285 = arith.index_cast %swap3A_284 : i32 to index
    %swap3A_286 = arith.constant 96 : index
    %swap3A_287 = tpu.vector_load %arg10[%swap3A_285, %swap3A_286] {strides = array<i32>} : memref<16x128xf32, #tpu.memory_space<vmem>>, vector<16xf32>,
    tpu.vector_store %arg10[%swap3A_285, %swap3A_286], %broadcast_in_dim3A_283 {strides = array<i32>} : memref<16x128xf32, #tpu.memory_space<vmem>>, vector<16xf32>,
    %broadcast_in_dim3A_288 = arith.constant 0.000000e+00 : f32
    %broadcast_in_dim3A_289 = vector.broadcast %broadcast_in_dim3A_288 : f32 to vector<16xf32>
    %swap3A_290 = arith.constant 5 : i32
    %swap3A_291 = arith.index_cast %swap3A_290 : i32 to index
    %swap3A_292 = arith.constant 112 : index
    %swap3A_293 = tpu.vector_load %arg10[%swap3A_291, %swap3A_292] {strides = array<i32>} : memref<16x128xf32, #tpu.memory_space<vmem>>, vector<16xf32>,
    tpu.vector_store %arg10[%swap3A_291, %swap3A_292], %broadcast_in_dim3A_289 {strides = array<i32>} : memref<16x128xf32, #tpu.memory_space<vmem>>, vector<16xf32>,
    %broadcast_in_dim3A_294 = arith.constant 0.000000e+00 : f32
    %broadcast_in_dim3A_295 = vector.broadcast %broadcast_in_dim3A_294 : f32 to vector<16xf32>
    %swap3A_296 = arith.constant 6 : i32
    %swap3A_297 = arith.index_cast %swap3A_296 : i32 to index
    %swap3A_298 = arith.constant 0 : index
    %swap3A_299 = tpu.vector_load %arg10[%swap3A_297, %swap3A_298] {strides = array<i32>} : memref<16x128xf32, #tpu.memory_space<vmem>>, vector<16xf32>,
    tpu.vector_store %arg10[%swap3A_297, %swap3A_298], %broadcast_in_dim3A_295 {strides = array<i32>} : memref<16x128xf32, #tpu.memory_space<vmem>>, vector<16xf32>,
    %broadcast_in_dim3A_300 = arith.constant 0.000000e+00 : f32
    %broadcast_in_dim3A_301 = vector.broadcast %broadcast_in_dim3A_300 : f32 to vector<16xf32>
    %swap3A_302 = arith.constant 6 : i32
    %swap3A_303 = arith.index_cast %swap3A_302 : i32 to index
    %swap3A_304 = arith.constant 16 : index
    %swap3A_305 = tpu.vector_load %arg10[%swap3A_303, %swap3A_304] {strides = array<i32>} : memref<16x128xf32, #tpu.memory_space<vmem>>, vector<16xf32>,
    tpu.vector_store %arg10[%swap3A_303, %swap3A_304], %broadcast_in_dim3A_301 {strides = array<i32>} : memref<16x128xf32, #tpu.memory_space<vmem>>, vector<16xf32>,
    %broadcast_in_dim3A_306 = arith.constant 0.000000e+00 : f32
    %broadcast_in_dim3A_307 = vector.broadcast %broadcast_in_dim3A_306 : f32 to vector<16xf32>
    %swap3A_308 = arith.constant 6 : i32
    %swap3A_309 = arith.index_cast %swap3A_308 : i32 to index
    %swap3A_310 = arith.constant 32 : index
    %swap3A_311 = tpu.vector_load %arg10[%swap3A_309, %swap3A_310] {strides = array<i32>} : memref<16x128xf32, #tpu.memory_space<vmem>>, vector<16xf32>,
    tpu.vector_store %arg10[%swap3A_309, %swap3A_310], %broadcast_in_dim3A_307 {strides = array<i32>} : memref<16x128xf32, #tpu.memory_space<vmem>>, vector<16xf32>,
    %broadcast_in_dim3A_312 = arith.constant 0.000000e+00 : f32
    %broadcast_in_dim3A_313 = vector.broadcast %broadcast_in_dim3A_312 : f32 to vector<16xf32>
    %swap3A_314 = arith.constant 6 : i32
    %swap3A_315 = arith.index_cast %swap3A_314 : i32 to index
    %swap3A_316 = arith.constant 48 : index
    %swap3A_317 = tpu.vector_load %arg10[%swap3A_315, %swap3A_316] {strides = array<i32>} : memref<16x128xf32, #tpu.memory_space<vmem>>, vector<16xf32>,
    tpu.vector_store %arg10[%swap3A_315, %swap3A_316], %broadcast_in_dim3A_313 {strides = array<i32>} : memref<16x128xf32, #tpu.memory_space<vmem>>, vector<16xf32>,
    %broadcast_in_dim3A_318 = arith.constant 0.000000e+00 : f32
    %broadcast_in_dim3A_319 = vector.broadcast %broadcast_in_dim3A_318 : f32 to vector<16xf32>
    %swap3A_320 = arith.constant 6 : i32
    %swap3A_321 = arith.index_cast %swap3A_320 : i32 to index
    %swap3A_322 = arith.constant 64 : index
    %swap3A_323 = tpu.vector_load %arg10[%swap3A_321, %swap3A_322] {strides = array<i32>} : memref<16x128xf32, #tpu.memory_space<vmem>>, vector<16xf32>,
    tpu.vector_store %arg10[%swap3A_321, %swap3A_322], %broadcast_in_dim3A_319 {strides = array<i32>} : memref<16x128xf32, #tpu.memory_space<vmem>>, vector<16xf32>,
    %broadcast_in_dim3A_324 = arith.constant 0.000000e+00 : f32
    %broadcast_in_dim3A_325 = vector.broadcast %broadcast_in_dim3A_324 : f32 to vector<16xf32>
    %swap3A_326 = arith.constant 6 : i32
    %swap3A_327 = arith.index_cast %swap3A_326 : i32 to index
    %swap3A_328 = arith.constant 80 : index
    %swap3A_329 = tpu.vector_load %arg10[%swap3A_327, %swap3A_328] {strides = array<i32>} : memref<16x128xf32, #tpu.memory_space<vmem>>, vector<16xf32>,
    tpu.vector_store %arg10[%swap3A_327, %swap3A_328], %broadcast_in_dim3A_325 {strides = array<i32>} : memref<16x128xf32, #tpu.memory_space<vmem>>, vector<16xf32>,
    %broadcast_in_dim3A_330 = arith.constant 0.000000e+00 : f32
    %broadcast_in_dim3A_331 = vector.broadcast %broadcast_in_dim3A_330 : f32 to vector<16xf32>
    %swap3A_332 = arith.constant 6 : i32
    %swap3A_333 = arith.index_cast %swap3A_332 : i32 to index
    %swap3A_334 = arith.constant 96 : index
    %swap3A_335 = tpu.vector_load %arg10[%swap3A_333, %swap3A_334] {strides = array<i32>} : memref<16x128xf32, #tpu.memory_space<vmem>>, vector<16xf32>,
    tpu.vector_store %arg10[%swap3A_333, %swap3A_334], %broadcast_in_dim3A_331 {strides = array<i32>} : memref<16x128xf32, #tpu.memory_space<vmem>>, vector<16xf32>,
    %broadcast_in_dim3A_336 = arith.constant 0.000000e+00 : f32
    %broadcast_in_dim3A_337 = vector.broadcast %broadcast_in_dim3A_336 : f32 to vector<16xf32>
    %swap3A_338 = arith.constant 6 : i32
    %swap3A_339 = arith.index_cast %swap3A_338 : i32 to index
    %swap3A_340 = arith.constant 112 : index
    %swap3A_341 = tpu.vector_load %arg10[%swap3A_339, %swap3A_340] {strides = array<i32>} : memref<16x128xf32, #tpu.memory_space<vmem>>, vector<16xf32>,
    tpu.vector_store %arg10[%swap3A_339, %swap3A_340], %broadcast_in_dim3A_337 {strides = array<i32>} : memref<16x128xf32, #tpu.memory_space<vmem>>, vector<16xf32>,
    %broadcast_in_dim3A_342 = arith.constant 0.000000e+00 : f32
    %broadcast_in_dim3A_343 = vector.broadcast %broadcast_in_dim3A_342 : f32 to vector<16xf32>
    %swap3A_344 = arith.constant 7 : i32
    %swap3A_345 = arith.index_cast %swap3A_344 : i32 to index
    %swap3A_346 = arith.constant 0 : index
    %swap3A_347 = tpu.vector_load %arg10[%swap3A_345, %swap3A_346] {strides = array<i32>} : memref<16x128xf32, #tpu.memory_space<vmem>>, vector<16xf32>,
    tpu.vector_store %arg10[%swap3A_345, %swap3A_346], %broadcast_in_dim3A_343 {strides = array<i32>} : memref<16x128xf32, #tpu.memory_space<vmem>>, vector<16xf32>,
    %broadcast_in_dim3A_348 = arith.constant 0.000000e+00 : f32
    %broadcast_in_dim3A_349 = vector.broadcast %broadcast_in_dim3A_348 : f32 to vector<16xf32>
    %swap3A_350 = arith.constant 7 : i32
    %swap3A_351 = arith.index_cast %swap3A_350 : i32 to index
    %swap3A_352 = arith.constant 16 : index
    %swap3A_353 = tpu.vector_load %arg10[%swap3A_351, %swap3A_352] {strides = array<i32>} : memref<16x128xf32, #tpu.memory_space<vmem>>, vector<16xf32>,
    tpu.vector_store %arg10[%swap3A_351, %swap3A_352], %broadcast_in_dim3A_349 {strides = array<i32>} : memref<16x128xf32, #tpu.memory_space<vmem>>, vector<16xf32>,
    %broadcast_in_dim3A_354 = arith.constant 0.000000e+00 : f32
    %broadcast_in_dim3A_355 = vector.broadcast %broadcast_in_dim3A_354 : f32 to vector<16xf32>
    %swap3A_356 = arith.constant 7 : i32
    %swap3A_357 = arith.index_cast %swap3A_356 : i32 to index
    %swap3A_358 = arith.constant 32 : index
    %swap3A_359 = tpu.vector_load %arg10[%swap3A_357, %swap3A_358] {strides = array<i32>} : memref<16x128xf32, #tpu.memory_space<vmem>>, vector<16xf32>,
    tpu.vector_store %arg10[%swap3A_357, %swap3A_358], %broadcast_in_dim3A_355 {strides = array<i32>} : memref<16x128xf32, #tpu.memory_space<vmem>>, vector<16xf32>,
    %broadcast_in_dim3A_360 = arith.constant 0.000000e+00 : f32
    %broadcast_in_dim3A_361 = vector.broadcast %broadcast_in_dim3A_360 : f32 to vector<16xf32>
    %swap3A_362 = arith.constant 7 : i32
    %swap3A_363 = arith.index_cast %swap3A_362 : i32 to index
    %swap3A_364 = arith.constant 48 : index
    %swap3A_365 = tpu.vector_load %arg10[%swap3A_363, %swap3A_364] {strides = array<i32>} : memref<16x128xf32, #tpu.memory_space<vmem>>, vector<16xf32>,
    tpu.vector_store %arg10[%swap3A_363, %swap3A_364], %broadcast_in_dim3A_361 {strides = array<i32>} : memref<16x128xf32, #tpu.memory_space<vmem>>, vector<16xf32>,
    %broadcast_in_dim3A_366 = arith.constant 0.000000e+00 : f32
    %broadcast_in_dim3A_367 = vector.broadcast %broadcast_in_dim3A_366 : f32 to vector<16xf32>
    %swap3A_368 = arith.constant 7 : i32
    %swap3A_369 = arith.index_cast %swap3A_368 : i32 to index
    %swap3A_370 = arith.constant 64 : index
    %swap3A_371 = tpu.vector_load %arg10[%swap3A_369, %swap3A_370] {strides = array<i32>} : memref<16x128xf32, #tpu.memory_space<vmem>>, vector<16xf32>,
    tpu.vector_store %arg10[%swap3A_369, %swap3A_370], %broadcast_in_dim3A_367 {strides = array<i32>} : memref<16x128xf32, #tpu.memory_space<vmem>>, vector<16xf32>,
    %broadcast_in_dim3A_372 = arith.constant 0.000000e+00 : f32
    %broadcast_in_dim3A_373 = vector.broadcast %broadcast_in_dim3A_372 : f32 to vector<16xf32>
    %swap3A_374 = arith.constant 7 : i32
    %swap3A_375 = arith.index_cast %swap3A_374 : i32 to index
    %swap3A_376 = arith.constant 80 : index
    %swap3A_377 = tpu.vector_load %arg10[%swap3A_375, %swap3A_376] {strides = array<i32>} : memref<16x128xf32, #tpu.memory_space<vmem>>, vector<16xf32>,
    tpu.vector_store %arg10[%swap3A_375, %swap3A_376], %broadcast_in_dim3A_373 {strides = array<i32>} : memref<16x128xf32, #tpu.memory_space<vmem>>, vector<16xf32>,
    %broadcast_in_dim3A_378 = arith.constant 0.000000e+00 : f32
    %broadcast_in_dim3A_379 = vector.broadcast %broadcast_in_dim3A_378 : f32 to vector<16xf32>
    %swap3A_380 = arith.constant 7 : i32
    %swap3A_381 = arith.index_cast %swap3A_380 : i32 to index
    %swap3A_382 = arith.constant 96 : index
    %swap3A_383 = tpu.vector_load %arg10[%swap3A_381, %swap3A_382] {strides = array<i32>} : memref<16x128xf32, #tpu.memory_space<vmem>>, vector<16xf32>,
    tpu.vector_store %arg10[%swap3A_381, %swap3A_382], %broadcast_in_dim3A_379 {strides = array<i32>} : memref<16x128xf32, #tpu.memory_space<vmem>>, vector<16xf32>,
    %broadcast_in_dim3A_384 = arith.constant 0.000000e+00 : f32
    %broadcast_in_dim3A_385 = vector.broadcast %broadcast_in_dim3A_384 : f32 to vector<16xf32>
    %swap3A_386 = arith.constant 7 : i32
    %swap3A_387 = arith.index_cast %swap3A_386 : i32 to index
    %swap3A_388 = arith.constant 112 : index
    %swap3A_389 = tpu.vector_load %arg10[%swap3A_387, %swap3A_388] {strides = array<i32>} : memref<16x128xf32, #tpu.memory_space<vmem>>, vector<16xf32>,
    tpu.vector_store %arg10[%swap3A_387, %swap3A_388], %broadcast_in_dim3A_385 {strides = array<i32>} : memref<16x128xf32, #tpu.memory_space<vmem>>, vector<16xf32>,
    %broadcast_in_dim3A_390 = arith.constant 0.000000e+00 : f32
    %broadcast_in_dim3A_391 = vector.broadcast %broadcast_in_dim3A_390 : f32 to vector<16xf32>
    %swap3A_392 = arith.constant 8 : i32
    %swap3A_393 = arith.index_cast %swap3A_392 : i32 to index
    %swap3A_394 = arith.constant 0 : index
    %swap3A_395 = tpu.vector_load %arg10[%swap3A_393, %swap3A_394] {strides = array<i32>} : memref<16x128xf32, #tpu.memory_space<vmem>>, vector<16xf32>,
    tpu.vector_store %arg10[%swap3A_393, %swap3A_394], %broadcast_in_dim3A_391 {strides = array<i32>} : memref<16x128xf32, #tpu.memory_space<vmem>>, vector<16xf32>,
    %broadcast_in_dim3A_396 = arith.constant 0.000000e+00 : f32
    %broadcast_in_dim3A_397 = vector.broadcast %broadcast_in_dim3A_396 : f32 to vector<16xf32>
    %swap3A_398 = arith.constant 8 : i32
    %swap3A_399 = arith.index_cast %swap3A_398 : i32 to index
    %swap3A_400 = arith.constant 16 : index
    %swap3A_401 = tpu.vector_load %arg10[%swap3A_399, %swap3A_400] {strides = array<i32>} : memref<16x128xf32, #tpu.memory_space<vmem>>, vector<16xf32>,
    tpu.vector_store %arg10[%swap3A_399, %swap3A_400], %broadcast_in_dim3A_397 {strides = array<i32>} : memref<16x128xf32, #tpu.memory_space<vmem>>, vector<16xf32>,
    %broadcast_in_dim3A_402 = arith.constant 0.000000e+00 : f32
    %broadcast_in_dim3A_403 = vector.broadcast %broadcast_in_dim3A_402 : f32 to vector<16xf32>
    %swap3A_404 = arith.constant 8 : i32
    %swap3A_405 = arith.index_cast %swap3A_404 : i32 to index
    %swap3A_406 = arith.constant 32 : index
    %swap3A_407 = tpu.vector_load %arg10[%swap3A_405, %swap3A_406] {strides = array<i32>} : memref<16x128xf32, #tpu.memory_space<vmem>>, vector<16xf32>,
    tpu.vector_store %arg10[%swap3A_405, %swap3A_406], %broadcast_in_dim3A_403 {strides = array<i32>} : memref<16x128xf32, #tpu.memory_space<vmem>>, vector<16xf32>,
    %broadcast_in_dim3A_408 = arith.constant 0.000000e+00 : f32
    %broadcast_in_dim3A_409 = vector.broadcast %broadcast_in_dim3A_408 : f32 to vector<16xf32>
    %swap3A_410 = arith.constant 8 : i32
    %swap3A_411 = arith.index_cast %swap3A_410 : i32 to index
    %swap3A_412 = arith.constant 48 : index
    %swap3A_413 = tpu.vector_load %arg10[%swap3A_411, %swap3A_412] {strides = array<i32>} : memref<16x128xf32, #tpu.memory_space<vmem>>, vector<16xf32>,
    tpu.vector_store %arg10[%swap3A_411, %swap3A_412], %broadcast_in_dim3A_409 {strides = array<i32>} : memref<16x128xf32, #tpu.memory_space<vmem>>, vector<16xf32>,
    %broadcast_in_dim3A_414 = arith.constant 0.000000e+00 : f32
    %broadcast_in_dim3A_415 = vector.broadcast %broadcast_in_dim3A_414 : f32 to vector<16xf32>
    %swap3A_416 = arith.constant 8 : i32
    %swap3A_417 = arith.index_cast %swap3A_416 : i32 to index
    %swap3A_418 = arith.constant 64 : index
    %swap3A_419 = tpu.vector_load %arg10[%swap3A_417, %swap3A_418] {strides = array<i32>} : memref<16x128xf32, #tpu.memory_space<vmem>>, vector<16xf32>,
    tpu.vector_store %arg10[%swap3A_417, %swap3A_418], %broadcast_in_dim3A_415 {strides = array<i32>} : memref<16x128xf32, #tpu.memory_space<vmem>>, vector<16xf32>,
    %broadcast_in_dim3A_420 = arith.constant 0.000000e+00 : f32
    %broadcast_in_dim3A_421 = vector.broadcast %broadcast_in_dim3A_420 : f32 to vector<16xf32>
    %swap3A_422 = arith.constant 8 : i32
    %swap3A_423 = arith.index_cast %swap3A_422 : i32 to index
    %swap3A_424 = arith.constant 80 : index
    %swap3A_425 = tpu.vector_load %arg10[%swap3A_423, %swap3A_424] {strides = array<i32>} : memref<16x128xf32, #tpu.memory_space<vmem>>, vector<16xf32>,
    tpu.vector_store %arg10[%swap3A_423, %swap3A_424], %broadcast_in_dim3A_421 {strides = array<i32>} : memref<16x128xf32, #tpu.memory_space<vmem>>, vector<16xf32>,
    %broadcast_in_dim3A_426 = arith.constant 0.000000e+00 : f32
    %broadcast_in_dim3A_427 = vector.broadcast %broadcast_in_dim3A_426 : f32 to vector<16xf32>
    %swap3A_428 = arith.constant 8 : i32
    %swap3A_429 = arith.index_cast %swap3A_428 : i32 to index
    %swap3A_430 = arith.constant 96 : index
    %swap3A_431 = tpu.vector_load %arg10[%swap3A_429, %swap3A_430] {strides = array<i32>} : memref<16x128xf32, #tpu.memory_space<vmem>>, vector<16xf32>,
    tpu.vector_store %arg10[%swap3A_429, %swap3A_430], %broadcast_in_dim3A_427 {strides = array<i32>} : memref<16x128xf32, #tpu.memory_space<vmem>>, vector<16xf32>,
    %broadcast_in_dim3A_432 = arith.constant 0.000000e+00 : f32
    %broadcast_in_dim3A_433 = vector.broadcast %broadcast_in_dim3A_432 : f32 to vector<16xf32>
    %swap3A_434 = arith.constant 8 : i32
    %swap3A_435 = arith.index_cast %swap3A_434 : i32 to index
    %swap3A_436 = arith.constant 112 : index
    %swap3A_437 = tpu.vector_load %arg10[%swap3A_435, %swap3A_436] {strides = array<i32>} : memref<16x128xf32, #tpu.memory_space<vmem>>, vector<16xf32>,
    tpu.vector_store %arg10[%swap3A_435, %swap3A_436], %broadcast_in_dim3A_433 {strides = array<i32>} : memref<16x128xf32, #tpu.memory_space<vmem>>, vector<16xf32>,
    %broadcast_in_dim3A_438 = arith.constant 0.000000e+00 : f32
    %broadcast_in_dim3A_439 = vector.broadcast %broadcast_in_dim3A_438 : f32 to vector<16xf32>
    %swap3A_440 = arith.constant 9 : i32
    %swap3A_441 = arith.index_cast %swap3A_440 : i32 to index
    %swap3A_442 = arith.constant 0 : index
    %swap3A_443 = tpu.vector_load %arg10[%swap3A_441, %swap3A_442] {strides = array<i32>} : memref<16x128xf32, #tpu.memory_space<vmem>>, vector<16xf32>,
    tpu.vector_store %arg10[%swap3A_441, %swap3A_442], %broadcast_in_dim3A_439 {strides = array<i32>} : memref<16x128xf32, #tpu.memory_space<vmem>>, vector<16xf32>,
    %broadcast_in_dim3A_444 = arith.constant 0.000000e+00 : f32
    %broadcast_in_dim3A_445 = vector.broadcast %broadcast_in_dim3A_444 : f32 to vector<16xf32>
    %swap3A_446 = arith.constant 9 : i32
    %swap3A_447 = arith.index_cast %swap3A_446 : i32 to index
    %swap3A_448 = arith.constant 16 : index
    %swap3A_449 = tpu.vector_load %arg10[%swap3A_447, %swap3A_448] {strides = array<i32>} : memref<16x128xf32, #tpu.memory_space<vmem>>, vector<16xf32>,
    tpu.vector_store %arg10[%swap3A_447, %swap3A_448], %broadcast_in_dim3A_445 {strides = array<i32>} : memref<16x128xf32, #tpu.memory_space<vmem>>, vector<16xf32>,
    %broadcast_in_dim3A_450 = arith.constant 0.000000e+00 : f32
    %broadcast_in_dim3A_451 = vector.broadcast %broadcast_in_dim3A_450 : f32 to vector<16xf32>
    %swap3A_452 = arith.constant 9 : i32
    %swap3A_453 = arith.index_cast %swap3A_452 : i32 to index
    %swap3A_454 = arith.constant 32 : index
    %swap3A_455 = tpu.vector_load %arg10[%swap3A_453, %swap3A_454] {strides = array<i32>} : memref<16x128xf32, #tpu.memory_space<vmem>>, vector<16xf32>,
    tpu.vector_store %arg10[%swap3A_453, %swap3A_454], %broadcast_in_dim3A_451 {strides = array<i32>} : memref<16x128xf32, #tpu.memory_space<vmem>>, vector<16xf32>,
    %broadcast_in_dim3A_456 = arith.constant 0.000000e+00 : f32
    %broadcast_in_dim3A_457 = vector.broadcast %broadcast_in_dim3A_456 : f32 to vector<16xf32>
    %swap3A_458 = arith.constant 9 : i32
    %swap3A_459 = arith.index_cast %swap3A_458 : i32 to index
    %swap3A_460 = arith.constant 48 : index
    %swap3A_461 = tpu.vector_load %arg10[%swap3A_459, %swap3A_460] {strides = array<i32>} : memref<16x128xf32, #tpu.memory_space<vmem>>, vector<16xf32>,
    tpu.vector_store %arg10[%swap3A_459, %swap3A_460], %broadcast_in_dim3A_457 {strides = array<i32>} : memref<16x128xf32, #tpu.memory_space<vmem>>, vector<16xf32>,
    %broadcast_in_dim3A_462 = arith.constant 0.000000e+00 : f32
    %broadcast_in_dim3A_463 = vector.broadcast %broadcast_in_dim3A_462 : f32 to vector<16xf32>
    %swap3A_464 = arith.constant 9 : i32
    %swap3A_465 = arith.index_cast %swap3A_464 : i32 to index
    %swap3A_466 = arith.constant 64 : index
    %swap3A_467 = tpu.vector_load %arg10[%swap3A_465, %swap3A_466] {strides = array<i32>} : memref<16x128xf32, #tpu.memory_space<vmem>>, vector<16xf32>,
    tpu.vector_store %arg10[%swap3A_465, %swap3A_466], %broadcast_in_dim3A_463 {strides = array<i32>} : memref<16x128xf32, #tpu.memory_space<vmem>>, vector<16xf32>,
    %broadcast_in_dim3A_468 = arith.constant 0.000000e+00 : f32
    %broadcast_in_dim3A_469 = vector.broadcast %broadcast_in_dim3A_468 : f32 to vector<16xf32>
    %swap3A_470 = arith.constant 9 : i32
    %swap3A_471 = arith.index_cast %swap3A_470 : i32 to index
    %swap3A_472 = arith.constant 80 : index
    %swap3A_473 = tpu.vector_load %arg10[%swap3A_471, %swap3A_472] {strides = array<i32>} : memref<16x128xf32, #tpu.memory_space<vmem>>, vector<16xf32>,
    tpu.vector_store %arg10[%swap3A_471, %swap3A_472], %broadcast_in_dim3A_469 {strides = array<i32>} : memref<16x128xf32, #tpu.memory_space<vmem>>, vector<16xf32>,
    %broadcast_in_dim3A_474 = arith.constant 0.000000e+00 : f32
    %broadcast_in_dim3A_475 = vector.broadcast %broadcast_in_dim3A_474 : f32 to vector<16xf32>
    %swap3A_476 = arith.constant 9 : i32
    %swap3A_477 = arith.index_cast %swap3A_476 : i32 to index
    %swap3A_478 = arith.constant 96 : index
    %swap3A_479 = tpu.vector_load %arg10[%swap3A_477, %swap3A_478] {strides = array<i32>} : memref<16x128xf32, #tpu.memory_space<vmem>>, vector<16xf32>,
    tpu.vector_store %arg10[%swap3A_477, %swap3A_478], %broadcast_in_dim3A_475 {strides = array<i32>} : memref<16x128xf32, #tpu.memory_space<vmem>>, vector<16xf32>,
    %broadcast_in_dim3A_480 = arith.constant 0.000000e+00 : f32
    %broadcast_in_dim3A_481 = vector.broadcast %broadcast_in_dim3A_480 : f32 to vector<16xf32>
    %swap3A_482 = arith.constant 9 : i32
    %swap3A_483 = arith.index_cast %swap3A_482 : i32 to index
    %swap3A_484 = arith.constant 112 : index
    %swap3A_485 = tpu.vector_load %arg10[%swap3A_483, %swap3A_484] {strides = array<i32>} : memref<16x128xf32, #tpu.memory_space<vmem>>, vector<16xf32>,
    tpu.vector_store %arg10[%swap3A_483, %swap3A_484], %broadcast_in_dim3A_481 {strides = array<i32>} : memref<16x128xf32, #tpu.memory_space<vmem>>, vector<16xf32>,
    %broadcast_in_dim3A_486 = arith.constant 0.000000e+00 : f32
    %broadcast_in_dim3A_487 = vector.broadcast %broadcast_in_dim3A_486 : f32 to vector<16xf32>
    %swap3A_488 = arith.constant 10 : i32
    %swap3A_489 = arith.index_cast %swap3A_488 : i32 to index
    %swap3A_490 = arith.constant 0 : index
    %swap3A_491 = tpu.vector_load %arg10[%swap3A_489, %swap3A_490] {strides = array<i32>} : memref<16x128xf32, #tpu.memory_space<vmem>>, vector<16xf32>,
    tpu.vector_store %arg10[%swap3A_489, %swap3A_490], %broadcast_in_dim3A_487 {strides = array<i32>} : memref<16x128xf32, #tpu.memory_space<vmem>>, vector<16xf32>,
    %broadcast_in_dim3A_492 = arith.constant 0.000000e+00 : f32
    %broadcast_in_dim3A_493 = vector.broadcast %broadcast_in_dim3A_492 : f32 to vector<16xf32>
    %swap3A_494 = arith.constant 10 : i32
    %swap3A_495 = arith.index_cast %swap3A_494 : i32 to index
    %swap3A_496 = arith.constant 16 : index
    %swap3A_497 = tpu.vector_load %arg10[%swap3A_495, %swap3A_496] {strides = array<i32>} : memref<16x128xf32, #tpu.memory_space<vmem>>, vector<16xf32>,
    tpu.vector_store %arg10[%swap3A_495, %swap3A_496], %broadcast_in_dim3A_493 {strides = array<i32>} : memref<16x128xf32, #tpu.memory_space<vmem>>, vector<16xf32>,
    %broadcast_in_dim3A_498 = arith.constant 0.000000e+00 : f32
    %broadcast_in_dim3A_499 = vector.broadcast %broadcast_in_dim3A_498 : f32 to vector<16xf32>
    %swap3A_500 = arith.constant 10 : i32
    %swap3A_501 = arith.index_cast %swap3A_500 : i32 to index
    %swap3A_502 = arith.constant 32 : index
    %swap3A_503 = tpu.vector_load %arg10[%swap3A_501, %swap3A_502] {strides = array<i32>} : memref<16x128xf32, #tpu.memory_space<vmem>>, vector<16xf32>,
    tpu.vector_store %arg10[%swap3A_501, %swap3A_502], %broadcast_in_dim3A_499 {strides = array<i32>} : memref<16x128xf32, #tpu.memory_space<vmem>>, vector<16xf32>,
    %broadcast_in_dim3A_504 = arith.constant 0.000000e+00 : f32
    %broadcast_in_dim3A_505 = vector.broadcast %broadcast_in_dim3A_504 : f32 to vector<16xf32>
    %swap3A_506 = arith.constant 10 : i32
    %swap3A_507 = arith.index_cast %swap3A_506 : i32 to index
    %swap3A_508 = arith.constant 48 : index
    %swap3A_509 = tpu.vector_load %arg10[%swap3A_507, %swap3A_508] {strides = array<i32>} : memref<16x128xf32, #tpu.memory_space<vmem>>, vector<16xf32>,
    tpu.vector_store %arg10[%swap3A_507, %swap3A_508], %broadcast_in_dim3A_505 {strides = array<i32>} : memref<16x128xf32, #tpu.memory_space<vmem>>, vector<16xf32>,
    %broadcast_in_dim3A_510 = arith.constant 0.000000e+00 : f32
    %broadcast_in_dim3A_511 = vector.broadcast %broadcast_in_dim3A_510 : f32 to vector<16xf32>
    %swap3A_512 = arith.constant 10 : i32
    %swap3A_513 = arith.index_cast %swap3A_512 : i32 to index
    %swap3A_514 = arith.constant 64 : index
    %swap3A_515 = tpu.vector_load %arg10[%swap3A_513, %swap3A_514] {strides = array<i32>} : memref<16x128xf32, #tpu.memory_space<vmem>>, vector<16xf32>,
    tpu.vector_store %arg10[%swap3A_513, %swap3A_514], %broadcast_in_dim3A_511 {strides = array<i32>} : memref<16x128xf32, #tpu.memory_space<vmem>>, vector<16xf32>,
    %broadcast_in_dim3A_516 = arith.constant 0.000000e+00 : f32
    %broadcast_in_dim3A_517 = vector.broadcast %broadcast_in_dim3A_516 : f32 to vector<16xf32>
    %swap3A_518 = arith.constant 10 : i32
    %swap3A_519 = arith.index_cast %swap3A_518 : i32 to index
    %swap3A_520 = arith.constant 80 : index
    %swap3A_521 = tpu.vector_load %arg10[%swap3A_519, %swap3A_520] {strides = array<i32>} : memref<16x128xf32, #tpu.memory_space<vmem>>, vector<16xf32>,
    tpu.vector_store %arg10[%swap3A_519, %swap3A_520], %broadcast_in_dim3A_517 {strides = array<i32>} : memref<16x128xf32, #tpu.memory_space<vmem>>, vector<16xf32>,
    %broadcast_in_dim3A_522 = arith.constant 0.000000e+00 : f32
    %broadcast_in_dim3A_523 = vector.broadcast %broadcast_in_dim3A_522 : f32 to vector<16xf32>
    %swap3A_524 = arith.constant 10 : i32
    %swap3A_525 = arith.index_cast %swap3A_524 : i32 to index
    %swap3A_526 = arith.constant 96 : index
    %swap3A_527 = tpu.vector_load %arg10[%swap3A_525, %swap3A_526] {strides = array<i32>} : memref<16x128xf32, #tpu.memory_space<vmem>>, vector<16xf32>,
    tpu.vector_store %arg10[%swap3A_525, %swap3A_526], %broadcast_in_dim3A_523 {strides = array<i32>} : memref<16x128xf32, #tpu.memory_space<vmem>>, vector<16xf32>,
    %broadcast_in_dim3A_528 = arith.constant 0.000000e+00 : f32
    %broadcast_in_dim3A_529 = vector.broadcast %broadcast_in_dim3A_528 : f32 to vector<16xf32>
    %swap3A_530 = arith.constant 10 : i32
    %swap3A_531 = arith.index_cast %swap3A_530 : i32 to index
    %swap3A_532 = arith.constant 112 : index
    %swap3A_533 = tpu.vector_load %arg10[%swap3A_531, %swap3A_532] {strides = array<i32>} : memref<16x128xf32, #tpu.memory_space<vmem>>, vector<16xf32>,
    tpu.vector_store %arg10[%swap3A_531, %swap3A_532], %broadcast_in_dim3A_529 {strides = array<i32>} : memref<16x128xf32, #tpu.memory_space<vmem>>, vector<16xf32>,
    %broadcast_in_dim3A_534 = arith.constant 0.000000e+00 : f32
    %broadcast_in_dim3A_535 = vector.broadcast %broadcast_in_dim3A_534 : f32 to vector<16xf32>
    %swap3A_536 = arith.constant 11 : i32
    %swap3A_537 = arith.index_cast %swap3A_536 : i32 to index
    %swap3A_538 = arith.constant 0 : index
    %swap3A_539 = tpu.vector_load %arg10[%swap3A_537, %swap3A_538] {strides = array<i32>} : memref<16x128xf32, #tpu.memory_space<vmem>>, vector<16xf32>,
    tpu.vector_store %arg10[%swap3A_537, %swap3A_538], %broadcast_in_dim3A_535 {strides = array<i32>} : memref<16x128xf32, #tpu.memory_space<vmem>>, vector<16xf32>,
    %broadcast_in_dim3A_540 = arith.constant 0.000000e+00 : f32
    %broadcast_in_dim3A_541 = vector.broadcast %broadcast_in_dim3A_540 : f32 to vector<16xf32>
    %swap3A_542 = arith.constant 11 : i32
    %swap3A_543 = arith.index_cast %swap3A_542 : i32 to index
    %swap3A_544 = arith.constant 16 : index
    %swap3A_545 = tpu.vector_load %arg10[%swap3A_543, %swap3A_544] {strides = array<i32>} : memref<16x128xf32, #tpu.memory_space<vmem>>, vector<16xf32>,
    tpu.vector_store %arg10[%swap3A_543, %swap3A_544], %broadcast_in_dim3A_541 {strides = array<i32>} : memref<16x128xf32, #tpu.memory_space<vmem>>, vector<16xf32>,
    %broadcast_in_dim3A_546 = arith.constant 0.000000e+00 : f32
    %broadcast_in_dim3A_547 = vector.broadcast %broadcast_in_dim3A_546 : f32 to vector<16xf32>
    %swap3A_548 = arith.constant 11 : i32
    %swap3A_549 = arith.index_cast %swap3A_548 : i32 to index
    %swap3A_550 = arith.constant 32 : index
    %swap3A_551 = tpu.vector_load %arg10[%swap3A_549, %swap3A_550] {strides = array<i32>} : memref<16x128xf32, #tpu.memory_space<vmem>>, vector<16xf32>,
    tpu.vector_store %arg10[%swap3A_549, %swap3A_550], %broadcast_in_dim3A_547 {strides = array<i32>} : memref<16x128xf32, #tpu.memory_space<vmem>>, vector<16xf32>,
    %broadcast_in_dim3A_552 = arith.constant 0.000000e+00 : f32
    %broadcast_in_dim3A_553 = vector.broadcast %broadcast_in_dim3A_552 : f32 to vector<16xf32>
    %swap3A_554 = arith.constant 11 : i32
    %swap3A_555 = arith.index_cast %swap3A_554 : i32 to index
    %swap3A_556 = arith.constant 48 : index
    %swap3A_557 = tpu.vector_load %arg10[%swap3A_555, %swap3A_556] {strides = array<i32>} : memref<16x128xf32, #tpu.memory_space<vmem>>, vector<16xf32>,
    tpu.vector_store %arg10[%swap3A_555, %swap3A_556], %broadcast_in_dim3A_553 {strides = array<i32>} : memref<16x128xf32, #tpu.memory_space<vmem>>, vector<16xf32>,
    %broadcast_in_dim3A_558 = arith.constant 0.000000e+00 : f32
    %broadcast_in_dim3A_559 = vector.broadcast %broadcast_in_dim3A_558 : f32 to vector<16xf32>
    %swap3A_560 = arith.constant 11 : i32
    %swap3A_561 = arith.index_cast %swap3A_560 : i32 to index
    %swap3A_562 = arith.constant 64 : index
    %swap3A_563 = tpu.vector_load %arg10[%swap3A_561, %swap3A_562] {strides = array<i32>} : memref<16x128xf32, #tpu.memory_space<vmem>>, vector<16xf32>,
    tpu.vector_store %arg10[%swap3A_561, %swap3A_562], %broadcast_in_dim3A_559 {strides = array<i32>} : memref<16x128xf32, #tpu.memory_space<vmem>>, vector<16xf32>,
    %broadcast_in_dim3A_564 = arith.constant 0.000000e+00 : f32
    %broadcast_in_dim3A_565 = vector.broadcast %broadcast_in_dim3A_564 : f32 to vector<16xf32>
    %swap3A_566 = arith.constant 11 : i32
    %swap3A_567 = arith.index_cast %swap3A_566 : i32 to index
    %swap3A_568 = arith.constant 80 : index
    %swap3A_569 = tpu.vector_load %arg10[%swap3A_567, %swap3A_568] {strides = array<i32>} : memref<16x128xf32, #tpu.memory_space<vmem>>, vector<16xf32>,
    tpu.vector_store %arg10[%swap3A_567, %swap3A_568], %broadcast_in_dim3A_565 {strides = array<i32>} : memref<16x128xf32, #tpu.memory_space<vmem>>, vector<16xf32>,
    %broadcast_in_dim3A_570 = arith.constant 0.000000e+00 : f32
    %broadcast_in_dim3A_571 = vector.broadcast %broadcast_in_dim3A_570 : f32 to vector<16xf32>
    %swap3A_572 = arith.constant 11 : i32
    %swap3A_573 = arith.index_cast %swap3A_572 : i32 to index
    %swap3A_574 = arith.constant 96 : index
    %swap3A_575 = tpu.vector_load %arg10[%swap3A_573, %swap3A_574] {strides = array<i32>} : memref<16x128xf32, #tpu.memory_space<vmem>>, vector<16xf32>,
    tpu.vector_store %arg10[%swap3A_573, %swap3A_574], %broadcast_in_dim3A_571 {strides = array<i32>} : memref<16x128xf32, #tpu.memory_space<vmem>>, vector<16xf32>,
    %broadcast_in_dim3A_576 = arith.constant 0.000000e+00 : f32
    %broadcast_in_dim3A_577 = vector.broadcast %broadcast_in_dim3A_576 : f32 to vector<16xf32>
    %swap3A_578 = arith.constant 11 : i32
    %swap3A_579 = arith.index_cast %swap3A_578 : i32 to index
    %swap3A_580 = arith.constant 112 : index
    %swap3A_581 = tpu.vector_load %arg10[%swap3A_579, %swap3A_580] {strides = array<i32>} : memref<16x128xf32, #tpu.memory_space<vmem>>, vector<16xf32>,
    tpu.vector_store %arg10[%swap3A_579, %swap3A_580], %broadcast_in_dim3A_577 {strides = array<i32>} : memref<16x128xf32, #tpu.memory_space<vmem>>, vector<16xf32>,
    %broadcast_in_dim3A_582 = arith.constant 0.000000e+00 : f32
    %broadcast_in_dim3A_583 = vector.broadcast %broadcast_in_dim3A_582 : f32 to vector<16xf32>
    %swap3A_584 = arith.constant 12 : i32
    %swap3A_585 = arith.index_cast %swap3A_584 : i32 to index
    %swap3A_586 = arith.constant 0 : index
    %swap3A_587 = tpu.vector_load %arg10[%swap3A_585, %swap3A_586] {strides = array<i32>} : memref<16x128xf32, #tpu.memory_space<vmem>>, vector<16xf32>,
    tpu.vector_store %arg10[%swap3A_585, %swap3A_586], %broadcast_in_dim3A_583 {strides = array<i32>} : memref<16x128xf32, #tpu.memory_space<vmem>>, vector<16xf32>,
    %broadcast_in_dim3A_588 = arith.constant 0.000000e+00 : f32
    %broadcast_in_dim3A_589 = vector.broadcast %broadcast_in_dim3A_588 : f32 to vector<16xf32>
    %swap3A_590 = arith.constant 12 : i32
    %swap3A_591 = arith.index_cast %swap3A_590 : i32 to index
    %swap3A_592 = arith.constant 16 : index
    %swap3A_593 = tpu.vector_load %arg10[%swap3A_591, %swap3A_592] {strides = array<i32>} : memref<16x128xf32, #tpu.memory_space<vmem>>, vector<16xf32>,
    tpu.vector_store %arg10[%swap3A_591, %swap3A_592], %broadcast_in_dim3A_589 {strides = array<i32>} : memref<16x128xf32, #tpu.memory_space<vmem>>, vector<16xf32>,
    %broadcast_in_dim3A_594 = arith.constant 0.000000e+00 : f32
    %broadcast_in_dim3A_595 = vector.broadcast %broadcast_in_dim3A_594 : f32 to vector<16xf32>
    %swap3A_596 = arith.constant 12 : i32
    %swap3A_597 = arith.index_cast %swap3A_596 : i32 to index
    %swap3A_598 = arith.constant 32 : index
    %swap3A_599 = tpu.vector_load %arg10[%swap3A_597, %swap3A_598] {strides = array<i32>} : memref<16x128xf32, #tpu.memory_space<vmem>>, vector<16xf32>,
    tpu.vector_store %arg10[%swap3A_597, %swap3A_598], %broadcast_in_dim3A_595 {strides = array<i32>} : memref<16x128xf32, #tpu.memory_space<vmem>>, vector<16xf32>,
    %broadcast_in_dim3A_600 = arith.constant 0.000000e+00 : f32
    %broadcast_in_dim3A_601 = vector.broadcast %broadcast_in_dim3A_600 : f32 to vector<16xf32>
    %swap3A_602 = arith.constant 12 : i32
    %swap3A_603 = arith.index_cast %swap3A_602 : i32 to index
    %swap3A_604 = arith.constant 48 : index
    %swap3A_605 = tpu.vector_load %arg10[%swap3A_603, %swap3A_604] {strides = array<i32>} : memref<16x128xf32, #tpu.memory_space<vmem>>, vector<16xf32>,
    tpu.vector_store %arg10[%swap3A_603, %swap3A_604], %broadcast_in_dim3A_601 {strides = array<i32>} : memref<16x128xf32, #tpu.memory_space<vmem>>, vector<16xf32>,
    %broadcast_in_dim3A_606 = arith.constant 0.000000e+00 : f32
    %broadcast_in_dim3A_607 = vector.broadcast %broadcast_in_dim3A_606 : f32 to vector<16xf32>
    %swap3A_608 = arith.constant 12 : i32
    %swap3A_609 = arith.index_cast %swap3A_608 : i32 to index
    %swap3A_610 = arith.constant 64 : index
    %swap3A_611 = tpu.vector_load %arg10[%swap3A_609, %swap3A_610] {strides = array<i32>} : memref<16x128xf32, #tpu.memory_space<vmem>>, vector<16xf32>,
    tpu.vector_store %arg10[%swap3A_609, %swap3A_610], %broadcast_in_dim3A_607 {strides = array<i32>} : memref<16x128xf32, #tpu.memory_space<vmem>>, vector<16xf32>,
    %broadcast_in_dim3A_612 = arith.constant 0.000000e+00 : f32
    %broadcast_in_dim3A_613 = vector.broadcast %broadcast_in_dim3A_612 : f32 to vector<16xf32>
    %swap3A_614 = arith.constant 12 : i32
    %swap3A_615 = arith.index_cast %swap3A_614 : i32 to index
    %swap3A_616 = arith.constant 80 : index
    %swap3A_617 = tpu.vector_load %arg10[%swap3A_615, %swap3A_616] {strides = array<i32>} : memref<16x128xf32, #tpu.memory_space<vmem>>, vector<16xf32>,
    tpu.vector_store %arg10[%swap3A_615, %swap3A_616], %broadcast_in_dim3A_613 {strides = array<i32>} : memref<16x128xf32, #tpu.memory_space<vmem>>, vector<16xf32>,
    %broadcast_in_dim3A_618 = arith.constant 0.000000e+00 : f32
    %broadcast_in_dim3A_619 = vector.broadcast %broadcast_in_dim3A_618 : f32 to vector<16xf32>
    %swap3A_620 = arith.constant 12 : i32
    %swap3A_621 = arith.index_cast %swap3A_620 : i32 to index
    %swap3A_622 = arith.constant 96 : index
    %swap3A_623 = tpu.vector_load %arg10[%swap3A_621, %swap3A_622] {strides = array<i32>} : memref<16x128xf32, #tpu.memory_space<vmem>>, vector<16xf32>,
    tpu.vector_store %arg10[%swap3A_621, %swap3A_622], %broadcast_in_dim3A_619 {strides = array<i32>} : memref<16x128xf32, #tpu.memory_space<vmem>>, vector<16xf32>,
    %broadcast_in_dim3A_624 = arith.constant 0.000000e+00 : f32
    %broadcast_in_dim3A_625 = vector.broadcast %broadcast_in_dim3A_624 : f32 to vector<16xf32>
    %swap3A_626 = arith.constant 12 : i32
    %swap3A_627 = arith.index_cast %swap3A_626 : i32 to index
    %swap3A_628 = arith.constant 112 : index
    %swap3A_629 = tpu.vector_load %arg10[%swap3A_627, %swap3A_628] {strides = array<i32>} : memref<16x128xf32, #tpu.memory_space<vmem>>, vector<16xf32>,
    tpu.vector_store %arg10[%swap3A_627, %swap3A_628], %broadcast_in_dim3A_625 {strides = array<i32>} : memref<16x128xf32, #tpu.memory_space<vmem>>, vector<16xf32>,
    %broadcast_in_dim3A_630 = arith.constant 0.000000e+00 : f32
    %broadcast_in_dim3A_631 = vector.broadcast %broadcast_in_dim3A_630 : f32 to vector<16xf32>
    %swap3A_632 = arith.constant 13 : i32
    %swap3A_633 = arith.index_cast %swap3A_632 : i32 to index
    %swap3A_634 = arith.constant 0 : index
    %swap3A_635 = tpu.vector_load %arg10[%swap3A_633, %swap3A_634] {strides = array<i32>} : memref<16x128xf32, #tpu.memory_space<vmem>>, vector<16xf32>,
    tpu.vector_store %arg10[%swap3A_633, %swap3A_634], %broadcast_in_dim3A_631 {strides = array<i32>} : memref<16x128xf32, #tpu.memory_space<vmem>>, vector<16xf32>,
    %broadcast_in_dim3A_636 = arith.constant 0.000000e+00 : f32
    %broadcast_in_dim3A_637 = vector.broadcast %broadcast_in_dim3A_636 : f32 to vector<16xf32>
    %swap3A_638 = arith.constant 13 : i32
    %swap3A_639 = arith.index_cast %swap3A_638 : i32 to index
    %swap3A_640 = arith.constant 16 : index
    %swap3A_641 = tpu.vector_load %arg10[%swap3A_639, %swap3A_640] {strides = array<i32>} : memref<16x128xf32, #tpu.memory_space<vmem>>, vector<16xf32>,
    tpu.vector_store %arg10[%swap3A_639, %swap3A_640], %broadcast_in_dim3A_637 {strides = array<i32>} : memref<16x128xf32, #tpu.memory_space<vmem>>, vector<16xf32>,
    %broadcast_in_dim3A_642 = arith.constant 0.000000e+00 : f32
    %broadcast_in_dim3A_643 = vector.broadcast %broadcast_in_dim3A_642 : f32 to vector<16xf32>
    %swap3A_644 = arith.constant 13 : i32
    %swap3A_645 = arith.index_cast %swap3A_644 : i32 to index
    %swap3A_646 = arith.constant 32 : index
    %swap3A_647 = tpu.vector_load %arg10[%swap3A_645, %swap3A_646] {strides = array<i32>} : memref<16x128xf32, #tpu.memory_space<vmem>>, vector<16xf32>,
    tpu.vector_store %arg10[%swap3A_645, %swap3A_646], %broadcast_in_dim3A_643 {strides = array<i32>} : memref<16x128xf32, #tpu.memory_space<vmem>>, vector<16xf32>,
    %broadcast_in_dim3A_648 = arith.constant 0.000000e+00 : f32
    %broadcast_in_dim3A_649 = vector.broadcast %broadcast_in_dim3A_648 : f32 to vector<16xf32>
    %swap3A_650 = arith.constant 13 : i32
    %swap3A_651 = arith.index_cast %swap3A_650 : i32 to index
    %swap3A_652 = arith.constant 48 : index
    %swap3A_653 = tpu.vector_load %arg10[%swap3A_651, %swap3A_652] {strides = array<i32>} : memref<16x128xf32, #tpu.memory_space<vmem>>, vector<16xf32>,
    tpu.vector_store %arg10[%swap3A_651, %swap3A_652], %broadcast_in_dim3A_649 {strides = array<i32>} : memref<16x128xf32, #tpu.memory_space<vmem>>, vector<16xf32>,
    %broadcast_in_dim3A_654 = arith.constant 0.000000e+00 : f32
    %broadcast_in_dim3A_655 = vector.broadcast %broadcast_in_dim3A_654 : f32 to vector<16xf32>
    %swap3A_656 = arith.constant 13 : i32
    %swap3A_657 = arith.index_cast %swap3A_656 : i32 to index
    %swap3A_658 = arith.constant 64 : index
    %swap3A_659 = tpu.vector_load %arg10[%swap3A_657, %swap3A_658] {strides = array<i32>} : memref<16x128xf32, #tpu.memory_space<vmem>>, vector<16xf32>,
    tpu.vector_store %arg10[%swap3A_657, %swap3A_658], %broadcast_in_dim3A_655 {strides = array<i32>} : memref<16x128xf32, #tpu.memory_space<vmem>>, vector<16xf32>,
    %broadcast_in_dim3A_660 = arith.constant 0.000000e+00 : f32
    %broadcast_in_dim3A_661 = vector.broadcast %broadcast_in_dim3A_660 : f32 to vector<16xf32>
    %swap3A_662 = arith.constant 13 : i32
    %swap3A_663 = arith.index_cast %swap3A_662 : i32 to index
    %swap3A_664 = arith.constant 80 : index
    %swap3A_665 = tpu.vector_load %arg10[%swap3A_663, %swap3A_664] {strides = array<i32>} : memref<16x128xf32, #tpu.memory_space<vmem>>, vector<16xf32>,
    tpu.vector_store %arg10[%swap3A_663, %swap3A_664], %broadcast_in_dim3A_661 {strides = array<i32>} : memref<16x128xf32, #tpu.memory_space<vmem>>, vector<16xf32>,
    %broadcast_in_dim3A_666 = arith.constant 0.000000e+00 : f32
    %broadcast_in_dim3A_667 = vector.broadcast %broadcast_in_dim3A_666 : f32 to vector<16xf32>
    %swap3A_668 = arith.constant 13 : i32
    %swap3A_669 = arith.index_cast %swap3A_668 : i32 to index
    %swap3A_670 = arith.constant 96 : index
    %swap3A_671 = tpu.vector_load %arg10[%swap3A_669, %swap3A_670] {strides = array<i32>} : memref<16x128xf32, #tpu.memory_space<vmem>>, vector<16xf32>,
    tpu.vector_store %arg10[%swap3A_669, %swap3A_670], %broadcast_in_dim3A_667 {strides = array<i32>} : memref<16x128xf32, #tpu.memory_space<vmem>>, vector<16xf32>,
    %broadcast_in_dim3A_672 = arith.constant 0.000000e+00 : f32
    %broadcast_in_dim3A_673 = vector.broadcast %broadcast_in_dim3A_672 : f32 to vector<16xf32>
    %swap3A_674 = arith.constant 13 : i32
    %swap3A_675 = arith.index_cast %swap3A_674 : i32 to index
    %swap3A_676 = arith.constant 112 : index
    %swap3A_677 = tpu.vector_load %arg10[%swap3A_675, %swap3A_676] {strides = array<i32>} : memref<16x128xf32, #tpu.memory_space<vmem>>, vector<16xf32>,
    tpu.vector_store %arg10[%swap3A_675, %swap3A_676], %broadcast_in_dim3A_673 {strides = array<i32>} : memref<16x128xf32, #tpu.memory_space<vmem>>, vector<16xf32>,
    %broadcast_in_dim3A_678 = arith.constant 0.000000e+00 : f32
    %broadcast_in_dim3A_679 = vector.broadcast %broadcast_in_dim3A_678 : f32 to vector<16xf32>
    %swap3A_680 = arith.constant 14 : i32
    %swap3A_681 = arith.index_cast %swap3A_680 : i32 to index
    %swap3A_682 = arith.constant 0 : index
    %swap3A_683 = tpu.vector_load %arg10[%swap3A_681, %swap3A_682] {strides = array<i32>} : memref<16x128xf32, #tpu.memory_space<vmem>>, vector<16xf32>,
    tpu.vector_store %arg10[%swap3A_681, %swap3A_682], %broadcast_in_dim3A_679 {strides = array<i32>} : memref<16x128xf32, #tpu.memory_space<vmem>>, vector<16xf32>,
    %broadcast_in_dim3A_684 = arith.constant 0.000000e+00 : f32
    %broadcast_in_dim3A_685 = vector.broadcast %broadcast_in_dim3A_684 : f32 to vector<16xf32>
    %swap3A_686 = arith.constant 14 : i32
    %swap3A_687 = arith.index_cast %swap3A_686 : i32 to index
    %swap3A_688 = arith.constant 16 : index
    %swap3A_689 = tpu.vector_load %arg10[%swap3A_687, %swap3A_688] {strides = array<i32>} : memref<16x128xf32, #tpu.memory_space<vmem>>, vector<16xf32>,
    tpu.vector_store %arg10[%swap3A_687, %swap3A_688], %broadcast_in_dim3A_685 {strides = array<i32>} : memref<16x128xf32, #tpu.memory_space<vmem>>, vector<16xf32>,
    %broadcast_in_dim3A_690 = arith.constant 0.000000e+00 : f32
    %broadcast_in_dim3A_691 = vector.broadcast %broadcast_in_dim3A_690 : f32 to vector<16xf32>
    %swap3A_692 = arith.constant 14 : i32
    %swap3A_693 = arith.index_cast %swap3A_692 : i32 to index
    %swap3A_694 = arith.constant 32 : index
    %swap3A_695 = tpu.vector_load %arg10[%swap3A_693, %swap3A_694] {strides = array<i32>} : memref<16x128xf32, #tpu.memory_space<vmem>>, vector<16xf32>,
    tpu.vector_store %arg10[%swap3A_693, %swap3A_694], %broadcast_in_dim3A_691 {strides = array<i32>} : memref<16x128xf32, #tpu.memory_space<vmem>>, vector<16xf32>,
    %broadcast_in_dim3A_696 = arith.constant 0.000000e+00 : f32
    %broadcast_in_dim3A_697 = vector.broadcast %broadcast_in_dim3A_696 : f32 to vector<16xf32>
    %swap3A_698 = arith.constant 14 : i32
    %swap3A_699 = arith.index_cast %swap3A_698 : i32 to index
    %swap3A_700 = arith.constant 48 : index
    %swap3A_701 = tpu.vector_load %arg10[%swap3A_699, %swap3A_700] {strides = array<i32>} : memref<16x128xf32, #tpu.memory_space<vmem>>, vector<16xf32>,
    tpu.vector_store %arg10[%swap3A_699, %swap3A_700], %broadcast_in_dim3A_697 {strides = array<i32>} : memref<16x128xf32, #tpu.memory_space<vmem>>, vector<16xf32>,
    %broadcast_in_dim3A_702 = arith.constant 0.000000e+00 : f32
    %broadcast_in_dim3A_703 = vector.broadcast %broadcast_in_dim3A_702 : f32 to vector<16xf32>
    %swap3A_704 = arith.constant 14 : i32
    %swap3A_705 = arith.index_cast %swap3A_704 : i32 to index
    %swap3A_706 = arith.constant 64 : index
    %swap3A_707 = tpu.vector_load %arg10[%swap3A_705, %swap3A_706] {strides = array<i32>} : memref<16x128xf32, #tpu.memory_space<vmem>>, vector<16xf32>,
    tpu.vector_store %arg10[%swap3A_705, %swap3A_706], %broadcast_in_dim3A_703 {strides = array<i32>} : memref<16x128xf32, #tpu.memory_space<vmem>>, vector<16xf32>,
    %broadcast_in_dim3A_708 = arith.constant 0.000000e+00 : f32
    %broadcast_in_dim3A_709 = vector.broadcast %broadcast_in_dim3A_708 : f32 to vector<16xf32>
    %swap3A_710 = arith.constant 14 : i32
    %swap3A_711 = arith.index_cast %swap3A_710 : i32 to index
    %swap3A_712 = arith.constant 80 : index
    %swap3A_713 = tpu.vector_load %arg10[%swap3A_711, %swap3A_712] {strides = array<i32>} : memref<16x128xf32, #tpu.memory_space<vmem>>, vector<16xf32>,
    tpu.vector_store %arg10[%swap3A_711, %swap3A_712], %broadcast_in_dim3A_709 {strides = array<i32>} : memref<16x128xf32, #tpu.memory_space<vmem>>, vector<16xf32>,
    %broadcast_in_dim3A_714 = arith.constant 0.000000e+00 : f32
    %broadcast_in_dim3A_715 = vector.broadcast %broadcast_in_dim3A_714 : f32 to vector<16xf32>
    %swap3A_716 = arith.constant 14 : i32
    %swap3A_717 = arith.index_cast %swap3A_716 : i32 to index
    %swap3A_718 = arith.constant 96 : index
    %swap3A_719 = tpu.vector_load %arg10[%swap3A_717, %swap3A_718] {strides = array<i32>} : memref<16x128xf32, #tpu.memory_space<vmem>>, vector<16xf32>,
    tpu.vector_store %arg10[%swap3A_717, %swap3A_718], %broadcast_in_dim3A_715 {strides = array<i32>} : memref<16x128xf32, #tpu.memory_space<vmem>>, vector<16xf32>,
    %broadcast_in_dim3A_720 = arith.constant 0.000000e+00 : f32
    %broadcast_in_dim3A_721 = vector.broadcast %broadcast_in_dim3A_720 : f32 to vector<16xf32>
    %swap3A_722 = arith.constant 14 : i32
    %swap3A_723 = arith.index_cast %swap3A_722 : i32 to index
    %swap3A_724 = arith.constant 112 : index
    %swap3A_725 = tpu.vector_load %arg10[%swap3A_723, %swap3A_724] {strides = array<i32>} : memref<16x128xf32, #tpu.memory_space<vmem>>, vector<16xf32>,
    tpu.vector_store %arg10[%swap3A_723, %swap3A_724], %broadcast_in_dim3A_721 {strides = array<i32>} : memref<16x128xf32, #tpu.memory_space<vmem>>, vector<16xf32>,
    %broadcast_in_dim3A_726 = arith.constant 0.000000e+00 : f32
    %broadcast_in_dim3A_727 = vector.broadcast %broadcast_in_dim3A_726 : f32 to vector<16xf32>
    %swap3A_728 = arith.constant 15 : i32
    %swap3A_729 = arith.index_cast %swap3A_728 : i32 to index
    %swap3A_730 = arith.constant 0 : index
    %swap3A_731 = tpu.vector_load %arg10[%swap3A_729, %swap3A_730] {strides = array<i32>} : memref<16x128xf32, #tpu.memory_space<vmem>>, vector<16xf32>,
    tpu.vector_store %arg10[%swap3A_729, %swap3A_730], %broadcast_in_dim3A_727 {strides = array<i32>} : memref<16x128xf32, #tpu.memory_space<vmem>>, vector<16xf32>,
    %broadcast_in_dim3A_732 = arith.constant 0.000000e+00 : f32
    %broadcast_in_dim3A_733 = vector.broadcast %broadcast_in_dim3A_732 : f32 to vector<16xf32>
    %swap3A_734 = arith.constant 15 : i32
    %swap3A_735 = arith.index_cast %swap3A_734 : i32 to index
    %swap3A_736 = arith.constant 16 : index
    %swap3A_737 = tpu.vector_load %arg10[%swap3A_735, %swap3A_736] {strides = array<i32>} : memref<16x128xf32, #tpu.memory_space<vmem>>, vector<16xf32>,
    tpu.vector_store %arg10[%swap3A_735, %swap3A_736], %broadcast_in_dim3A_733 {strides = array<i32>} : memref<16x128xf32, #tpu.memory_space<vmem>>, vector<16xf32>,
    %broadcast_in_dim3A_738 = arith.constant 0.000000e+00 : f32
    %broadcast_in_dim3A_739 = vector.broadcast %broadcast_in_dim3A_738 : f32 to vector<16xf32>
    %swap3A_740 = arith.constant 15 : i32
    %swap3A_741 = arith.index_cast %swap3A_740 : i32 to index
    %swap3A_742 = arith.constant 32 : index
    %swap3A_743 = tpu.vector_load %arg10[%swap3A_741, %swap3A_742] {strides = array<i32>} : memref<16x128xf32, #tpu.memory_space<vmem>>, vector<16xf32>,
    tpu.vector_store %arg10[%swap3A_741, %swap3A_742], %broadcast_in_dim3A_739 {strides = array<i32>} : memref<16x128xf32, #tpu.memory_space<vmem>>, vector<16xf32>,
    %broadcast_in_dim3A_744 = arith.constant 0.000000e+00 : f32
    %broadcast_in_dim3A_745 = vector.broadcast %broadcast_in_dim3A_744 : f32 to vector<16xf32>
    %swap3A_746 = arith.constant 15 : i32
    %swap3A_747 = arith.index_cast %swap3A_746 : i32 to index
    %swap3A_748 = arith.constant 48 : index
    %swap3A_749 = tpu.vector_load %arg10[%swap3A_747, %swap3A_748] {strides = array<i32>} : memref<16x128xf32, #tpu.memory_space<vmem>>, vector<16xf32>,
    tpu.vector_store %arg10[%swap3A_747, %swap3A_748], %broadcast_in_dim3A_745 {strides = array<i32>} : memref<16x128xf32, #tpu.memory_space<vmem>>, vector<16xf32>,
    %broadcast_in_dim3A_750 = arith.constant 0.000000e+00 : f32
    %broadcast_in_dim3A_751 = vector.broadcast %broadcast_in_dim3A_750 : f32 to vector<16xf32>
    %swap3A_752 = arith.constant 15 : i32
    %swap3A_753 = arith.index_cast %swap3A_752 : i32 to index
    %swap3A_754 = arith.constant 64 : index
    %swap3A_755 = tpu.vector_load %arg10[%swap3A_753, %swap3A_754] {strides = array<i32>} : memref<16x128xf32, #tpu.memory_space<vmem>>, vector<16xf32>,
    tpu.vector_store %arg10[%swap3A_753, %swap3A_754], %broadcast_in_dim3A_751 {strides = array<i32>} : memref<16x128xf32, #tpu.memory_space<vmem>>, vector<16xf32>,
    %broadcast_in_dim3A_756 = arith.constant 0.000000e+00 : f32
    %broadcast_in_dim3A_757 = vector.broadcast %broadcast_in_dim3A_756 : f32 to vector<16xf32>
    %swap3A_758 = arith.constant 15 : i32
    %swap3A_759 = arith.index_cast %swap3A_758 : i32 to index
    %swap3A_760 = arith.constant 80 : index
    %swap3A_761 = tpu.vector_load %arg10[%swap3A_759, %swap3A_760] {strides = array<i32>} : memref<16x128xf32, #tpu.memory_space<vmem>>, vector<16xf32>,
    tpu.vector_store %arg10[%swap3A_759, %swap3A_760], %broadcast_in_dim3A_757 {strides = array<i32>} : memref<16x128xf32, #tpu.memory_space<vmem>>, vector<16xf32>,
    %broadcast_in_dim3A_762 = arith.constant 0.000000e+00 : f32
    %broadcast_in_dim3A_763 = vector.broadcast %broadcast_in_dim3A_762 : f32 to vector<16xf32>
    %swap3A_764 = arith.constant 15 : i32
    %swap3A_765 = arith.index_cast %swap3A_764 : i32 to index
    %swap3A_766 = arith.constant 96 : index
    %swap3A_767 = tpu.vector_load %arg10[%swap3A_765, %swap3A_766] {strides = array<i32>} : memref<16x128xf32, #tpu.memory_space<vmem>>, vector<16xf32>,
    tpu.vector_store %arg10[%swap3A_765, %swap3A_766], %broadcast_in_dim3A_763 {strides = array<i32>} : memref<16x128xf32, #tpu.memory_space<vmem>>, vector<16xf32>,
    %broadcast_in_dim3A_768 = arith.constant 0.000000e+00 : f32
    %broadcast_in_dim3A_769 = vector.broadcast %broadcast_in_dim3A_768 : f32 to vector<16xf32>
    %swap3A_770 = arith.constant 15 : i32
    %swap3A_771 = arith.index_cast %swap3A_770 : i32 to index
    %swap3A_772 = arith.constant 112 : index
    %swap3A_773 = tpu.vector_load %arg10[%swap3A_771, %swap3A_772] {strides = array<i32>} : memref<16x128xf32, #tpu.memory_space<vmem>>, vector<16xf32>,
    tpu.vector_store %arg10[%swap3A_771, %swap3A_772], %broadcast_in_dim3A_769 {strides = array<i32>} : memref<16x128xf32, #tpu.memory_space<vmem>>, vector<16xf32>,
    %mul3A_774 = arith.constant 128 : i32
    %mul3A_775 = arith.muli %arg1, %mul3A_774 : i32
    %add3A = arith.constant 0 : i32
    %add3A_776 = arith.addi %mul3A_775, %add3A : i32
    "tpu.region"() ({
      %run_scoped3A = tpu.sem_alloc : memref<!tpu.dma_semaphore, #tpu.memory_space<semaphore_mem>>
      %dma_start3A_2180 = arith.constant 0 : i32
      %dma_start3A_2181 = tpu.memref_slice %arg11[%add3A_776, %dma_start3A_2180] : memref<2048x128xf32, #tpu.memory_space<vmem_shared>> -> memref<16x128xf32, #tpu.memory_space<vmem_shared>>
      %dma_start3A_2182 = arith.constant 0 : i32
      %dma_start3A_2183 = tpu.memref_slice %arg11[%add3A_776, %dma_start3A_2182] : memref<2048x128xf32, #tpu.memory_space<vmem_shared>> -> memref<16x128xf32, #tpu.memory_space<vmem_shared>>
      tpu.enqueue_dma source(%arg10 : memref<16x128xf32, #tpu.memory_space<vmem>>) target(%dma_start3A_2183 : memref<16x128xf32, #tpu.memory_space<vmem_shared>>) target_semaphore(%run_scoped3A : memref<!tpu.dma_semaphore, #tpu.memory_space<semaphore_mem>>)
      %dma_wait3A_2184 = arith.constant 0 : i32
      %dma_wait3A_2185 = tpu.memref_slice %arg11[%add3A_776, %dma_wait3A_2184] : memref<2048x128xf32, #tpu.memory_space<vmem_shared>> -> memref<16x128xf32, #tpu.memory_space<vmem_shared>>
      %dma_wait3A_2186 = arith.constant 0 : i32
      %dma_wait3A_2187 = tpu.memref_slice %arg11[%add3A_776, %dma_wait3A_2186] : memref<2048x128xf32, #tpu.memory_space<vmem_shared>> -> memref<16x128xf32, #tpu.memory_space<vmem_shared>>
      tpu.wait_dma2 semaphore(%run_scoped3A : memref<!tpu.dma_semaphore, #tpu.memory_space<semaphore_mem>>) src(%arg10 : memref<16x128xf32, #tpu.memory_space<vmem>>) dst(%dma_wait3A_2187 : memref<16x128xf32, #tpu.memory_space<vmem_shared>>)
      tpu.yield
    }) : () -> ()
    %mul3A_777 = arith.constant 128 : i32
    %mul3A_778 = arith.muli %arg1, %mul3A_777 : i32
    %add3A_779 = arith.constant 16 : i32
    %add3A_780 = arith.addi %mul3A_778, %add3A_779 : i32
    "tpu.region"() ({
      %run_scoped3A = tpu.sem_alloc : memref<!tpu.dma_semaphore, #tpu.memory_space<semaphore_mem>>
      %dma_start3A_2180 = arith.constant 0 : i32
      %dma_start3A_2181 = tpu.memref_slice %arg11[%add3A_780, %dma_start3A_2180] : memref<2048x128xf32, #tpu.memory_space<vmem_shared>> -> memref<16x128xf32, #tpu.memory_space<vmem_shared>>
      %dma_start3A_2182 = arith.constant 0 : i32
      %dma_start3A_2183 = tpu.memref_slice %arg11[%add3A_780, %dma_start3A_2182] : memref<2048x128xf32, #tpu.memory_space<vmem_shared>> -> memref<16x128xf32, #tpu.memory_space<vmem_shared>>
      tpu.enqueue_dma source(%arg10 : memref<16x128xf32, #tpu.memory_space<vmem>>) target(%dma_start3A_2183 : memref<16x128xf32, #tpu.memory_space<vmem_shared>>) target_semaphore(%run_scoped3A : memref<!tpu.dma_semaphore, #tpu.memory_space<semaphore_mem>>)
      %dma_wait3A_2184 = arith.constant 0 : i32
      %dma_wait3A_2185 = tpu.memref_slice %arg11[%add3A_780, %dma_wait3A_2184] : memref<2048x128xf32, #tpu.memory_space<vmem_shared>> -> memref<16x128xf32, #tpu.memory_space<vmem_shared>>
      %dma_wait3A_2186 = arith.constant 0 : i32
      %dma_wait3A_2187 = tpu.memref_slice %arg11[%add3A_780, %dma_wait3A_2186] : memref<2048x128xf32, #tpu.memory_space<vmem_shared>> -> memref<16x128xf32, #tpu.memory_space<vmem_shared>>
      tpu.wait_dma2 semaphore(%run_scoped3A : memref<!tpu.dma_semaphore, #tpu.memory_space<semaphore_mem>>) src(%arg10 : memref<16x128xf32, #tpu.memory_space<vmem>>) dst(%dma_wait3A_2187 : memref<16x128xf32, #tpu.memory_space<vmem_shared>>)
      tpu.yield
    }) : () -> ()
    %mul3A_781 = arith.constant 128 : i32
    %mul3A_782 = arith.muli %arg1, %mul3A_781 : i32
    %add3A_783 = arith.constant 32 : i32
    %add3A_784 = arith.addi %mul3A_782, %add3A_783 : i32
    "tpu.region"() ({
      %run_scoped3A = tpu.sem_alloc : memref<!tpu.dma_semaphore, #tpu.memory_space<semaphore_mem>>
      %dma_start3A_2180 = arith.constant 0 : i32
      %dma_start3A_2181 = tpu.memref_slice %arg11[%add3A_784, %dma_start3A_2180] : memref<2048x128xf32, #tpu.memory_space<vmem_shared>> -> memref<16x128xf32, #tpu.memory_space<vmem_shared>>
      %dma_start3A_2182 = arith.constant 0 : i32
      %dma_start3A_2183 = tpu.memref_slice %arg11[%add3A_784, %dma_start3A_2182] : memref<2048x128xf32, #tpu.memory_space<vmem_shared>> -> memref<16x128xf32, #tpu.memory_space<vmem_shared>>
      tpu.enqueue_dma source(%arg10 : memref<16x128xf32, #tpu.memory_space<vmem>>) target(%dma_start3A_2183 : memref<16x128xf32, #tpu.memory_space<vmem_shared>>) target_semaphore(%run_scoped3A : memref<!tpu.dma_semaphore, #tpu.memory_space<semaphore_mem>>)
      %dma_wait3A_2184 = arith.constant 0 : i32
      %dma_wait3A_2185 = tpu.memref_slice %arg11[%add3A_784, %dma_wait3A_2184] : memref<2048x128xf32, #tpu.memory_space<vmem_shared>> -> memref<16x128xf32, #tpu.memory_space<vmem_shared>>
      %dma_wait3A_2186 = arith.constant 0 : i32
      %dma_wait3A_2187 = tpu.memref_slice %arg11[%add3A_784, %dma_wait3A_2186] : memref<2048x128xf32, #tpu.memory_space<vmem_shared>> -> memref<16x128xf32, #tpu.memory_space<vmem_shared>>
      tpu.wait_dma2 semaphore(%run_scoped3A : memref<!tpu.dma_semaphore, #tpu.memory_space<semaphore_mem>>) src(%arg10 : memref<16x128xf32, #tpu.memory_space<vmem>>) dst(%dma_wait3A_2187 : memref<16x128xf32, #tpu.memory_space<vmem_shared>>)
      tpu.yield
    }) : () -> ()
    %mul3A_785 = arith.constant 128 : i32
    %mul3A_786 = arith.muli %arg1, %mul3A_785 : i32
    %add3A_787 = arith.constant 48 : i32
    %add3A_788 = arith.addi %mul3A_786, %add3A_787 : i32
    "tpu.region"() ({
      %run_scoped3A = tpu.sem_alloc : memref<!tpu.dma_semaphore, #tpu.memory_space<semaphore_mem>>
      %dma_start3A_2180 = arith.constant 0 : i32
      %dma_start3A_2181 = tpu.memref_slice %arg11[%add3A_788, %dma_start3A_2180] : memref<2048x128xf32, #tpu.memory_space<vmem_shared>> -> memref<16x128xf32, #tpu.memory_space<vmem_shared>>
      %dma_start3A_2182 = arith.constant 0 : i32
      %dma_start3A_2183 = tpu.memref_slice %arg11[%add3A_788, %dma_start3A_2182] : memref<2048x128xf32, #tpu.memory_space<vmem_shared>> -> memref<16x128xf32, #tpu.memory_space<vmem_shared>>
      tpu.enqueue_dma source(%arg10 : memref<16x128xf32, #tpu.memory_space<vmem>>) target(%dma_start3A_2183 : memref<16x128xf32, #tpu.memory_space<vmem_shared>>) target_semaphore(%run_scoped3A : memref<!tpu.dma_semaphore, #tpu.memory_space<semaphore_mem>>)
      %dma_wait3A_2184 = arith.constant 0 : i32
      %dma_wait3A_2185 = tpu.memref_slice %arg11[%add3A_788, %dma_wait3A_2184] : memref<2048x128xf32, #tpu.memory_space<vmem_shared>> -> memref<16x128xf32, #tpu.memory_space<vmem_shared>>
      %dma_wait3A_2186 = arith.constant 0 : i32
      %dma_wait3A_2187 = tpu.memref_slice %arg11[%add3A_788, %dma_wait3A_2186] : memref<2048x128xf32, #tpu.memory_space<vmem_shared>> -> memref<16x128xf32, #tpu.memory_space<vmem_shared>>
      tpu.wait_dma2 semaphore(%run_scoped3A : memref<!tpu.dma_semaphore, #tpu.memory_space<semaphore_mem>>) src(%arg10 : memref<16x128xf32, #tpu.memory_space<vmem>>) dst(%dma_wait3A_2187 : memref<16x128xf32, #tpu.memory_space<vmem_shared>>)
      tpu.yield
    }) : () -> ()
    %mul3A_789 = arith.constant 128 : i32
    %mul3A_790 = arith.muli %arg1, %mul3A_789 : i32
    %add3A_791 = arith.constant 64 : i32
    %add3A_792 = arith.addi %mul3A_790, %add3A_791 : i32
    "tpu.region"() ({
      %run_scoped3A = tpu.sem_alloc : memref<!tpu.dma_semaphore, #tpu.memory_space<semaphore_mem>>
      %dma_start3A_2180 = arith.constant 0 : i32
      %dma_start3A_2181 = tpu.memref_slice %arg11[%add3A_792, %dma_start3A_2180] : memref<2048x128xf32, #tpu.memory_space<vmem_shared>> -> memref<16x128xf32, #tpu.memory_space<vmem_shared>>
      %dma_start3A_2182 = arith.constant 0 : i32
      %dma_start3A_2183 = tpu.memref_slice %arg11[%add3A_792, %dma_start3A_2182] : memref<2048x128xf32, #tpu.memory_space<vmem_shared>> -> memref<16x128xf32, #tpu.memory_space<vmem_shared>>
      tpu.enqueue_dma source(%arg10 : memref<16x128xf32, #tpu.memory_space<vmem>>) target(%dma_start3A_2183 : memref<16x128xf32, #tpu.memory_space<vmem_shared>>) target_semaphore(%run_scoped3A : memref<!tpu.dma_semaphore, #tpu.memory_space<semaphore_mem>>)
      %dma_wait3A_2184 = arith.constant 0 : i32
      %dma_wait3A_2185 = tpu.memref_slice %arg11[%add3A_792, %dma_wait3A_2184] : memref<2048x128xf32, #tpu.memory_space<vmem_shared>> -> memref<16x128xf32, #tpu.memory_space<vmem_shared>>
      %dma_wait3A_2186 = arith.constant 0 : i32
      %dma_wait3A_2187 = tpu.memref_slice %arg11[%add3A_792, %dma_wait3A_2186] : memref<2048x128xf32, #tpu.memory_space<vmem_shared>> -> memref<16x128xf32, #tpu.memory_space<vmem_shared>>
      tpu.wait_dma2 semaphore(%run_scoped3A : memref<!tpu.dma_semaphore, #tpu.memory_space<semaphore_mem>>) src(%arg10 : memref<16x128xf32, #tpu.memory_space<vmem>>) dst(%dma_wait3A_2187 : memref<16x128xf32, #tpu.memory_space<vmem_shared>>)
      tpu.yield
    }) : () -> ()
    %mul3A_793 = arith.constant 128 : i32
    %mul3A_794 = arith.muli %arg1, %mul3A_793 : i32
    %add3A_795 = arith.constant 80 : i32
    %add3A_796 = arith.addi %mul3A_794, %add3A_795 : i32
    "tpu.region"() ({
      %run_scoped3A = tpu.sem_alloc : memref<!tpu.dma_semaphore, #tpu.memory_space<semaphore_mem>>
      %dma_start3A_2180 = arith.constant 0 : i32
      %dma_start3A_2181 = tpu.memref_slice %arg11[%add3A_796, %dma_start3A_2180] : memref<2048x128xf32, #tpu.memory_space<vmem_shared>> -> memref<16x128xf32, #tpu.memory_space<vmem_shared>>
      %dma_start3A_2182 = arith.constant 0 : i32
      %dma_start3A_2183 = tpu.memref_slice %arg11[%add3A_796, %dma_start3A_2182] : memref<2048x128xf32, #tpu.memory_space<vmem_shared>> -> memref<16x128xf32, #tpu.memory_space<vmem_shared>>
      tpu.enqueue_dma source(%arg10 : memref<16x128xf32, #tpu.memory_space<vmem>>) target(%dma_start3A_2183 : memref<16x128xf32, #tpu.memory_space<vmem_shared>>) target_semaphore(%run_scoped3A : memref<!tpu.dma_semaphore, #tpu.memory_space<semaphore_mem>>)
      %dma_wait3A_2184 = arith.constant 0 : i32
      %dma_wait3A_2185 = tpu.memref_slice %arg11[%add3A_796, %dma_wait3A_2184] : memref<2048x128xf32, #tpu.memory_space<vmem_shared>> -> memref<16x128xf32, #tpu.memory_space<vmem_shared>>
      %dma_wait3A_2186 = arith.constant 0 : i32
      %dma_wait3A_2187 = tpu.memref_slice %arg11[%add3A_796, %dma_wait3A_2186] : memref<2048x128xf32, #tpu.memory_space<vmem_shared>> -> memref<16x128xf32, #tpu.memory_space<vmem_shared>>
      tpu.wait_dma2 semaphore(%run_scoped3A : memref<!tpu.dma_semaphore, #tpu.memory_space<semaphore_mem>>) src(%arg10 : memref<16x128xf32, #tpu.memory_space<vmem>>) dst(%dma_wait3A_2187 : memref<16x128xf32, #tpu.memory_space<vmem_shared>>)
      tpu.yield
    }) : () -> ()
    %mul3A_797 = arith.constant 128 : i32
    %mul3A_798 = arith.muli %arg1, %mul3A_797 : i32
    %add3A_799 = arith.constant 96 : i32
    %add3A_800 = arith.addi %mul3A_798, %add3A_799 : i32
    "tpu.region"() ({
      %run_scoped3A = tpu.sem_alloc : memref<!tpu.dma_semaphore, #tpu.memory_space<semaphore_mem>>
      %dma_start3A_2180 = arith.constant 0 : i32
      %dma_start3A_2181 = tpu.memref_slice %arg11[%add3A_800, %dma_start3A_2180] : memref<2048x128xf32, #tpu.memory_space<vmem_shared>> -> memref<16x128xf32, #tpu.memory_space<vmem_shared>>
      %dma_start3A_2182 = arith.constant 0 : i32
      %dma_start3A_2183 = tpu.memref_slice %arg11[%add3A_800, %dma_start3A_2182] : memref<2048x128xf32, #tpu.memory_space<vmem_shared>> -> memref<16x128xf32, #tpu.memory_space<vmem_shared>>
      tpu.enqueue_dma source(%arg10 : memref<16x128xf32, #tpu.memory_space<vmem>>) target(%dma_start3A_2183 : memref<16x128xf32, #tpu.memory_space<vmem_shared>>) target_semaphore(%run_scoped3A : memref<!tpu.dma_semaphore, #tpu.memory_space<semaphore_mem>>)
      %dma_wait3A_2184 = arith.constant 0 : i32
      %dma_wait3A_2185 = tpu.memref_slice %arg11[%add3A_800, %dma_wait3A_2184] : memref<2048x128xf32, #tpu.memory_space<vmem_shared>> -> memref<16x128xf32, #tpu.memory_space<vmem_shared>>
      %dma_wait3A_2186 = arith.constant 0 : i32
      %dma_wait3A_2187 = tpu.memref_slice %arg11[%add3A_800, %dma_wait3A_2186] : memref<2048x128xf32, #tpu.memory_space<vmem_shared>> -> memref<16x128xf32, #tpu.memory_space<vmem_shared>>
      tpu.wait_dma2 semaphore(%run_scoped3A : memref<!tpu.dma_semaphore, #tpu.memory_space<semaphore_mem>>) src(%arg10 : memref<16x128xf32, #tpu.memory_space<vmem>>) dst(%dma_wait3A_2187 : memref<16x128xf32, #tpu.memory_space<vmem_shared>>)
      tpu.yield
    }) : () -> ()
    %mul3A_801 = arith.constant 128 : i32
    %mul3A_802 = arith.muli %arg1, %mul3A_801 : i32
    %add3A_803 = arith.constant 112 : i32
    %add3A_804 = arith.addi %mul3A_802, %add3A_803 : i32
    "tpu.region"() ({
      %run_scoped3A = tpu.sem_alloc : memref<!tpu.dma_semaphore, #tpu.memory_space<semaphore_mem>>
      %dma_start3A_2180 = arith.constant 0 : i32
      %dma_start3A_2181 = tpu.memref_slice %arg11[%add3A_804, %dma_start3A_2180] : memref<2048x128xf32, #tpu.memory_space<vmem_shared>> -> memref<16x128xf32, #tpu.memory_space<vmem_shared>>
      %dma_start3A_2182 = arith.constant 0 : i32
      %dma_start3A_2183 = tpu.memref_slice %arg11[%add3A_804, %dma_start3A_2182] : memref<2048x128xf32, #tpu.memory_space<vmem_shared>> -> memref<16x128xf32, #tpu.memory_space<vmem_shared>>
      tpu.enqueue_dma source(%arg10 : memref<16x128xf32, #tpu.memory_space<vmem>>) target(%dma_start3A_2183 : memref<16x128xf32, #tpu.memory_space<vmem_shared>>) target_semaphore(%run_scoped3A : memref<!tpu.dma_semaphore, #tpu.memory_space<semaphore_mem>>)
      %dma_wait3A_2184 = arith.constant 0 : i32
      %dma_wait3A_2185 = tpu.memref_slice %arg11[%add3A_804, %dma_wait3A_2184] : memref<2048x128xf32, #tpu.memory_space<vmem_shared>> -> memref<16x128xf32, #tpu.memory_space<vmem_shared>>
      %dma_wait3A_2186 = arith.constant 0 : i32
      %dma_wait3A_2187 = tpu.memref_slice %arg11[%add3A_804, %dma_wait3A_2186] : memref<2048x128xf32, #tpu.memory_space<vmem_shared>> -> memref<16x128xf32, #tpu.memory_space<vmem_shared>>
      tpu.wait_dma2 semaphore(%run_scoped3A : memref<!tpu.dma_semaphore, #tpu.memory_space<semaphore_mem>>) src(%arg10 : memref<16x128xf32, #tpu.memory_space<vmem>>) dst(%dma_wait3A_2187 : memref<16x128xf32, #tpu.memory_space<vmem_shared>>)
      tpu.yield
    }) : () -> ()
    %dma_wait3A = arith.constant 0 : i32
    %dma_wait3A_805 = tpu.memref_slice %arg5[%dma_wait3A] : memref<5136xi32, #tpu.memory_space<vmem>> -> memref<5000xi32, #tpu.memory_space<vmem>>
    %dma_wait3A_806 = arith.constant 0 : i32
    %dma_wait3A_807 = tpu.memref_slice %arg5[%dma_wait3A_806] : memref<5136xi32, #tpu.memory_space<vmem>> -> memref<5000xi32, #tpu.memory_space<vmem>>
    tpu.wait_dma2 semaphore(%arg12 : memref<!tpu.dma_semaphore, #tpu.memory_space<semaphore_mem>>) src(%arg3 : memref<5000xi32, #tpu.memory_space<hbm>>) dst(%dma_wait3A_807 : memref<5000xi32, #tpu.memory_space<vmem>>)
    %broadcast_in_dim3A_808 = arith.constant 2047 : i32
    %broadcast_in_dim3A_809 = vector.broadcast %broadcast_in_dim3A_808 : i32 to vector<16xi32>
    %add3A_810 = arith.constant 5000 : i32
    %add3A_811 = vector.broadcast %add3A_810 : i32 to vector<16xi32>
    %add3A_812 = arith.addi %add3A_811, %iota3A : vector<16xi32>
    tpu.vector_store_idx %arg5[%add3A_812], %broadcast_in_dim3A_809 : memref<5136xi32, #tpu.memory_space<vmem>>[vector<16xi32>], vector<16xi32>,
    %add3A_813 = arith.constant 5016 : i32
    %add3A_814 = vector.broadcast %add3A_813 : i32 to vector<16xi32>
    %add3A_815 = arith.addi %add3A_814, %iota3A : vector<16xi32>
    tpu.vector_store_idx %arg5[%add3A_815], %broadcast_in_dim3A_809 : memref<5136xi32, #tpu.memory_space<vmem>>[vector<16xi32>], vector<16xi32>,
    %add3A_816 = arith.constant 5032 : i32
    %add3A_817 = vector.broadcast %add3A_816 : i32 to vector<16xi32>
    %add3A_818 = arith.addi %add3A_817, %iota3A : vector<16xi32>
    tpu.vector_store_idx %arg5[%add3A_818], %broadcast_in_dim3A_809 : memref<5136xi32, #tpu.memory_space<vmem>>[vector<16xi32>], vector<16xi32>,
    %add3A_819 = arith.constant 5048 : i32
    %add3A_820 = vector.broadcast %add3A_819 : i32 to vector<16xi32>
    %add3A_821 = arith.addi %add3A_820, %iota3A : vector<16xi32>
    tpu.vector_store_idx %arg5[%add3A_821], %broadcast_in_dim3A_809 : memref<5136xi32, #tpu.memory_space<vmem>>[vector<16xi32>], vector<16xi32>,
    %add3A_822 = arith.constant 5064 : i32
    %add3A_823 = vector.broadcast %add3A_822 : i32 to vector<16xi32>
    %add3A_824 = arith.addi %add3A_823, %iota3A : vector<16xi32>
    tpu.vector_store_idx %arg5[%add3A_824], %broadcast_in_dim3A_809 : memref<5136xi32, #tpu.memory_space<vmem>>[vector<16xi32>], vector<16xi32>,
    %add3A_825 = arith.constant 5080 : i32
    %add3A_826 = vector.broadcast %add3A_825 : i32 to vector<16xi32>
    %add3A_827 = arith.addi %add3A_826, %iota3A : vector<16xi32>
    tpu.vector_store_idx %arg5[%add3A_827], %broadcast_in_dim3A_809 : memref<5136xi32, #tpu.memory_space<vmem>>[vector<16xi32>], vector<16xi32>,
    %add3A_828 = arith.constant 5096 : i32
    %add3A_829 = vector.broadcast %add3A_828 : i32 to vector<16xi32>
    %add3A_830 = arith.addi %add3A_829, %iota3A : vector<16xi32>
    tpu.vector_store_idx %arg5[%add3A_830], %broadcast_in_dim3A_809 : memref<5136xi32, #tpu.memory_space<vmem>>[vector<16xi32>], vector<16xi32>,
    %add3A_831 = arith.constant 5104 : i32
    %add3A_832 = vector.broadcast %add3A_831 : i32 to vector<16xi32>
    %add3A_833 = arith.addi %add3A_832, %iota3A : vector<16xi32>
    tpu.vector_store_idx %arg5[%add3A_833], %broadcast_in_dim3A_809 : memref<5136xi32, #tpu.memory_space<vmem>>[vector<16xi32>], vector<16xi32>,
    %add3A_834 = arith.constant 5120 : i32
    %add3A_835 = vector.broadcast %add3A_834 : i32 to vector<16xi32>
    %add3A_836 = arith.addi %add3A_835, %iota3A : vector<16xi32>
    tpu.vector_store_idx %arg5[%add3A_836], %broadcast_in_dim3A_809 : memref<5136xi32, #tpu.memory_space<vmem>>[vector<16xi32>], vector<16xi32>,
    %add3A_837 = arith.constant 0 : i32
    %add3A_838 = arith.addi %mul3A_0, %add3A_837 : i32
    %get3A = arith.index_cast %add3A_838 : i32 to index
    %get3A_839 = tpu.vector_load %arg5[%get3A] {strides = array<i32>} : memref<5136xi32, #tpu.memory_space<vmem>>, vector<16xi32>,
    %swap3A_840 = arith.constant 0 : i32
    %swap3A_841 = arith.index_cast %swap3A_840 : i32 to index
    %swap3A_842 = arith.constant 0 : index
    %swap3A_843 = tpu.vector_load %arg8[%swap3A_841, %swap3A_842] {strides = array<i32>} : memref<5x64xi32, #tpu.memory_space<vmem>>, vector<16xi32>,
    tpu.vector_store %arg8[%swap3A_841, %swap3A_842], %get3A_839 {strides = array<i32>} : memref<5x64xi32, #tpu.memory_space<vmem>>, vector<16xi32>,
    %add3A_844 = arith.constant 16 : i32
    %add3A_845 = arith.addi %mul3A_0, %add3A_844 : i32
    %get3A_846 = arith.index_cast %add3A_845 : i32 to index
    %get3A_847 = tpu.vector_load %arg5[%get3A_846] {strides = array<i32>} : memref<5136xi32, #tpu.memory_space<vmem>>, vector<16xi32>,
    %swap3A_848 = arith.constant 0 : i32
    %swap3A_849 = arith.index_cast %swap3A_848 : i32 to index
    %swap3A_850 = arith.constant 16 : index
    %swap3A_851 = tpu.vector_load %arg8[%swap3A_849, %swap3A_850] {strides = array<i32>} : memref<5x64xi32, #tpu.memory_space<vmem>>, vector<16xi32>,
    tpu.vector_store %arg8[%swap3A_849, %swap3A_850], %get3A_847 {strides = array<i32>} : memref<5x64xi32, #tpu.memory_space<vmem>>, vector<16xi32>,
    %add3A_852 = arith.constant 32 : i32
    %add3A_853 = arith.addi %mul3A_0, %add3A_852 : i32
    %get3A_854 = arith.index_cast %add3A_853 : i32 to index
    %get3A_855 = tpu.vector_load %arg5[%get3A_854] {strides = array<i32>} : memref<5136xi32, #tpu.memory_space<vmem>>, vector<16xi32>,
    %swap3A_856 = arith.constant 0 : i32
    %swap3A_857 = arith.index_cast %swap3A_856 : i32 to index
    %swap3A_858 = arith.constant 32 : index
    %swap3A_859 = tpu.vector_load %arg8[%swap3A_857, %swap3A_858] {strides = array<i32>} : memref<5x64xi32, #tpu.memory_space<vmem>>, vector<16xi32>,
    tpu.vector_store %arg8[%swap3A_857, %swap3A_858], %get3A_855 {strides = array<i32>} : memref<5x64xi32, #tpu.memory_space<vmem>>, vector<16xi32>,
    %add3A_860 = arith.constant 48 : i32
    %add3A_861 = arith.addi %mul3A_0, %add3A_860 : i32
    %get3A_862 = arith.index_cast %add3A_861 : i32 to index
    %get3A_863 = tpu.vector_load %arg5[%get3A_862] {strides = array<i32>} : memref<5136xi32, #tpu.memory_space<vmem>>, vector<16xi32>,
    %swap3A_864 = arith.constant 0 : i32
    %swap3A_865 = arith.index_cast %swap3A_864 : i32 to index
    %swap3A_866 = arith.constant 48 : index
    %swap3A_867 = tpu.vector_load %arg8[%swap3A_865, %swap3A_866] {strides = array<i32>} : memref<5x64xi32, #tpu.memory_space<vmem>>, vector<16xi32>,
    tpu.vector_store %arg8[%swap3A_865, %swap3A_866], %get3A_863 {strides = array<i32>} : memref<5x64xi32, #tpu.memory_space<vmem>>, vector<16xi32>,
    %add3A_868 = arith.constant 64 : i32
    %add3A_869 = arith.addi %mul3A_0, %add3A_868 : i32
    %get3A_870 = arith.index_cast %add3A_869 : i32 to index
    %get3A_871 = tpu.vector_load %arg5[%get3A_870] {strides = array<i32>} : memref<5136xi32, #tpu.memory_space<vmem>>, vector<16xi32>,
    %swap3A_872 = arith.constant 1 : i32
    %swap3A_873 = arith.index_cast %swap3A_872 : i32 to index
    %swap3A_874 = arith.constant 0 : index
    %swap3A_875 = tpu.vector_load %arg8[%swap3A_873, %swap3A_874] {strides = array<i32>} : memref<5x64xi32, #tpu.memory_space<vmem>>, vector<16xi32>,
    tpu.vector_store %arg8[%swap3A_873, %swap3A_874], %get3A_871 {strides = array<i32>} : memref<5x64xi32, #tpu.memory_space<vmem>>, vector<16xi32>,
    %add3A_876 = arith.constant 80 : i32
    %add3A_877 = arith.addi %mul3A_0, %add3A_876 : i32
    %get3A_878 = arith.index_cast %add3A_877 : i32 to index
    %get3A_879 = tpu.vector_load %arg5[%get3A_878] {strides = array<i32>} : memref<5136xi32, #tpu.memory_space<vmem>>, vector<16xi32>,
    %swap3A_880 = arith.constant 1 : i32
    %swap3A_881 = arith.index_cast %swap3A_880 : i32 to index
    %swap3A_882 = arith.constant 16 : index
    %swap3A_883 = tpu.vector_load %arg8[%swap3A_881, %swap3A_882] {strides = array<i32>} : memref<5x64xi32, #tpu.memory_space<vmem>>, vector<16xi32>,
    tpu.vector_store %arg8[%swap3A_881, %swap3A_882], %get3A_879 {strides = array<i32>} : memref<5x64xi32, #tpu.memory_space<vmem>>, vector<16xi32>,
    %add3A_884 = arith.constant 96 : i32
    %add3A_885 = arith.addi %mul3A_0, %add3A_884 : i32
    %get3A_886 = arith.index_cast %add3A_885 : i32 to index
    %get3A_887 = tpu.vector_load %arg5[%get3A_886] {strides = array<i32>} : memref<5136xi32, #tpu.memory_space<vmem>>, vector<16xi32>,
    %swap3A_888 = arith.constant 1 : i32
    %swap3A_889 = arith.index_cast %swap3A_888 : i32 to index
    %swap3A_890 = arith.constant 32 : index
    %swap3A_891 = tpu.vector_load %arg8[%swap3A_889, %swap3A_890] {strides = array<i32>} : memref<5x64xi32, #tpu.memory_space<vmem>>, vector<16xi32>,
    tpu.vector_store %arg8[%swap3A_889, %swap3A_890], %get3A_887 {strides = array<i32>} : memref<5x64xi32, #tpu.memory_space<vmem>>, vector<16xi32>,
    %add3A_892 = arith.constant 112 : i32
    %add3A_893 = arith.addi %mul3A_0, %add3A_892 : i32
    %get3A_894 = arith.index_cast %add3A_893 : i32 to index
    %get3A_895 = tpu.vector_load %arg5[%get3A_894] {strides = array<i32>} : memref<5136xi32, #tpu.memory_space<vmem>>, vector<16xi32>,
    %swap3A_896 = arith.constant 1 : i32
    %swap3A_897 = arith.index_cast %swap3A_896 : i32 to index
    %swap3A_898 = arith.constant 48 : index
    %swap3A_899 = tpu.vector_load %arg8[%swap3A_897, %swap3A_898] {strides = array<i32>} : memref<5x64xi32, #tpu.memory_space<vmem>>, vector<16xi32>,
    tpu.vector_store %arg8[%swap3A_897, %swap3A_898], %get3A_895 {strides = array<i32>} : memref<5x64xi32, #tpu.memory_space<vmem>>, vector<16xi32>,
    %add3A_900 = arith.constant 128 : i32
    %add3A_901 = arith.addi %mul3A_0, %add3A_900 : i32
    %get3A_902 = arith.index_cast %add3A_901 : i32 to index
    %get3A_903 = tpu.vector_load %arg5[%get3A_902] {strides = array<i32>} : memref<5136xi32, #tpu.memory_space<vmem>>, vector<16xi32>,
    %swap3A_904 = arith.constant 2 : i32
    %swap3A_905 = arith.index_cast %swap3A_904 : i32 to index
    %swap3A_906 = arith.constant 0 : index
    %swap3A_907 = tpu.vector_load %arg8[%swap3A_905, %swap3A_906] {strides = array<i32>} : memref<5x64xi32, #tpu.memory_space<vmem>>, vector<16xi32>,
    tpu.vector_store %arg8[%swap3A_905, %swap3A_906], %get3A_903 {strides = array<i32>} : memref<5x64xi32, #tpu.memory_space<vmem>>, vector<16xi32>,
    %add3A_908 = arith.constant 144 : i32
    %add3A_909 = arith.addi %mul3A_0, %add3A_908 : i32
    %get3A_910 = arith.index_cast %add3A_909 : i32 to index
    %get3A_911 = tpu.vector_load %arg5[%get3A_910] {strides = array<i32>} : memref<5136xi32, #tpu.memory_space<vmem>>, vector<16xi32>,
    %swap3A_912 = arith.constant 2 : i32
    %swap3A_913 = arith.index_cast %swap3A_912 : i32 to index
    %swap3A_914 = arith.constant 16 : index
    %swap3A_915 = tpu.vector_load %arg8[%swap3A_913, %swap3A_914] {strides = array<i32>} : memref<5x64xi32, #tpu.memory_space<vmem>>, vector<16xi32>,
    tpu.vector_store %arg8[%swap3A_913, %swap3A_914], %get3A_911 {strides = array<i32>} : memref<5x64xi32, #tpu.memory_space<vmem>>, vector<16xi32>,
    %add3A_916 = arith.constant 160 : i32
    %add3A_917 = arith.addi %mul3A_0, %add3A_916 : i32
    %get3A_918 = arith.index_cast %add3A_917 : i32 to index
    %get3A_919 = tpu.vector_load %arg5[%get3A_918] {strides = array<i32>} : memref<5136xi32, #tpu.memory_space<vmem>>, vector<16xi32>,
    %swap3A_920 = arith.constant 2 : i32
    %swap3A_921 = arith.index_cast %swap3A_920 : i32 to index
    %swap3A_922 = arith.constant 32 : index
    %swap3A_923 = tpu.vector_load %arg8[%swap3A_921, %swap3A_922] {strides = array<i32>} : memref<5x64xi32, #tpu.memory_space<vmem>>, vector<16xi32>,
    tpu.vector_store %arg8[%swap3A_921, %swap3A_922], %get3A_919 {strides = array<i32>} : memref<5x64xi32, #tpu.memory_space<vmem>>, vector<16xi32>,
    %add3A_924 = arith.constant 176 : i32
    %add3A_925 = arith.addi %mul3A_0, %add3A_924 : i32
    %get3A_926 = arith.index_cast %add3A_925 : i32 to index
    %get3A_927 = tpu.vector_load %arg5[%get3A_926] {strides = array<i32>} : memref<5136xi32, #tpu.memory_space<vmem>>, vector<16xi32>,
    %swap3A_928 = arith.constant 2 : i32
    %swap3A_929 = arith.index_cast %swap3A_928 : i32 to index
    %swap3A_930 = arith.constant 48 : index
    %swap3A_931 = tpu.vector_load %arg8[%swap3A_929, %swap3A_930] {strides = array<i32>} : memref<5x64xi32, #tpu.memory_space<vmem>>, vector<16xi32>,
    tpu.vector_store %arg8[%swap3A_929, %swap3A_930], %get3A_927 {strides = array<i32>} : memref<5x64xi32, #tpu.memory_space<vmem>>, vector<16xi32>,
    %add3A_932 = arith.constant 192 : i32
    %add3A_933 = arith.addi %mul3A_0, %add3A_932 : i32
    %get3A_934 = arith.index_cast %add3A_933 : i32 to index
    %get3A_935 = tpu.vector_load %arg5[%get3A_934] {strides = array<i32>} : memref<5136xi32, #tpu.memory_space<vmem>>, vector<16xi32>,
    %swap3A_936 = arith.constant 3 : i32
    %swap3A_937 = arith.index_cast %swap3A_936 : i32 to index
    %swap3A_938 = arith.constant 0 : index
    %swap3A_939 = tpu.vector_load %arg8[%swap3A_937, %swap3A_938] {strides = array<i32>} : memref<5x64xi32, #tpu.memory_space<vmem>>, vector<16xi32>,
    tpu.vector_store %arg8[%swap3A_937, %swap3A_938], %get3A_935 {strides = array<i32>} : memref<5x64xi32, #tpu.memory_space<vmem>>, vector<16xi32>,
    %add3A_940 = arith.constant 208 : i32
    %add3A_941 = arith.addi %mul3A_0, %add3A_940 : i32
    %get3A_942 = arith.index_cast %add3A_941 : i32 to index
    %get3A_943 = tpu.vector_load %arg5[%get3A_942] {strides = array<i32>} : memref<5136xi32, #tpu.memory_space<vmem>>, vector<16xi32>,
    %swap3A_944 = arith.constant 3 : i32
    %swap3A_945 = arith.index_cast %swap3A_944 : i32 to index
    %swap3A_946 = arith.constant 16 : index
    %swap3A_947 = tpu.vector_load %arg8[%swap3A_945, %swap3A_946] {strides = array<i32>} : memref<5x64xi32, #tpu.memory_space<vmem>>, vector<16xi32>,
    tpu.vector_store %arg8[%swap3A_945, %swap3A_946], %get3A_943 {strides = array<i32>} : memref<5x64xi32, #tpu.memory_space<vmem>>, vector<16xi32>,
    %add3A_948 = arith.constant 224 : i32
    %add3A_949 = arith.addi %mul3A_0, %add3A_948 : i32
    %get3A_950 = arith.index_cast %add3A_949 : i32 to index
    %get3A_951 = tpu.vector_load %arg5[%get3A_950] {strides = array<i32>} : memref<5136xi32, #tpu.memory_space<vmem>>, vector<16xi32>,
    %swap3A_952 = arith.constant 3 : i32
    %swap3A_953 = arith.index_cast %swap3A_952 : i32 to index
    %swap3A_954 = arith.constant 32 : index
    %swap3A_955 = tpu.vector_load %arg8[%swap3A_953, %swap3A_954] {strides = array<i32>} : memref<5x64xi32, #tpu.memory_space<vmem>>, vector<16xi32>,
    tpu.vector_store %arg8[%swap3A_953, %swap3A_954], %get3A_951 {strides = array<i32>} : memref<5x64xi32, #tpu.memory_space<vmem>>, vector<16xi32>,
    %add3A_956 = arith.constant 240 : i32
    %add3A_957 = arith.addi %mul3A_0, %add3A_956 : i32
    %get3A_958 = arith.index_cast %add3A_957 : i32 to index
    %get3A_959 = tpu.vector_load %arg5[%get3A_958] {strides = array<i32>} : memref<5136xi32, #tpu.memory_space<vmem>>, vector<16xi32>,
    %swap3A_960 = arith.constant 3 : i32
    %swap3A_961 = arith.index_cast %swap3A_960 : i32 to index
    %swap3A_962 = arith.constant 48 : index
    %swap3A_963 = tpu.vector_load %arg8[%swap3A_961, %swap3A_962] {strides = array<i32>} : memref<5x64xi32, #tpu.memory_space<vmem>>, vector<16xi32>,
    tpu.vector_store %arg8[%swap3A_961, %swap3A_962], %get3A_959 {strides = array<i32>} : memref<5x64xi32, #tpu.memory_space<vmem>>, vector<16xi32>,
    %add3A_964 = arith.constant 256 : i32
    %add3A_965 = arith.addi %mul3A_0, %add3A_964 : i32
    %get3A_966 = arith.index_cast %add3A_965 : i32 to index
    %get3A_967 = tpu.vector_load %arg5[%get3A_966] {strides = array<i32>} : memref<5136xi32, #tpu.memory_space<vmem>>, vector<16xi32>,
    %swap3A_968 = arith.constant 4 : i32
    %swap3A_969 = arith.index_cast %swap3A_968 : i32 to index
    %swap3A_970 = arith.constant 0 : index
    %swap3A_971 = tpu.vector_load %arg8[%swap3A_969, %swap3A_970] {strides = array<i32>} : memref<5x64xi32, #tpu.memory_space<vmem>>, vector<16xi32>,
    tpu.vector_store %arg8[%swap3A_969, %swap3A_970], %get3A_967 {strides = array<i32>} : memref<5x64xi32, #tpu.memory_space<vmem>>, vector<16xi32>,
    %add3A_972 = arith.constant 272 : i32
    %add3A_973 = arith.addi %mul3A_0, %add3A_972 : i32
    %get3A_974 = arith.index_cast %add3A_973 : i32 to index
    %get3A_975 = tpu.vector_load %arg5[%get3A_974] {strides = array<i32>} : memref<5136xi32, #tpu.memory_space<vmem>>, vector<16xi32>,
    %swap3A_976 = arith.constant 4 : i32
    %swap3A_977 = arith.index_cast %swap3A_976 : i32 to index
    %swap3A_978 = arith.constant 16 : index
    %swap3A_979 = tpu.vector_load %arg8[%swap3A_977, %swap3A_978] {strides = array<i32>} : memref<5x64xi32, #tpu.memory_space<vmem>>, vector<16xi32>,
    tpu.vector_store %arg8[%swap3A_977, %swap3A_978], %get3A_975 {strides = array<i32>} : memref<5x64xi32, #tpu.memory_space<vmem>>, vector<16xi32>,
    %add3A_980 = arith.constant 288 : i32
    %add3A_981 = arith.addi %mul3A_0, %add3A_980 : i32
    %get3A_982 = arith.index_cast %add3A_981 : i32 to index
    %get3A_983 = tpu.vector_load %arg5[%get3A_982] {strides = array<i32>} : memref<5136xi32, #tpu.memory_space<vmem>>, vector<16xi32>,
    %swap3A_984 = arith.constant 4 : i32
    %swap3A_985 = arith.index_cast %swap3A_984 : i32 to index
    %swap3A_986 = arith.constant 32 : index
    %swap3A_987 = tpu.vector_load %arg8[%swap3A_985, %swap3A_986] {strides = array<i32>} : memref<5x64xi32, #tpu.memory_space<vmem>>, vector<16xi32>,
    tpu.vector_store %arg8[%swap3A_985, %swap3A_986], %get3A_983 {strides = array<i32>} : memref<5x64xi32, #tpu.memory_space<vmem>>, vector<16xi32>,
    %add3A_988 = arith.constant 304 : i32
    %add3A_989 = arith.addi %mul3A_0, %add3A_988 : i32
    %get3A_990 = arith.index_cast %add3A_989 : i32 to index
    %get3A_991 = tpu.vector_load %arg5[%get3A_990] {strides = array<i32>} : memref<5136xi32, #tpu.memory_space<vmem>>, vector<16xi32>,
    %swap3A_992 = arith.constant 4 : i32
    %swap3A_993 = arith.index_cast %swap3A_992 : i32 to index
    %swap3A_994 = arith.constant 48 : index
    %swap3A_995 = tpu.vector_load %arg8[%swap3A_993, %swap3A_994] {strides = array<i32>} : memref<5x64xi32, #tpu.memory_space<vmem>>, vector<16xi32>,
    tpu.vector_store %arg8[%swap3A_993, %swap3A_994], %get3A_991 {strides = array<i32>} : memref<5x64xi32, #tpu.memory_space<vmem>>, vector<16xi32>,
    %dma_wait3A_996 = arith.constant 0 : i32
    %dma_wait3A_997 = tpu.memref_slice %arg2[%mul3A_0, %dma_wait3A_996] : memref<5120x128xf32, #tpu.memory_space<hbm>> -> memref<320x128xf32, #tpu.memory_space<hbm>>
    %dma_wait3A_998 = arith.constant 0 : i32
    %dma_wait3A_999 = tpu.memref_slice %arg2[%mul3A_0, %dma_wait3A_998] : memref<5120x128xf32, #tpu.memory_space<hbm>> -> memref<320x128xf32, #tpu.memory_space<hbm>>
    tpu.wait_dma2 semaphore(%arg13 : memref<!tpu.dma_semaphore, #tpu.memory_space<semaphore_mem>>) src(%dma_wait3A_999 : memref<320x128xf32, #tpu.memory_space<hbm>>) dst(%arg6 : memref<320x128xf32, #tpu.memory_space<vmem>>)
    %barrier3A = arith.constant 0 : index
    tpu.barrier barrier_id(%barrier3A)
    %dma_start3A_1000 = arith.constant 0 : i32
    %dma_start3A_1001 = arith.constant 0 : i32
    %dma_start3A_1002 = arith.constant 0 : i32
    %dma_start3A_1003 = tpu.memref_slice %arg6[%dma_start3A_1001, %dma_start3A_1002] : memref<320x128xf32, #tpu.memory_space<vmem>> -> memref<64x128xf32, #tpu.memory_space<vmem>>
    %dma_start3A_1004 = arith.constant 0 : i32
    %dma_start3A_1005 = tpu.memref_slice %arg8[%dma_start3A_1000, %dma_start3A_1004] : memref<5x64xi32, #tpu.memory_space<vmem>> -> memref<1x64xi32, #tpu.memory_space<vmem>>
    %dma_start3A_1006 = tpu.memref_squeeze %dma_start3A_1005 : memref<1x64xi32, #tpu.memory_space<vmem>> -> memref<64xi32, #tpu.memory_space<vmem>>
    %dma_start3A_1007 = arith.constant 0 : i32
    %dma_start3A_1008 = arith.constant 0 : i32
    %dma_start3A_1009 = tpu.memref_slice %arg11[%dma_start3A_1007, %dma_start3A_1008] : memref<2048x128xf32, #tpu.memory_space<vmem_shared>> -> memref<2048x128xf32, #tpu.memory_space<vmem_shared>>
    tpu.enqueue_indirect_dma source(%dma_start3A_1003 : memref<64x128xf32, #tpu.memory_space<vmem>>) target(%dma_start3A_1009 : memref<2048x128xf32, #tpu.memory_space<vmem_shared>>) offsets(%dma_start3A_1006 : memref<64xi32, #tpu.memory_space<vmem>>) semaphore(%arg14 : memref<!tpu.dma_semaphore, #tpu.memory_space<semaphore_mem>>) {add = true}
    %dma_start3A_1010 = arith.constant 1 : i32
    %dma_start3A_1011 = arith.constant 64 : i32
    %dma_start3A_1012 = arith.constant 0 : i32
    %dma_start3A_1013 = tpu.memref_slice %arg6[%dma_start3A_1011, %dma_start3A_1012] : memref<320x128xf32, #tpu.memory_space<vmem>> -> memref<64x128xf32, #tpu.memory_space<vmem>>
    %dma_start3A_1014 = arith.constant 0 : i32
    %dma_start3A_1015 = tpu.memref_slice %arg8[%dma_start3A_1010, %dma_start3A_1014] : memref<5x64xi32, #tpu.memory_space<vmem>> -> memref<1x64xi32, #tpu.memory_space<vmem>>
    %dma_start3A_1016 = tpu.memref_squeeze %dma_start3A_1015 : memref<1x64xi32, #tpu.memory_space<vmem>> -> memref<64xi32, #tpu.memory_space<vmem>>
    %dma_start3A_1017 = arith.constant 0 : i32
    %dma_start3A_1018 = arith.constant 0 : i32
    %dma_start3A_1019 = tpu.memref_slice %arg11[%dma_start3A_1017, %dma_start3A_1018] : memref<2048x128xf32, #tpu.memory_space<vmem_shared>> -> memref<2048x128xf32, #tpu.memory_space<vmem_shared>>
    tpu.enqueue_indirect_dma source(%dma_start3A_1013 : memref<64x128xf32, #tpu.memory_space<vmem>>) target(%dma_start3A_1019 : memref<2048x128xf32, #tpu.memory_space<vmem_shared>>) offsets(%dma_start3A_1016 : memref<64xi32, #tpu.memory_space<vmem>>) semaphore(%arg14 : memref<!tpu.dma_semaphore, #tpu.memory_space<semaphore_mem>>) {add = true}
    %dma_start3A_1020 = arith.constant 2 : i32
    %dma_start3A_1021 = arith.constant 128 : i32
    %dma_start3A_1022 = arith.constant 0 : i32
    %dma_start3A_1023 = tpu.memref_slice %arg6[%dma_start3A_1021, %dma_start3A_1022] : memref<320x128xf32, #tpu.memory_space<vmem>> -> memref<64x128xf32, #tpu.memory_space<vmem>>
    %dma_start3A_1024 = arith.constant 0 : i32
    %dma_start3A_1025 = tpu.memref_slice %arg8[%dma_start3A_1020, %dma_start3A_1024] : memref<5x64xi32, #tpu.memory_space<vmem>> -> memref<1x64xi32, #tpu.memory_space<vmem>>
    %dma_start3A_1026 = tpu.memref_squeeze %dma_start3A_1025 : memref<1x64xi32, #tpu.memory_space<vmem>> -> memref<64xi32, #tpu.memory_space<vmem>>
    %dma_start3A_1027 = arith.constant 0 : i32
    %dma_start3A_1028 = arith.constant 0 : i32
    %dma_start3A_1029 = tpu.memref_slice %arg11[%dma_start3A_1027, %dma_start3A_1028] : memref<2048x128xf32, #tpu.memory_space<vmem_shared>> -> memref<2048x128xf32, #tpu.memory_space<vmem_shared>>
    tpu.enqueue_indirect_dma source(%dma_start3A_1023 : memref<64x128xf32, #tpu.memory_space<vmem>>) target(%dma_start3A_1029 : memref<2048x128xf32, #tpu.memory_space<vmem_shared>>) offsets(%dma_start3A_1026 : memref<64xi32, #tpu.memory_space<vmem>>) semaphore(%arg14 : memref<!tpu.dma_semaphore, #tpu.memory_space<semaphore_mem>>) {add = true}
    %dma_start3A_1030 = arith.constant 3 : i32
    %dma_start3A_1031 = arith.constant 192 : i32
    %dma_start3A_1032 = arith.constant 0 : i32
    %dma_start3A_1033 = tpu.memref_slice %arg6[%dma_start3A_1031, %dma_start3A_1032] : memref<320x128xf32, #tpu.memory_space<vmem>> -> memref<64x128xf32, #tpu.memory_space<vmem>>
    %dma_start3A_1034 = arith.constant 0 : i32
    %dma_start3A_1035 = tpu.memref_slice %arg8[%dma_start3A_1030, %dma_start3A_1034] : memref<5x64xi32, #tpu.memory_space<vmem>> -> memref<1x64xi32, #tpu.memory_space<vmem>>
    %dma_start3A_1036 = tpu.memref_squeeze %dma_start3A_1035 : memref<1x64xi32, #tpu.memory_space<vmem>> -> memref<64xi32, #tpu.memory_space<vmem>>
    %dma_start3A_1037 = arith.constant 0 : i32
    %dma_start3A_1038 = arith.constant 0 : i32
    %dma_start3A_1039 = tpu.memref_slice %arg11[%dma_start3A_1037, %dma_start3A_1038] : memref<2048x128xf32, #tpu.memory_space<vmem_shared>> -> memref<2048x128xf32, #tpu.memory_space<vmem_shared>>
    tpu.enqueue_indirect_dma source(%dma_start3A_1033 : memref<64x128xf32, #tpu.memory_space<vmem>>) target(%dma_start3A_1039 : memref<2048x128xf32, #tpu.memory_space<vmem_shared>>) offsets(%dma_start3A_1036 : memref<64xi32, #tpu.memory_space<vmem>>) semaphore(%arg14 : memref<!tpu.dma_semaphore, #tpu.memory_space<semaphore_mem>>) {add = true}
    %dma_start3A_1040 = arith.constant 4 : i32
    %dma_start3A_1041 = arith.constant 256 : i32
    %dma_start3A_1042 = arith.constant 0 : i32
    %dma_start3A_1043 = tpu.memref_slice %arg6[%dma_start3A_1041, %dma_start3A_1042] : memref<320x128xf32, #tpu.memory_space<vmem>> -> memref<64x128xf32, #tpu.memory_space<vmem>>
    %dma_start3A_1044 = arith.constant 0 : i32
    %dma_start3A_1045 = tpu.memref_slice %arg8[%dma_start3A_1040, %dma_start3A_1044] : memref<5x64xi32, #tpu.memory_space<vmem>> -> memref<1x64xi32, #tpu.memory_space<vmem>>
    %dma_start3A_1046 = tpu.memref_squeeze %dma_start3A_1045 : memref<1x64xi32, #tpu.memory_space<vmem>> -> memref<64xi32, #tpu.memory_space<vmem>>
    %dma_start3A_1047 = arith.constant 0 : i32
    %dma_start3A_1048 = arith.constant 0 : i32
    %dma_start3A_1049 = tpu.memref_slice %arg11[%dma_start3A_1047, %dma_start3A_1048] : memref<2048x128xf32, #tpu.memory_space<vmem_shared>> -> memref<2048x128xf32, #tpu.memory_space<vmem_shared>>
    tpu.enqueue_indirect_dma source(%dma_start3A_1043 : memref<64x128xf32, #tpu.memory_space<vmem>>) target(%dma_start3A_1049 : memref<2048x128xf32, #tpu.memory_space<vmem_shared>>) offsets(%dma_start3A_1046 : memref<64xi32, #tpu.memory_space<vmem>>) semaphore(%arg14 : memref<!tpu.dma_semaphore, #tpu.memory_space<semaphore_mem>>) {add = true}
    %broadcast_in_dim3A_1050 = arith.constant 0 : i32
    %broadcast_in_dim3A_1051 = vector.broadcast %broadcast_in_dim3A_1050 : i32 to vector<16xi32>
    %mul3A_1052 = arith.constant 5 : i32
    %mul3A_1053 = arith.muli %arg1, %mul3A_1052 : i32
    %while3A = arith.constant 0 : i32
    %while3A_1054 = arith.subi %mul3A_1053, %while3A : i32
    %while3A_1055 = arith.addi %while3A, %while3A_1054 : i32
    %while3A_1056 = arith.constant 1 : i32
    %while3A_1057 = arith.divsi %while3A_1054, %while3A_1056 : i32
    %while3A_1058 = arith.muli %while3A_1057, %while3A_1056 : i32
    %while3A_1059 = arith.addi %while3A, %while3A_1058 : i32
    %while3A_1060 = arith.constant 1 : i32
    %while3A_1061 = scf.for %while3A_2180 = %while3A to %while3A_1059 step %while3A_1060 iter_args(%while3A_2181 = %broadcast_in_dim3A_1051) -> (vector<16xi32>)  : i32 {
      %mul3A_2182 = arith.constant 4 : i32
      %mul3A_2183 = arith.muli %mul3A_2182, %while3A_2180 : i32
      %add3A_2184 = arith.constant 0 : i32
      %add3A_2185 = arith.addi %mul3A_2183, %add3A_2184 : i32
      %mul3A_2186 = arith.constant 16 : i32
      %mul3A_2187 = arith.muli %mul3A_2186, %add3A_2185 : i32
      %get3A_2188 = arith.index_cast %mul3A_2187 : i32 to index
      %get3A_2189 = tpu.vector_load %arg5[%get3A_2188] {strides = array<i32>} : memref<5136xi32, #tpu.memory_space<vmem>>, vector<16xi32>,
      %mul3A_2190 = arith.constant 16 : i32
      %mul3A_2191 = arith.muli %mul3A_2190, %add3A_2185 : i32
      %add3A_2192 = arith.constant 1 : i32
      %add3A_2193 = arith.addi %mul3A_2191, %add3A_2192 : i32
      %add3A_2194 = vector.broadcast %add3A_2193 : i32 to vector<16xi32>
      %add3A_2195 = arith.addi %add3A_2194, %iota3A : vector<16xi32>
      %gather3A_2196 = tpu.vector_load_idx %arg5[%add3A_2195] : memref<5136xi32, #tpu.memory_space<vmem>>[vector<16xi32>], vector<16xi32>,
      %ne3A_2197 = arith.cmpi ne, %get3A_2189, %gather3A_2196 : vector<16xi32>
      %jit3A_2198 = arith.constant 1 : i32
      %jit3A_2199 = arith.constant 0 : i32
      %broadcast_in_dim3A_2200 = vector.broadcast %jit3A_2198 : i32 to vector<16xi32>
      %broadcast_in_dim3A_2201 = vector.broadcast %jit3A_2199 : i32 to vector<16xi32>
      %select_n3A_2202 = arith.select %ne3A_2197, %broadcast_in_dim3A_2200, %broadcast_in_dim3A_2201 : vector<16xi1>, vector<16xi32>
      %add3A_2203 = arith.addi %while3A_2181, %select_n3A_2202 : vector<16xi32>
      %mul3A_2204 = arith.constant 4 : i32
      %mul3A_2205 = arith.muli %mul3A_2204, %while3A_2180 : i32
      %add3A_2206 = arith.constant 1 : i32
      %add3A_2207 = arith.addi %mul3A_2205, %add3A_2206 : i32
      %mul3A_2208 = arith.constant 16 : i32
      %mul3A_2209 = arith.muli %mul3A_2208, %add3A_2207 : i32
      %get3A_2210 = arith.index_cast %mul3A_2209 : i32 to index
      %get3A_2211 = tpu.vector_load %arg5[%get3A_2210] {strides = array<i32>} : memref<5136xi32, #tpu.memory_space<vmem>>, vector<16xi32>,
      %mul3A_2212 = arith.constant 16 : i32
      %mul3A_2213 = arith.muli %mul3A_2212, %add3A_2207 : i32
      %add3A_2214 = arith.constant 1 : i32
      %add3A_2215 = arith.addi %mul3A_2213, %add3A_2214 : i32
      %add3A_2216 = vector.broadcast %add3A_2215 : i32 to vector<16xi32>
      %add3A_2217 = arith.addi %add3A_2216, %iota3A : vector<16xi32>
      %gather3A_2218 = tpu.vector_load_idx %arg5[%add3A_2217] : memref<5136xi32, #tpu.memory_space<vmem>>[vector<16xi32>], vector<16xi32>,
      %ne3A_2219 = arith.cmpi ne, %get3A_2211, %gather3A_2218 : vector<16xi32>
      %jit3A_2220 = arith.constant 1 : i32
      %jit3A_2221 = arith.constant 0 : i32
      %broadcast_in_dim3A_2222 = vector.broadcast %jit3A_2220 : i32 to vector<16xi32>
      %broadcast_in_dim3A_2223 = vector.broadcast %jit3A_2221 : i32 to vector<16xi32>
      %select_n3A_2224 = arith.select %ne3A_2219, %broadcast_in_dim3A_2222, %broadcast_in_dim3A_2223 : vector<16xi1>, vector<16xi32>
      %add3A_2225 = arith.addi %add3A_2203, %select_n3A_2224 : vector<16xi32>
      %mul3A_2226 = arith.constant 4 : i32
      %mul3A_2227 = arith.muli %mul3A_2226, %while3A_2180 : i32
      %add3A_2228 = arith.constant 2 : i32
      %add3A_2229 = arith.addi %mul3A_2227, %add3A_2228 : i32
      %mul3A_2230 = arith.constant 16 : i32
      %mul3A_2231 = arith.muli %mul3A_2230, %add3A_2229 : i32
      %get3A_2232 = arith.index_cast %mul3A_2231 : i32 to index
      %get3A_2233 = tpu.vector_load %arg5[%get3A_2232] {strides = array<i32>} : memref<5136xi32, #tpu.memory_space<vmem>>, vector<16xi32>,
      %mul3A_2234 = arith.constant 16 : i32
      %mul3A_2235 = arith.muli %mul3A_2234, %add3A_2229 : i32
      %add3A_2236 = arith.constant 1 : i32
      %add3A_2237 = arith.addi %mul3A_2235, %add3A_2236 : i32
      %add3A_2238 = vector.broadcast %add3A_2237 : i32 to vector<16xi32>
      %add3A_2239 = arith.addi %add3A_2238, %iota3A : vector<16xi32>
      %gather3A_2240 = tpu.vector_load_idx %arg5[%add3A_2239] : memref<5136xi32, #tpu.memory_space<vmem>>[vector<16xi32>], vector<16xi32>,
      %ne3A_2241 = arith.cmpi ne, %get3A_2233, %gather3A_2240 : vector<16xi32>
      %jit3A_2242 = arith.constant 1 : i32
      %jit3A_2243 = arith.constant 0 : i32
      %broadcast_in_dim3A_2244 = vector.broadcast %jit3A_2242 : i32 to vector<16xi32>
      %broadcast_in_dim3A_2245 = vector.broadcast %jit3A_2243 : i32 to vector<16xi32>
      %select_n3A_2246 = arith.select %ne3A_2241, %broadcast_in_dim3A_2244, %broadcast_in_dim3A_2245 : vector<16xi1>, vector<16xi32>
      %add3A_2247 = arith.addi %add3A_2225, %select_n3A_2246 : vector<16xi32>
      %mul3A_2248 = arith.constant 4 : i32
      %mul3A_2249 = arith.muli %mul3A_2248, %while3A_2180 : i32
      %add3A_2250 = arith.constant 3 : i32
      %add3A_2251 = arith.addi %mul3A_2249, %add3A_2250 : i32
      %mul3A_2252 = arith.constant 16 : i32
      %mul3A_2253 = arith.muli %mul3A_2252, %add3A_2251 : i32
      %get3A_2254 = arith.index_cast %mul3A_2253 : i32 to index
      %get3A_2255 = tpu.vector_load %arg5[%get3A_2254] {strides = array<i32>} : memref<5136xi32, #tpu.memory_space<vmem>>, vector<16xi32>,
      %mul3A_2256 = arith.constant 16 : i32
      %mul3A_2257 = arith.muli %mul3A_2256, %add3A_2251 : i32
      %add3A_2258 = arith.constant 1 : i32
      %add3A_2259 = arith.addi %mul3A_2257, %add3A_2258 : i32
      %add3A_2260 = vector.broadcast %add3A_2259 : i32 to vector<16xi32>
      %add3A_2261 = arith.addi %add3A_2260, %iota3A : vector<16xi32>
      %gather3A_2262 = tpu.vector_load_idx %arg5[%add3A_2261] : memref<5136xi32, #tpu.memory_space<vmem>>[vector<16xi32>], vector<16xi32>,
      %ne3A_2263 = arith.cmpi ne, %get3A_2255, %gather3A_2262 : vector<16xi32>
      %jit3A_2264 = arith.constant 1 : i32
      %jit3A_2265 = arith.constant 0 : i32
      %broadcast_in_dim3A_2266 = vector.broadcast %jit3A_2264 : i32 to vector<16xi32>
      %broadcast_in_dim3A_2267 = vector.broadcast %jit3A_2265 : i32 to vector<16xi32>
      %select_n3A_2268 = arith.select %ne3A_2263, %broadcast_in_dim3A_2266, %broadcast_in_dim3A_2267 : vector<16xi1>, vector<16xi32>
      %add3A_2269 = arith.addi %add3A_2247, %select_n3A_2268 : vector<16xi32>
      scf.yield %add3A_2269 : vector<16xi32>
    }
    %while3A_1062 = arith.constant 1 : i32
    %while3A_1063 = scf.for %while3A_2180 = %while3A_1059 to %while3A_1055 step %while3A_1062 iter_args(%while3A_2181 = %while3A_1061) -> (vector<16xi32>)  : i32 {
      %mul3A_2182 = arith.constant 4 : i32
      %mul3A_2183 = arith.muli %mul3A_2182, %while3A_2180 : i32
      %add3A_2184 = arith.constant 0 : i32
      %add3A_2185 = arith.addi %mul3A_2183, %add3A_2184 : i32
      %mul3A_2186 = arith.constant 16 : i32
      %mul3A_2187 = arith.muli %mul3A_2186, %add3A_2185 : i32
      %get3A_2188 = arith.index_cast %mul3A_2187 : i32 to index
      %get3A_2189 = tpu.vector_load %arg5[%get3A_2188] {strides = array<i32>} : memref<5136xi32, #tpu.memory_space<vmem>>, vector<16xi32>,
      %mul3A_2190 = arith.constant 16 : i32
      %mul3A_2191 = arith.muli %mul3A_2190, %add3A_2185 : i32
      %add3A_2192 = arith.constant 1 : i32
      %add3A_2193 = arith.addi %mul3A_2191, %add3A_2192 : i32
      %add3A_2194 = vector.broadcast %add3A_2193 : i32 to vector<16xi32>
      %add3A_2195 = arith.addi %add3A_2194, %iota3A : vector<16xi32>
      %gather3A_2196 = tpu.vector_load_idx %arg5[%add3A_2195] : memref<5136xi32, #tpu.memory_space<vmem>>[vector<16xi32>], vector<16xi32>,
      %ne3A_2197 = arith.cmpi ne, %get3A_2189, %gather3A_2196 : vector<16xi32>
      %jit3A_2198 = arith.constant 1 : i32
      %jit3A_2199 = arith.constant 0 : i32
      %broadcast_in_dim3A_2200 = vector.broadcast %jit3A_2198 : i32 to vector<16xi32>
      %broadcast_in_dim3A_2201 = vector.broadcast %jit3A_2199 : i32 to vector<16xi32>
      %select_n3A_2202 = arith.select %ne3A_2197, %broadcast_in_dim3A_2200, %broadcast_in_dim3A_2201 : vector<16xi1>, vector<16xi32>
      %add3A_2203 = arith.addi %while3A_2181, %select_n3A_2202 : vector<16xi32>
      %mul3A_2204 = arith.constant 4 : i32
      %mul3A_2205 = arith.muli %mul3A_2204, %while3A_2180 : i32
      %add3A_2206 = arith.constant 1 : i32
      %add3A_2207 = arith.addi %mul3A_2205, %add3A_2206 : i32
      %mul3A_2208 = arith.constant 16 : i32
      %mul3A_2209 = arith.muli %mul3A_2208, %add3A_2207 : i32
      %get3A_2210 = arith.index_cast %mul3A_2209 : i32 to index
      %get3A_2211 = tpu.vector_load %arg5[%get3A_2210] {strides = array<i32>} : memref<5136xi32, #tpu.memory_space<vmem>>, vector<16xi32>,
      %mul3A_2212 = arith.constant 16 : i32
      %mul3A_2213 = arith.muli %mul3A_2212, %add3A_2207 : i32
      %add3A_2214 = arith.constant 1 : i32
      %add3A_2215 = arith.addi %mul3A_2213, %add3A_2214 : i32
      %add3A_2216 = vector.broadcast %add3A_2215 : i32 to vector<16xi32>
      %add3A_2217 = arith.addi %add3A_2216, %iota3A : vector<16xi32>
      %gather3A_2218 = tpu.vector_load_idx %arg5[%add3A_2217] : memref<5136xi32, #tpu.memory_space<vmem>>[vector<16xi32>], vector<16xi32>,
      %ne3A_2219 = arith.cmpi ne, %get3A_2211, %gather3A_2218 : vector<16xi32>
      %jit3A_2220 = arith.constant 1 : i32
      %jit3A_2221 = arith.constant 0 : i32
      %broadcast_in_dim3A_2222 = vector.broadcast %jit3A_2220 : i32 to vector<16xi32>
      %broadcast_in_dim3A_2223 = vector.broadcast %jit3A_2221 : i32 to vector<16xi32>
      %select_n3A_2224 = arith.select %ne3A_2219, %broadcast_in_dim3A_2222, %broadcast_in_dim3A_2223 : vector<16xi1>, vector<16xi32>
      %add3A_2225 = arith.addi %add3A_2203, %select_n3A_2224 : vector<16xi32>
      %mul3A_2226 = arith.constant 4 : i32
      %mul3A_2227 = arith.muli %mul3A_2226, %while3A_2180 : i32
      %add3A_2228 = arith.constant 2 : i32
      %add3A_2229 = arith.addi %mul3A_2227, %add3A_2228 : i32
      %mul3A_2230 = arith.constant 16 : i32
      %mul3A_2231 = arith.muli %mul3A_2230, %add3A_2229 : i32
      %get3A_2232 = arith.index_cast %mul3A_2231 : i32 to index
      %get3A_2233 = tpu.vector_load %arg5[%get3A_2232] {strides = array<i32>} : memref<5136xi32, #tpu.memory_space<vmem>>, vector<16xi32>,
      %mul3A_2234 = arith.constant 16 : i32
      %mul3A_2235 = arith.muli %mul3A_2234, %add3A_2229 : i32
      %add3A_2236 = arith.constant 1 : i32
      %add3A_2237 = arith.addi %mul3A_2235, %add3A_2236 : i32
      %add3A_2238 = vector.broadcast %add3A_2237 : i32 to vector<16xi32>
      %add3A_2239 = arith.addi %add3A_2238, %iota3A : vector<16xi32>
      %gather3A_2240 = tpu.vector_load_idx %arg5[%add3A_2239] : memref<5136xi32, #tpu.memory_space<vmem>>[vector<16xi32>], vector<16xi32>,
      %ne3A_2241 = arith.cmpi ne, %get3A_2233, %gather3A_2240 : vector<16xi32>
      %jit3A_2242 = arith.constant 1 : i32
      %jit3A_2243 = arith.constant 0 : i32
      %broadcast_in_dim3A_2244 = vector.broadcast %jit3A_2242 : i32 to vector<16xi32>
      %broadcast_in_dim3A_2245 = vector.broadcast %jit3A_2243 : i32 to vector<16xi32>
      %select_n3A_2246 = arith.select %ne3A_2241, %broadcast_in_dim3A_2244, %broadcast_in_dim3A_2245 : vector<16xi1>, vector<16xi32>
      %add3A_2247 = arith.addi %add3A_2225, %select_n3A_2246 : vector<16xi32>
      %mul3A_2248 = arith.constant 4 : i32
      %mul3A_2249 = arith.muli %mul3A_2248, %while3A_2180 : i32
      %add3A_2250 = arith.constant 3 : i32
      %add3A_2251 = arith.addi %mul3A_2249, %add3A_2250 : i32
      %mul3A_2252 = arith.constant 16 : i32
      %mul3A_2253 = arith.muli %mul3A_2252, %add3A_2251 : i32
      %get3A_2254 = arith.index_cast %mul3A_2253 : i32 to index
      %get3A_2255 = tpu.vector_load %arg5[%get3A_2254] {strides = array<i32>} : memref<5136xi32, #tpu.memory_space<vmem>>, vector<16xi32>,
      %mul3A_2256 = arith.constant 16 : i32
      %mul3A_2257 = arith.muli %mul3A_2256, %add3A_2251 : i32
      %add3A_2258 = arith.constant 1 : i32
      %add3A_2259 = arith.addi %mul3A_2257, %add3A_2258 : i32
      %add3A_2260 = vector.broadcast %add3A_2259 : i32 to vector<16xi32>
      %add3A_2261 = arith.addi %add3A_2260, %iota3A : vector<16xi32>
      %gather3A_2262 = tpu.vector_load_idx %arg5[%add3A_2261] : memref<5136xi32, #tpu.memory_space<vmem>>[vector<16xi32>], vector<16xi32>,
      %ne3A_2263 = arith.cmpi ne, %get3A_2255, %gather3A_2262 : vector<16xi32>
      %jit3A_2264 = arith.constant 1 : i32
      %jit3A_2265 = arith.constant 0 : i32
      %broadcast_in_dim3A_2266 = vector.broadcast %jit3A_2264 : i32 to vector<16xi32>
      %broadcast_in_dim3A_2267 = vector.broadcast %jit3A_2265 : i32 to vector<16xi32>
      %select_n3A_2268 = arith.select %ne3A_2263, %broadcast_in_dim3A_2266, %broadcast_in_dim3A_2267 : vector<16xi1>, vector<16xi32>
      %add3A_2269 = arith.addi %add3A_2247, %select_n3A_2268 : vector<16xi32>
      scf.yield %add3A_2269 : vector<16xi32>
    }
    %reduce_sum3A = arith.constant true
    %reduce_sum3A_1064 = vector.broadcast %reduce_sum3A : i1 to vector<16xi1>
    %reduce_sum3A_1065 = tpu.scan <sum>, %while3A_1063 masked %reduce_sum3A_1064 : vector<16xi32>, vector<16xi1> -> vector<16xi32>
    %reduce_sum3A_1066 = vector.extract %reduce_sum3A_1065[15] : i32 from vector<16xi32>
    %add3A_1067 = arith.constant 0 : i32
    %add3A_1068 = arith.addi %mul3A_0, %add3A_1067 : i32
    %add3A_1069 = vector.broadcast %add3A_1068 : i32 to vector<16xi32>
    %add3A_1070 = arith.addi %add3A_1069, %iota3A : vector<16xi32>
    %add3A_1071 = arith.constant 0 : i32
    %add3A_1072 = arith.addi %mul3A_0, %add3A_1071 : i32
    %get3A_1073 = arith.index_cast %add3A_1072 : i32 to index
    %get3A_1074 = tpu.vector_load %arg5[%get3A_1073] {strides = array<i32>} : memref<5136xi32, #tpu.memory_space<vmem>>, vector<16xi32>,
    %add3A_1075 = arith.constant 0 : i32
    %add3A_1076 = arith.addi %mul3A_0, %add3A_1075 : i32
    %add3A_1077 = arith.constant 1 : i32
    %add3A_1078 = arith.addi %add3A_1076, %add3A_1077 : i32
    %add3A_1079 = vector.broadcast %add3A_1078 : i32 to vector<16xi32>
    %add3A_1080 = arith.addi %add3A_1079, %iota3A : vector<16xi32>
    %gather3A = tpu.vector_load_idx %arg5[%add3A_1080] : memref<5136xi32, #tpu.memory_space<vmem>>[vector<16xi32>], vector<16xi32>,
    %ne3A = arith.cmpi ne, %get3A_1074, %gather3A : vector<16xi32>
    %jit3A = arith.constant 1 : i32
    %jit3A_1081 = arith.constant 0 : i32
    %broadcast_in_dim3A_1082 = vector.broadcast %jit3A : i32 to vector<16xi32>
    %broadcast_in_dim3A_1083 = vector.broadcast %jit3A_1081 : i32 to vector<16xi32>
    %select_n3A = arith.select %ne3A, %broadcast_in_dim3A_1082, %broadcast_in_dim3A_1083 : vector<16xi1>, vector<16xi32>
    %broadcast_in_dim3A_1084 = arith.constant true
    %broadcast_in_dim3A_1085 = vector.broadcast %broadcast_in_dim3A_1084 : i1 to vector<16xi1>
    %masked_cumsum3A = tpu.scan <sum>, %select_n3A masked %broadcast_in_dim3A_1085 : vector<16xi32>, vector<16xi1> -> vector<16xi32>
    %add3A_1086 = vector.broadcast %reduce_sum3A_1066 : i32 to vector<16xi32>
    %add3A_1087 = arith.addi %add3A_1086, %masked_cumsum3A : vector<16xi32>
    %sub3A = arith.subi %add3A_1087, %select_n3A : vector<16xi32>
    %lt3A = arith.constant 5000 : i32
    %lt3A_1088 = vector.broadcast %lt3A : i32 to vector<16xi32>
    %lt3A_1089 = arith.cmpi slt, %add3A_1070, %lt3A_1088 : vector<16xi32>
    %and3A = arith.andi %ne3A, %lt3A_1089 : vector<16xi1>
    %jit3A_1090 = arith.constant 2040 : i32
    %broadcast_in_dim3A_1091 = vector.broadcast %jit3A_1090 : i32 to vector<16xi32>
    %select_n3A_1092 = arith.select %and3A, %sub3A, %broadcast_in_dim3A_1091 : vector<16xi1>, vector<16xi32>
    %swap3A_1093 = arith.constant 0 : i32
    %swap3A_1094 = arith.index_cast %swap3A_1093 : i32 to index
    %swap3A_1095 = arith.constant 0 : index
    %swap3A_1096 = tpu.vector_load %arg9[%swap3A_1094, %swap3A_1095] {strides = array<i32>} : memref<5x64xi32, #tpu.memory_space<vmem>>, vector<16xi32>,
    tpu.vector_store %arg9[%swap3A_1094, %swap3A_1095], %select_n3A_1092 {strides = array<i32>} : memref<5x64xi32, #tpu.memory_space<vmem>>, vector<16xi32>,
    %reduce_sum3A_1097 = arith.constant true
    %reduce_sum3A_1098 = vector.broadcast %reduce_sum3A_1097 : i1 to vector<16xi1>
    %reduce_sum3A_1099 = tpu.scan <sum>, %select_n3A masked %reduce_sum3A_1098 : vector<16xi32>, vector<16xi1> -> vector<16xi32>
    %reduce_sum3A_1100 = vector.extract %reduce_sum3A_1099[15] : i32 from vector<16xi32>
    %add3A_1101 = arith.addi %reduce_sum3A_1066, %reduce_sum3A_1100 : i32
    %add3A_1102 = arith.constant 16 : i32
    %add3A_1103 = arith.addi %mul3A_0, %add3A_1102 : i32
    %add3A_1104 = vector.broadcast %add3A_1103 : i32 to vector<16xi32>
    %add3A_1105 = arith.addi %add3A_1104, %iota3A : vector<16xi32>
    %add3A_1106 = arith.constant 16 : i32
    %add3A_1107 = arith.addi %mul3A_0, %add3A_1106 : i32
    %get3A_1108 = arith.index_cast %add3A_1107 : i32 to index
    %get3A_1109 = tpu.vector_load %arg5[%get3A_1108] {strides = array<i32>} : memref<5136xi32, #tpu.memory_space<vmem>>, vector<16xi32>,
    %add3A_1110 = arith.constant 16 : i32
    %add3A_1111 = arith.addi %mul3A_0, %add3A_1110 : i32
    %add3A_1112 = arith.constant 1 : i32
    %add3A_1113 = arith.addi %add3A_1111, %add3A_1112 : i32
    %add3A_1114 = vector.broadcast %add3A_1113 : i32 to vector<16xi32>
    %add3A_1115 = arith.addi %add3A_1114, %iota3A : vector<16xi32>
    %gather3A_1116 = tpu.vector_load_idx %arg5[%add3A_1115] : memref<5136xi32, #tpu.memory_space<vmem>>[vector<16xi32>], vector<16xi32>,
    %ne3A_1117 = arith.cmpi ne, %get3A_1109, %gather3A_1116 : vector<16xi32>
    %jit3A_1118 = arith.constant 1 : i32
    %jit3A_1119 = arith.constant 0 : i32
    %broadcast_in_dim3A_1120 = vector.broadcast %jit3A_1118 : i32 to vector<16xi32>
    %broadcast_in_dim3A_1121 = vector.broadcast %jit3A_1119 : i32 to vector<16xi32>
    %select_n3A_1122 = arith.select %ne3A_1117, %broadcast_in_dim3A_1120, %broadcast_in_dim3A_1121 : vector<16xi1>, vector<16xi32>
    %broadcast_in_dim3A_1123 = arith.constant true
    %broadcast_in_dim3A_1124 = vector.broadcast %broadcast_in_dim3A_1123 : i1 to vector<16xi1>
    %masked_cumsum3A_1125 = tpu.scan <sum>, %select_n3A_1122 masked %broadcast_in_dim3A_1124 : vector<16xi32>, vector<16xi1> -> vector<16xi32>
    %add3A_1126 = vector.broadcast %add3A_1101 : i32 to vector<16xi32>
    %add3A_1127 = arith.addi %add3A_1126, %masked_cumsum3A_1125 : vector<16xi32>
    %sub3A_1128 = arith.subi %add3A_1127, %select_n3A_1122 : vector<16xi32>
    %lt3A_1129 = arith.constant 5000 : i32
    %lt3A_1130 = vector.broadcast %lt3A_1129 : i32 to vector<16xi32>
    %lt3A_1131 = arith.cmpi slt, %add3A_1105, %lt3A_1130 : vector<16xi32>
    %and3A_1132 = arith.andi %ne3A_1117, %lt3A_1131 : vector<16xi1>
    %jit3A_1133 = arith.constant 2040 : i32
    %broadcast_in_dim3A_1134 = vector.broadcast %jit3A_1133 : i32 to vector<16xi32>
    %select_n3A_1135 = arith.select %and3A_1132, %sub3A_1128, %broadcast_in_dim3A_1134 : vector<16xi1>, vector<16xi32>
    %swap3A_1136 = arith.constant 0 : i32
    %swap3A_1137 = arith.index_cast %swap3A_1136 : i32 to index
    %swap3A_1138 = arith.constant 16 : index
    %swap3A_1139 = tpu.vector_load %arg9[%swap3A_1137, %swap3A_1138] {strides = array<i32>} : memref<5x64xi32, #tpu.memory_space<vmem>>, vector<16xi32>,
    tpu.vector_store %arg9[%swap3A_1137, %swap3A_1138], %select_n3A_1135 {strides = array<i32>} : memref<5x64xi32, #tpu.memory_space<vmem>>, vector<16xi32>,
    %reduce_sum3A_1140 = arith.constant true
    %reduce_sum3A_1141 = vector.broadcast %reduce_sum3A_1140 : i1 to vector<16xi1>
    %reduce_sum3A_1142 = tpu.scan <sum>, %select_n3A_1122 masked %reduce_sum3A_1141 : vector<16xi32>, vector<16xi1> -> vector<16xi32>
    %reduce_sum3A_1143 = vector.extract %reduce_sum3A_1142[15] : i32 from vector<16xi32>
    %add3A_1144 = arith.addi %add3A_1101, %reduce_sum3A_1143 : i32
    %add3A_1145 = arith.constant 32 : i32
    %add3A_1146 = arith.addi %mul3A_0, %add3A_1145 : i32
    %add3A_1147 = vector.broadcast %add3A_1146 : i32 to vector<16xi32>
    %add3A_1148 = arith.addi %add3A_1147, %iota3A : vector<16xi32>
    %add3A_1149 = arith.constant 32 : i32
    %add3A_1150 = arith.addi %mul3A_0, %add3A_1149 : i32
    %get3A_1151 = arith.index_cast %add3A_1150 : i32 to index
    %get3A_1152 = tpu.vector_load %arg5[%get3A_1151] {strides = array<i32>} : memref<5136xi32, #tpu.memory_space<vmem>>, vector<16xi32>,
    %add3A_1153 = arith.constant 32 : i32
    %add3A_1154 = arith.addi %mul3A_0, %add3A_1153 : i32
    %add3A_1155 = arith.constant 1 : i32
    %add3A_1156 = arith.addi %add3A_1154, %add3A_1155 : i32
    %add3A_1157 = vector.broadcast %add3A_1156 : i32 to vector<16xi32>
    %add3A_1158 = arith.addi %add3A_1157, %iota3A : vector<16xi32>
    %gather3A_1159 = tpu.vector_load_idx %arg5[%add3A_1158] : memref<5136xi32, #tpu.memory_space<vmem>>[vector<16xi32>], vector<16xi32>,
    %ne3A_1160 = arith.cmpi ne, %get3A_1152, %gather3A_1159 : vector<16xi32>
    %jit3A_1161 = arith.constant 1 : i32
    %jit3A_1162 = arith.constant 0 : i32
    %broadcast_in_dim3A_1163 = vector.broadcast %jit3A_1161 : i32 to vector<16xi32>
    %broadcast_in_dim3A_1164 = vector.broadcast %jit3A_1162 : i32 to vector<16xi32>
    %select_n3A_1165 = arith.select %ne3A_1160, %broadcast_in_dim3A_1163, %broadcast_in_dim3A_1164 : vector<16xi1>, vector<16xi32>
    %broadcast_in_dim3A_1166 = arith.constant true
    %broadcast_in_dim3A_1167 = vector.broadcast %broadcast_in_dim3A_1166 : i1 to vector<16xi1>
    %masked_cumsum3A_1168 = tpu.scan <sum>, %select_n3A_1165 masked %broadcast_in_dim3A_1167 : vector<16xi32>, vector<16xi1> -> vector<16xi32>
    %add3A_1169 = vector.broadcast %add3A_1144 : i32 to vector<16xi32>
    %add3A_1170 = arith.addi %add3A_1169, %masked_cumsum3A_1168 : vector<16xi32>
    %sub3A_1171 = arith.subi %add3A_1170, %select_n3A_1165 : vector<16xi32>
    %lt3A_1172 = arith.constant 5000 : i32
    %lt3A_1173 = vector.broadcast %lt3A_1172 : i32 to vector<16xi32>
    %lt3A_1174 = arith.cmpi slt, %add3A_1148, %lt3A_1173 : vector<16xi32>
    %and3A_1175 = arith.andi %ne3A_1160, %lt3A_1174 : vector<16xi1>
    %jit3A_1176 = arith.constant 2040 : i32
    %broadcast_in_dim3A_1177 = vector.broadcast %jit3A_1176 : i32 to vector<16xi32>
    %select_n3A_1178 = arith.select %and3A_1175, %sub3A_1171, %broadcast_in_dim3A_1177 : vector<16xi1>, vector<16xi32>
    %swap3A_1179 = arith.constant 0 : i32
    %swap3A_1180 = arith.index_cast %swap3A_1179 : i32 to index
    %swap3A_1181 = arith.constant 32 : index
    %swap3A_1182 = tpu.vector_load %arg9[%swap3A_1180, %swap3A_1181] {strides = array<i32>} : memref<5x64xi32, #tpu.memory_space<vmem>>, vector<16xi32>,
    tpu.vector_store %arg9[%swap3A_1180, %swap3A_1181], %select_n3A_1178 {strides = array<i32>} : memref<5x64xi32, #tpu.memory_space<vmem>>, vector<16xi32>,
    %reduce_sum3A_1183 = arith.constant true
    %reduce_sum3A_1184 = vector.broadcast %reduce_sum3A_1183 : i1 to vector<16xi1>
    %reduce_sum3A_1185 = tpu.scan <sum>, %select_n3A_1165 masked %reduce_sum3A_1184 : vector<16xi32>, vector<16xi1> -> vector<16xi32>
    %reduce_sum3A_1186 = vector.extract %reduce_sum3A_1185[15] : i32 from vector<16xi32>
    %add3A_1187 = arith.addi %add3A_1144, %reduce_sum3A_1186 : i32
    %add3A_1188 = arith.constant 48 : i32
    %add3A_1189 = arith.addi %mul3A_0, %add3A_1188 : i32
    %add3A_1190 = vector.broadcast %add3A_1189 : i32 to vector<16xi32>
    %add3A_1191 = arith.addi %add3A_1190, %iota3A : vector<16xi32>
    %add3A_1192 = arith.constant 48 : i32
    %add3A_1193 = arith.addi %mul3A_0, %add3A_1192 : i32
    %get3A_1194 = arith.index_cast %add3A_1193 : i32 to index
    %get3A_1195 = tpu.vector_load %arg5[%get3A_1194] {strides = array<i32>} : memref<5136xi32, #tpu.memory_space<vmem>>, vector<16xi32>,
    %add3A_1196 = arith.constant 48 : i32
    %add3A_1197 = arith.addi %mul3A_0, %add3A_1196 : i32
    %add3A_1198 = arith.constant 1 : i32
    %add3A_1199 = arith.addi %add3A_1197, %add3A_1198 : i32
    %add3A_1200 = vector.broadcast %add3A_1199 : i32 to vector<16xi32>
    %add3A_1201 = arith.addi %add3A_1200, %iota3A : vector<16xi32>
    %gather3A_1202 = tpu.vector_load_idx %arg5[%add3A_1201] : memref<5136xi32, #tpu.memory_space<vmem>>[vector<16xi32>], vector<16xi32>,
    %ne3A_1203 = arith.cmpi ne, %get3A_1195, %gather3A_1202 : vector<16xi32>
    %jit3A_1204 = arith.constant 1 : i32
    %jit3A_1205 = arith.constant 0 : i32
    %broadcast_in_dim3A_1206 = vector.broadcast %jit3A_1204 : i32 to vector<16xi32>
    %broadcast_in_dim3A_1207 = vector.broadcast %jit3A_1205 : i32 to vector<16xi32>
    %select_n3A_1208 = arith.select %ne3A_1203, %broadcast_in_dim3A_1206, %broadcast_in_dim3A_1207 : vector<16xi1>, vector<16xi32>
    %broadcast_in_dim3A_1209 = arith.constant true
    %broadcast_in_dim3A_1210 = vector.broadcast %broadcast_in_dim3A_1209 : i1 to vector<16xi1>
    %masked_cumsum3A_1211 = tpu.scan <sum>, %select_n3A_1208 masked %broadcast_in_dim3A_1210 : vector<16xi32>, vector<16xi1> -> vector<16xi32>
    %add3A_1212 = vector.broadcast %add3A_1187 : i32 to vector<16xi32>
    %add3A_1213 = arith.addi %add3A_1212, %masked_cumsum3A_1211 : vector<16xi32>
    %sub3A_1214 = arith.subi %add3A_1213, %select_n3A_1208 : vector<16xi32>
    %lt3A_1215 = arith.constant 5000 : i32
    %lt3A_1216 = vector.broadcast %lt3A_1215 : i32 to vector<16xi32>
    %lt3A_1217 = arith.cmpi slt, %add3A_1191, %lt3A_1216 : vector<16xi32>
    %and3A_1218 = arith.andi %ne3A_1203, %lt3A_1217 : vector<16xi1>
    %jit3A_1219 = arith.constant 2040 : i32
    %broadcast_in_dim3A_1220 = vector.broadcast %jit3A_1219 : i32 to vector<16xi32>
    %select_n3A_1221 = arith.select %and3A_1218, %sub3A_1214, %broadcast_in_dim3A_1220 : vector<16xi1>, vector<16xi32>
    %swap3A_1222 = arith.constant 0 : i32
    %swap3A_1223 = arith.index_cast %swap3A_1222 : i32 to index
    %swap3A_1224 = arith.constant 48 : index
    %swap3A_1225 = tpu.vector_load %arg9[%swap3A_1223, %swap3A_1224] {strides = array<i32>} : memref<5x64xi32, #tpu.memory_space<vmem>>, vector<16xi32>,
    tpu.vector_store %arg9[%swap3A_1223, %swap3A_1224], %select_n3A_1221 {strides = array<i32>} : memref<5x64xi32, #tpu.memory_space<vmem>>, vector<16xi32>,
    %reduce_sum3A_1226 = arith.constant true
    %reduce_sum3A_1227 = vector.broadcast %reduce_sum3A_1226 : i1 to vector<16xi1>
    %reduce_sum3A_1228 = tpu.scan <sum>, %select_n3A_1208 masked %reduce_sum3A_1227 : vector<16xi32>, vector<16xi1> -> vector<16xi32>
    %reduce_sum3A_1229 = vector.extract %reduce_sum3A_1228[15] : i32 from vector<16xi32>
    %add3A_1230 = arith.addi %add3A_1187, %reduce_sum3A_1229 : i32
    %add3A_1231 = arith.constant 64 : i32
    %add3A_1232 = arith.addi %mul3A_0, %add3A_1231 : i32
    %add3A_1233 = vector.broadcast %add3A_1232 : i32 to vector<16xi32>
    %add3A_1234 = arith.addi %add3A_1233, %iota3A : vector<16xi32>
    %add3A_1235 = arith.constant 64 : i32
    %add3A_1236 = arith.addi %mul3A_0, %add3A_1235 : i32
    %get3A_1237 = arith.index_cast %add3A_1236 : i32 to index
    %get3A_1238 = tpu.vector_load %arg5[%get3A_1237] {strides = array<i32>} : memref<5136xi32, #tpu.memory_space<vmem>>, vector<16xi32>,
    %add3A_1239 = arith.constant 64 : i32
    %add3A_1240 = arith.addi %mul3A_0, %add3A_1239 : i32
    %add3A_1241 = arith.constant 1 : i32
    %add3A_1242 = arith.addi %add3A_1240, %add3A_1241 : i32
    %add3A_1243 = vector.broadcast %add3A_1242 : i32 to vector<16xi32>
    %add3A_1244 = arith.addi %add3A_1243, %iota3A : vector<16xi32>
    %gather3A_1245 = tpu.vector_load_idx %arg5[%add3A_1244] : memref<5136xi32, #tpu.memory_space<vmem>>[vector<16xi32>], vector<16xi32>,
    %ne3A_1246 = arith.cmpi ne, %get3A_1238, %gather3A_1245 : vector<16xi32>
    %jit3A_1247 = arith.constant 1 : i32
    %jit3A_1248 = arith.constant 0 : i32
    %broadcast_in_dim3A_1249 = vector.broadcast %jit3A_1247 : i32 to vector<16xi32>
    %broadcast_in_dim3A_1250 = vector.broadcast %jit3A_1248 : i32 to vector<16xi32>
    %select_n3A_1251 = arith.select %ne3A_1246, %broadcast_in_dim3A_1249, %broadcast_in_dim3A_1250 : vector<16xi1>, vector<16xi32>
    %broadcast_in_dim3A_1252 = arith.constant true
    %broadcast_in_dim3A_1253 = vector.broadcast %broadcast_in_dim3A_1252 : i1 to vector<16xi1>
    %masked_cumsum3A_1254 = tpu.scan <sum>, %select_n3A_1251 masked %broadcast_in_dim3A_1253 : vector<16xi32>, vector<16xi1> -> vector<16xi32>
    %add3A_1255 = vector.broadcast %add3A_1230 : i32 to vector<16xi32>
    %add3A_1256 = arith.addi %add3A_1255, %masked_cumsum3A_1254 : vector<16xi32>
    %sub3A_1257 = arith.subi %add3A_1256, %select_n3A_1251 : vector<16xi32>
    %lt3A_1258 = arith.constant 5000 : i32
    %lt3A_1259 = vector.broadcast %lt3A_1258 : i32 to vector<16xi32>
    %lt3A_1260 = arith.cmpi slt, %add3A_1234, %lt3A_1259 : vector<16xi32>
    %and3A_1261 = arith.andi %ne3A_1246, %lt3A_1260 : vector<16xi1>
    %jit3A_1262 = arith.constant 2040 : i32
    %broadcast_in_dim3A_1263 = vector.broadcast %jit3A_1262 : i32 to vector<16xi32>
    %select_n3A_1264 = arith.select %and3A_1261, %sub3A_1257, %broadcast_in_dim3A_1263 : vector<16xi1>, vector<16xi32>
    %swap3A_1265 = arith.constant 1 : i32
    %swap3A_1266 = arith.index_cast %swap3A_1265 : i32 to index
    %swap3A_1267 = arith.constant 0 : index
    %swap3A_1268 = tpu.vector_load %arg9[%swap3A_1266, %swap3A_1267] {strides = array<i32>} : memref<5x64xi32, #tpu.memory_space<vmem>>, vector<16xi32>,
    tpu.vector_store %arg9[%swap3A_1266, %swap3A_1267], %select_n3A_1264 {strides = array<i32>} : memref<5x64xi32, #tpu.memory_space<vmem>>, vector<16xi32>,
    %reduce_sum3A_1269 = arith.constant true
    %reduce_sum3A_1270 = vector.broadcast %reduce_sum3A_1269 : i1 to vector<16xi1>
    %reduce_sum3A_1271 = tpu.scan <sum>, %select_n3A_1251 masked %reduce_sum3A_1270 : vector<16xi32>, vector<16xi1> -> vector<16xi32>
    %reduce_sum3A_1272 = vector.extract %reduce_sum3A_1271[15] : i32 from vector<16xi32>
    %add3A_1273 = arith.addi %add3A_1230, %reduce_sum3A_1272 : i32
    %add3A_1274 = arith.constant 80 : i32
    %add3A_1275 = arith.addi %mul3A_0, %add3A_1274 : i32
    %add3A_1276 = vector.broadcast %add3A_1275 : i32 to vector<16xi32>
    %add3A_1277 = arith.addi %add3A_1276, %iota3A : vector<16xi32>
    %add3A_1278 = arith.constant 80 : i32
    %add3A_1279 = arith.addi %mul3A_0, %add3A_1278 : i32
    %get3A_1280 = arith.index_cast %add3A_1279 : i32 to index
    %get3A_1281 = tpu.vector_load %arg5[%get3A_1280] {strides = array<i32>} : memref<5136xi32, #tpu.memory_space<vmem>>, vector<16xi32>,
    %add3A_1282 = arith.constant 80 : i32
    %add3A_1283 = arith.addi %mul3A_0, %add3A_1282 : i32
    %add3A_1284 = arith.constant 1 : i32
    %add3A_1285 = arith.addi %add3A_1283, %add3A_1284 : i32
    %add3A_1286 = vector.broadcast %add3A_1285 : i32 to vector<16xi32>
    %add3A_1287 = arith.addi %add3A_1286, %iota3A : vector<16xi32>
    %gather3A_1288 = tpu.vector_load_idx %arg5[%add3A_1287] : memref<5136xi32, #tpu.memory_space<vmem>>[vector<16xi32>], vector<16xi32>,
    %ne3A_1289 = arith.cmpi ne, %get3A_1281, %gather3A_1288 : vector<16xi32>
    %jit3A_1290 = arith.constant 1 : i32
    %jit3A_1291 = arith.constant 0 : i32
    %broadcast_in_dim3A_1292 = vector.broadcast %jit3A_1290 : i32 to vector<16xi32>
    %broadcast_in_dim3A_1293 = vector.broadcast %jit3A_1291 : i32 to vector<16xi32>
    %select_n3A_1294 = arith.select %ne3A_1289, %broadcast_in_dim3A_1292, %broadcast_in_dim3A_1293 : vector<16xi1>, vector<16xi32>
    %broadcast_in_dim3A_1295 = arith.constant true
    %broadcast_in_dim3A_1296 = vector.broadcast %broadcast_in_dim3A_1295 : i1 to vector<16xi1>
    %masked_cumsum3A_1297 = tpu.scan <sum>, %select_n3A_1294 masked %broadcast_in_dim3A_1296 : vector<16xi32>, vector<16xi1> -> vector<16xi32>
    %add3A_1298 = vector.broadcast %add3A_1273 : i32 to vector<16xi32>
    %add3A_1299 = arith.addi %add3A_1298, %masked_cumsum3A_1297 : vector<16xi32>
    %sub3A_1300 = arith.subi %add3A_1299, %select_n3A_1294 : vector<16xi32>
    %lt3A_1301 = arith.constant 5000 : i32
    %lt3A_1302 = vector.broadcast %lt3A_1301 : i32 to vector<16xi32>
    %lt3A_1303 = arith.cmpi slt, %add3A_1277, %lt3A_1302 : vector<16xi32>
    %and3A_1304 = arith.andi %ne3A_1289, %lt3A_1303 : vector<16xi1>
    %jit3A_1305 = arith.constant 2040 : i32
    %broadcast_in_dim3A_1306 = vector.broadcast %jit3A_1305 : i32 to vector<16xi32>
    %select_n3A_1307 = arith.select %and3A_1304, %sub3A_1300, %broadcast_in_dim3A_1306 : vector<16xi1>, vector<16xi32>
    %swap3A_1308 = arith.constant 1 : i32
    %swap3A_1309 = arith.index_cast %swap3A_1308 : i32 to index
    %swap3A_1310 = arith.constant 16 : index
    %swap3A_1311 = tpu.vector_load %arg9[%swap3A_1309, %swap3A_1310] {strides = array<i32>} : memref<5x64xi32, #tpu.memory_space<vmem>>, vector<16xi32>,
    tpu.vector_store %arg9[%swap3A_1309, %swap3A_1310], %select_n3A_1307 {strides = array<i32>} : memref<5x64xi32, #tpu.memory_space<vmem>>, vector<16xi32>,
    %reduce_sum3A_1312 = arith.constant true
    %reduce_sum3A_1313 = vector.broadcast %reduce_sum3A_1312 : i1 to vector<16xi1>
    %reduce_sum3A_1314 = tpu.scan <sum>, %select_n3A_1294 masked %reduce_sum3A_1313 : vector<16xi32>, vector<16xi1> -> vector<16xi32>
    %reduce_sum3A_1315 = vector.extract %reduce_sum3A_1314[15] : i32 from vector<16xi32>
    %add3A_1316 = arith.addi %add3A_1273, %reduce_sum3A_1315 : i32
    %add3A_1317 = arith.constant 96 : i32
    %add3A_1318 = arith.addi %mul3A_0, %add3A_1317 : i32
    %add3A_1319 = vector.broadcast %add3A_1318 : i32 to vector<16xi32>
    %add3A_1320 = arith.addi %add3A_1319, %iota3A : vector<16xi32>
    %add3A_1321 = arith.constant 96 : i32
    %add3A_1322 = arith.addi %mul3A_0, %add3A_1321 : i32
    %get3A_1323 = arith.index_cast %add3A_1322 : i32 to index
    %get3A_1324 = tpu.vector_load %arg5[%get3A_1323] {strides = array<i32>} : memref<5136xi32, #tpu.memory_space<vmem>>, vector<16xi32>,
    %add3A_1325 = arith.constant 96 : i32
    %add3A_1326 = arith.addi %mul3A_0, %add3A_1325 : i32
    %add3A_1327 = arith.constant 1 : i32
    %add3A_1328 = arith.addi %add3A_1326, %add3A_1327 : i32
    %add3A_1329 = vector.broadcast %add3A_1328 : i32 to vector<16xi32>
    %add3A_1330 = arith.addi %add3A_1329, %iota3A : vector<16xi32>
    %gather3A_1331 = tpu.vector_load_idx %arg5[%add3A_1330] : memref<5136xi32, #tpu.memory_space<vmem>>[vector<16xi32>], vector<16xi32>,
    %ne3A_1332 = arith.cmpi ne, %get3A_1324, %gather3A_1331 : vector<16xi32>
    %jit3A_1333 = arith.constant 1 : i32
    %jit3A_1334 = arith.constant 0 : i32
    %broadcast_in_dim3A_1335 = vector.broadcast %jit3A_1333 : i32 to vector<16xi32>
    %broadcast_in_dim3A_1336 = vector.broadcast %jit3A_1334 : i32 to vector<16xi32>
    %select_n3A_1337 = arith.select %ne3A_1332, %broadcast_in_dim3A_1335, %broadcast_in_dim3A_1336 : vector<16xi1>, vector<16xi32>
    %broadcast_in_dim3A_1338 = arith.constant true
    %broadcast_in_dim3A_1339 = vector.broadcast %broadcast_in_dim3A_1338 : i1 to vector<16xi1>
    %masked_cumsum3A_1340 = tpu.scan <sum>, %select_n3A_1337 masked %broadcast_in_dim3A_1339 : vector<16xi32>, vector<16xi1> -> vector<16xi32>
    %add3A_1341 = vector.broadcast %add3A_1316 : i32 to vector<16xi32>
    %add3A_1342 = arith.addi %add3A_1341, %masked_cumsum3A_1340 : vector<16xi32>
    %sub3A_1343 = arith.subi %add3A_1342, %select_n3A_1337 : vector<16xi32>
    %lt3A_1344 = arith.constant 5000 : i32
    %lt3A_1345 = vector.broadcast %lt3A_1344 : i32 to vector<16xi32>
    %lt3A_1346 = arith.cmpi slt, %add3A_1320, %lt3A_1345 : vector<16xi32>
    %and3A_1347 = arith.andi %ne3A_1332, %lt3A_1346 : vector<16xi1>
    %jit3A_1348 = arith.constant 2040 : i32
    %broadcast_in_dim3A_1349 = vector.broadcast %jit3A_1348 : i32 to vector<16xi32>
    %select_n3A_1350 = arith.select %and3A_1347, %sub3A_1343, %broadcast_in_dim3A_1349 : vector<16xi1>, vector<16xi32>
    %swap3A_1351 = arith.constant 1 : i32
    %swap3A_1352 = arith.index_cast %swap3A_1351 : i32 to index
    %swap3A_1353 = arith.constant 32 : index
    %swap3A_1354 = tpu.vector_load %arg9[%swap3A_1352, %swap3A_1353] {strides = array<i32>} : memref<5x64xi32, #tpu.memory_space<vmem>>, vector<16xi32>,
    tpu.vector_store %arg9[%swap3A_1352, %swap3A_1353], %select_n3A_1350 {strides = array<i32>} : memref<5x64xi32, #tpu.memory_space<vmem>>, vector<16xi32>,
    %reduce_sum3A_1355 = arith.constant true
    %reduce_sum3A_1356 = vector.broadcast %reduce_sum3A_1355 : i1 to vector<16xi1>
    %reduce_sum3A_1357 = tpu.scan <sum>, %select_n3A_1337 masked %reduce_sum3A_1356 : vector<16xi32>, vector<16xi1> -> vector<16xi32>
    %reduce_sum3A_1358 = vector.extract %reduce_sum3A_1357[15] : i32 from vector<16xi32>
    %add3A_1359 = arith.addi %add3A_1316, %reduce_sum3A_1358 : i32
    %add3A_1360 = arith.constant 112 : i32
    %add3A_1361 = arith.addi %mul3A_0, %add3A_1360 : i32
    %add3A_1362 = vector.broadcast %add3A_1361 : i32 to vector<16xi32>
    %add3A_1363 = arith.addi %add3A_1362, %iota3A : vector<16xi32>
    %add3A_1364 = arith.constant 112 : i32
    %add3A_1365 = arith.addi %mul3A_0, %add3A_1364 : i32
    %get3A_1366 = arith.index_cast %add3A_1365 : i32 to index
    %get3A_1367 = tpu.vector_load %arg5[%get3A_1366] {strides = array<i32>} : memref<5136xi32, #tpu.memory_space<vmem>>, vector<16xi32>,
    %add3A_1368 = arith.constant 112 : i32
    %add3A_1369 = arith.addi %mul3A_0, %add3A_1368 : i32
    %add3A_1370 = arith.constant 1 : i32
    %add3A_1371 = arith.addi %add3A_1369, %add3A_1370 : i32
    %add3A_1372 = vector.broadcast %add3A_1371 : i32 to vector<16xi32>
    %add3A_1373 = arith.addi %add3A_1372, %iota3A : vector<16xi32>
    %gather3A_1374 = tpu.vector_load_idx %arg5[%add3A_1373] : memref<5136xi32, #tpu.memory_space<vmem>>[vector<16xi32>], vector<16xi32>,
    %ne3A_1375 = arith.cmpi ne, %get3A_1367, %gather3A_1374 : vector<16xi32>
    %jit3A_1376 = arith.constant 1 : i32
    %jit3A_1377 = arith.constant 0 : i32
    %broadcast_in_dim3A_1378 = vector.broadcast %jit3A_1376 : i32 to vector<16xi32>
    %broadcast_in_dim3A_1379 = vector.broadcast %jit3A_1377 : i32 to vector<16xi32>
    %select_n3A_1380 = arith.select %ne3A_1375, %broadcast_in_dim3A_1378, %broadcast_in_dim3A_1379 : vector<16xi1>, vector<16xi32>
    %broadcast_in_dim3A_1381 = arith.constant true
    %broadcast_in_dim3A_1382 = vector.broadcast %broadcast_in_dim3A_1381 : i1 to vector<16xi1>
    %masked_cumsum3A_1383 = tpu.scan <sum>, %select_n3A_1380 masked %broadcast_in_dim3A_1382 : vector<16xi32>, vector<16xi1> -> vector<16xi32>
    %add3A_1384 = vector.broadcast %add3A_1359 : i32 to vector<16xi32>
    %add3A_1385 = arith.addi %add3A_1384, %masked_cumsum3A_1383 : vector<16xi32>
    %sub3A_1386 = arith.subi %add3A_1385, %select_n3A_1380 : vector<16xi32>
    %lt3A_1387 = arith.constant 5000 : i32
    %lt3A_1388 = vector.broadcast %lt3A_1387 : i32 to vector<16xi32>
    %lt3A_1389 = arith.cmpi slt, %add3A_1363, %lt3A_1388 : vector<16xi32>
    %and3A_1390 = arith.andi %ne3A_1375, %lt3A_1389 : vector<16xi1>
    %jit3A_1391 = arith.constant 2040 : i32
    %broadcast_in_dim3A_1392 = vector.broadcast %jit3A_1391 : i32 to vector<16xi32>
    %select_n3A_1393 = arith.select %and3A_1390, %sub3A_1386, %broadcast_in_dim3A_1392 : vector<16xi1>, vector<16xi32>
    %swap3A_1394 = arith.constant 1 : i32
    %swap3A_1395 = arith.index_cast %swap3A_1394 : i32 to index
    %swap3A_1396 = arith.constant 48 : index
    %swap3A_1397 = tpu.vector_load %arg9[%swap3A_1395, %swap3A_1396] {strides = array<i32>} : memref<5x64xi32, #tpu.memory_space<vmem>>, vector<16xi32>,
    tpu.vector_store %arg9[%swap3A_1395, %swap3A_1396], %select_n3A_1393 {strides = array<i32>} : memref<5x64xi32, #tpu.memory_space<vmem>>, vector<16xi32>,
    %reduce_sum3A_1398 = arith.constant true
    %reduce_sum3A_1399 = vector.broadcast %reduce_sum3A_1398 : i1 to vector<16xi1>
    %reduce_sum3A_1400 = tpu.scan <sum>, %select_n3A_1380 masked %reduce_sum3A_1399 : vector<16xi32>, vector<16xi1> -> vector<16xi32>
    %reduce_sum3A_1401 = vector.extract %reduce_sum3A_1400[15] : i32 from vector<16xi32>
    %add3A_1402 = arith.addi %add3A_1359, %reduce_sum3A_1401 : i32
    %add3A_1403 = arith.constant 128 : i32
    %add3A_1404 = arith.addi %mul3A_0, %add3A_1403 : i32
    %add3A_1405 = vector.broadcast %add3A_1404 : i32 to vector<16xi32>
    %add3A_1406 = arith.addi %add3A_1405, %iota3A : vector<16xi32>
    %add3A_1407 = arith.constant 128 : i32
    %add3A_1408 = arith.addi %mul3A_0, %add3A_1407 : i32
    %get3A_1409 = arith.index_cast %add3A_1408 : i32 to index
    %get3A_1410 = tpu.vector_load %arg5[%get3A_1409] {strides = array<i32>} : memref<5136xi32, #tpu.memory_space<vmem>>, vector<16xi32>,
    %add3A_1411 = arith.constant 128 : i32
    %add3A_1412 = arith.addi %mul3A_0, %add3A_1411 : i32
    %add3A_1413 = arith.constant 1 : i32
    %add3A_1414 = arith.addi %add3A_1412, %add3A_1413 : i32
    %add3A_1415 = vector.broadcast %add3A_1414 : i32 to vector<16xi32>
    %add3A_1416 = arith.addi %add3A_1415, %iota3A : vector<16xi32>
    %gather3A_1417 = tpu.vector_load_idx %arg5[%add3A_1416] : memref<5136xi32, #tpu.memory_space<vmem>>[vector<16xi32>], vector<16xi32>,
    %ne3A_1418 = arith.cmpi ne, %get3A_1410, %gather3A_1417 : vector<16xi32>
    %jit3A_1419 = arith.constant 1 : i32
    %jit3A_1420 = arith.constant 0 : i32
    %broadcast_in_dim3A_1421 = vector.broadcast %jit3A_1419 : i32 to vector<16xi32>
    %broadcast_in_dim3A_1422 = vector.broadcast %jit3A_1420 : i32 to vector<16xi32>
    %select_n3A_1423 = arith.select %ne3A_1418, %broadcast_in_dim3A_1421, %broadcast_in_dim3A_1422 : vector<16xi1>, vector<16xi32>
    %broadcast_in_dim3A_1424 = arith.constant true
    %broadcast_in_dim3A_1425 = vector.broadcast %broadcast_in_dim3A_1424 : i1 to vector<16xi1>
    %masked_cumsum3A_1426 = tpu.scan <sum>, %select_n3A_1423 masked %broadcast_in_dim3A_1425 : vector<16xi32>, vector<16xi1> -> vector<16xi32>
    %add3A_1427 = vector.broadcast %add3A_1402 : i32 to vector<16xi32>
    %add3A_1428 = arith.addi %add3A_1427, %masked_cumsum3A_1426 : vector<16xi32>
    %sub3A_1429 = arith.subi %add3A_1428, %select_n3A_1423 : vector<16xi32>
    %lt3A_1430 = arith.constant 5000 : i32
    %lt3A_1431 = vector.broadcast %lt3A_1430 : i32 to vector<16xi32>
    %lt3A_1432 = arith.cmpi slt, %add3A_1406, %lt3A_1431 : vector<16xi32>
    %and3A_1433 = arith.andi %ne3A_1418, %lt3A_1432 : vector<16xi1>
    %jit3A_1434 = arith.constant 2040 : i32
    %broadcast_in_dim3A_1435 = vector.broadcast %jit3A_1434 : i32 to vector<16xi32>
    %select_n3A_1436 = arith.select %and3A_1433, %sub3A_1429, %broadcast_in_dim3A_1435 : vector<16xi1>, vector<16xi32>
    %swap3A_1437 = arith.constant 2 : i32
    %swap3A_1438 = arith.index_cast %swap3A_1437 : i32 to index
    %swap3A_1439 = arith.constant 0 : index
    %swap3A_1440 = tpu.vector_load %arg9[%swap3A_1438, %swap3A_1439] {strides = array<i32>} : memref<5x64xi32, #tpu.memory_space<vmem>>, vector<16xi32>,
    tpu.vector_store %arg9[%swap3A_1438, %swap3A_1439], %select_n3A_1436 {strides = array<i32>} : memref<5x64xi32, #tpu.memory_space<vmem>>, vector<16xi32>,
    %reduce_sum3A_1441 = arith.constant true
    %reduce_sum3A_1442 = vector.broadcast %reduce_sum3A_1441 : i1 to vector<16xi1>
    %reduce_sum3A_1443 = tpu.scan <sum>, %select_n3A_1423 masked %reduce_sum3A_1442 : vector<16xi32>, vector<16xi1> -> vector<16xi32>
    %reduce_sum3A_1444 = vector.extract %reduce_sum3A_1443[15] : i32 from vector<16xi32>
    %add3A_1445 = arith.addi %add3A_1402, %reduce_sum3A_1444 : i32
    %add3A_1446 = arith.constant 144 : i32
    %add3A_1447 = arith.addi %mul3A_0, %add3A_1446 : i32
    %add3A_1448 = vector.broadcast %add3A_1447 : i32 to vector<16xi32>
    %add3A_1449 = arith.addi %add3A_1448, %iota3A : vector<16xi32>
    %add3A_1450 = arith.constant 144 : i32
    %add3A_1451 = arith.addi %mul3A_0, %add3A_1450 : i32
    %get3A_1452 = arith.index_cast %add3A_1451 : i32 to index
    %get3A_1453 = tpu.vector_load %arg5[%get3A_1452] {strides = array<i32>} : memref<5136xi32, #tpu.memory_space<vmem>>, vector<16xi32>,
    %add3A_1454 = arith.constant 144 : i32
    %add3A_1455 = arith.addi %mul3A_0, %add3A_1454 : i32
    %add3A_1456 = arith.constant 1 : i32
    %add3A_1457 = arith.addi %add3A_1455, %add3A_1456 : i32
    %add3A_1458 = vector.broadcast %add3A_1457 : i32 to vector<16xi32>
    %add3A_1459 = arith.addi %add3A_1458, %iota3A : vector<16xi32>
    %gather3A_1460 = tpu.vector_load_idx %arg5[%add3A_1459] : memref<5136xi32, #tpu.memory_space<vmem>>[vector<16xi32>], vector<16xi32>,
    %ne3A_1461 = arith.cmpi ne, %get3A_1453, %gather3A_1460 : vector<16xi32>
    %jit3A_1462 = arith.constant 1 : i32
    %jit3A_1463 = arith.constant 0 : i32
    %broadcast_in_dim3A_1464 = vector.broadcast %jit3A_1462 : i32 to vector<16xi32>
    %broadcast_in_dim3A_1465 = vector.broadcast %jit3A_1463 : i32 to vector<16xi32>
    %select_n3A_1466 = arith.select %ne3A_1461, %broadcast_in_dim3A_1464, %broadcast_in_dim3A_1465 : vector<16xi1>, vector<16xi32>
    %broadcast_in_dim3A_1467 = arith.constant true
    %broadcast_in_dim3A_1468 = vector.broadcast %broadcast_in_dim3A_1467 : i1 to vector<16xi1>
    %masked_cumsum3A_1469 = tpu.scan <sum>, %select_n3A_1466 masked %broadcast_in_dim3A_1468 : vector<16xi32>, vector<16xi1> -> vector<16xi32>
    %add3A_1470 = vector.broadcast %add3A_1445 : i32 to vector<16xi32>
    %add3A_1471 = arith.addi %add3A_1470, %masked_cumsum3A_1469 : vector<16xi32>
    %sub3A_1472 = arith.subi %add3A_1471, %select_n3A_1466 : vector<16xi32>
    %lt3A_1473 = arith.constant 5000 : i32
    %lt3A_1474 = vector.broadcast %lt3A_1473 : i32 to vector<16xi32>
    %lt3A_1475 = arith.cmpi slt, %add3A_1449, %lt3A_1474 : vector<16xi32>
    %and3A_1476 = arith.andi %ne3A_1461, %lt3A_1475 : vector<16xi1>
    %jit3A_1477 = arith.constant 2040 : i32
    %broadcast_in_dim3A_1478 = vector.broadcast %jit3A_1477 : i32 to vector<16xi32>
    %select_n3A_1479 = arith.select %and3A_1476, %sub3A_1472, %broadcast_in_dim3A_1478 : vector<16xi1>, vector<16xi32>
    %swap3A_1480 = arith.constant 2 : i32
    %swap3A_1481 = arith.index_cast %swap3A_1480 : i32 to index
    %swap3A_1482 = arith.constant 16 : index
    %swap3A_1483 = tpu.vector_load %arg9[%swap3A_1481, %swap3A_1482] {strides = array<i32>} : memref<5x64xi32, #tpu.memory_space<vmem>>, vector<16xi32>,
    tpu.vector_store %arg9[%swap3A_1481, %swap3A_1482], %select_n3A_1479 {strides = array<i32>} : memref<5x64xi32, #tpu.memory_space<vmem>>, vector<16xi32>,
    %reduce_sum3A_1484 = arith.constant true
    %reduce_sum3A_1485 = vector.broadcast %reduce_sum3A_1484 : i1 to vector<16xi1>
    %reduce_sum3A_1486 = tpu.scan <sum>, %select_n3A_1466 masked %reduce_sum3A_1485 : vector<16xi32>, vector<16xi1> -> vector<16xi32>
    %reduce_sum3A_1487 = vector.extract %reduce_sum3A_1486[15] : i32 from vector<16xi32>
    %add3A_1488 = arith.addi %add3A_1445, %reduce_sum3A_1487 : i32
    %add3A_1489 = arith.constant 160 : i32
    %add3A_1490 = arith.addi %mul3A_0, %add3A_1489 : i32
    %add3A_1491 = vector.broadcast %add3A_1490 : i32 to vector<16xi32>
    %add3A_1492 = arith.addi %add3A_1491, %iota3A : vector<16xi32>
    %add3A_1493 = arith.constant 160 : i32
    %add3A_1494 = arith.addi %mul3A_0, %add3A_1493 : i32
    %get3A_1495 = arith.index_cast %add3A_1494 : i32 to index
    %get3A_1496 = tpu.vector_load %arg5[%get3A_1495] {strides = array<i32>} : memref<5136xi32, #tpu.memory_space<vmem>>, vector<16xi32>,
    %add3A_1497 = arith.constant 160 : i32
    %add3A_1498 = arith.addi %mul3A_0, %add3A_1497 : i32
    %add3A_1499 = arith.constant 1 : i32
    %add3A_1500 = arith.addi %add3A_1498, %add3A_1499 : i32
    %add3A_1501 = vector.broadcast %add3A_1500 : i32 to vector<16xi32>
    %add3A_1502 = arith.addi %add3A_1501, %iota3A : vector<16xi32>
    %gather3A_1503 = tpu.vector_load_idx %arg5[%add3A_1502] : memref<5136xi32, #tpu.memory_space<vmem>>[vector<16xi32>], vector<16xi32>,
    %ne3A_1504 = arith.cmpi ne, %get3A_1496, %gather3A_1503 : vector<16xi32>
    %jit3A_1505 = arith.constant 1 : i32
    %jit3A_1506 = arith.constant 0 : i32
    %broadcast_in_dim3A_1507 = vector.broadcast %jit3A_1505 : i32 to vector<16xi32>
    %broadcast_in_dim3A_1508 = vector.broadcast %jit3A_1506 : i32 to vector<16xi32>
    %select_n3A_1509 = arith.select %ne3A_1504, %broadcast_in_dim3A_1507, %broadcast_in_dim3A_1508 : vector<16xi1>, vector<16xi32>
    %broadcast_in_dim3A_1510 = arith.constant true
    %broadcast_in_dim3A_1511 = vector.broadcast %broadcast_in_dim3A_1510 : i1 to vector<16xi1>
    %masked_cumsum3A_1512 = tpu.scan <sum>, %select_n3A_1509 masked %broadcast_in_dim3A_1511 : vector<16xi32>, vector<16xi1> -> vector<16xi32>
    %add3A_1513 = vector.broadcast %add3A_1488 : i32 to vector<16xi32>
    %add3A_1514 = arith.addi %add3A_1513, %masked_cumsum3A_1512 : vector<16xi32>
    %sub3A_1515 = arith.subi %add3A_1514, %select_n3A_1509 : vector<16xi32>
    %lt3A_1516 = arith.constant 5000 : i32
    %lt3A_1517 = vector.broadcast %lt3A_1516 : i32 to vector<16xi32>
    %lt3A_1518 = arith.cmpi slt, %add3A_1492, %lt3A_1517 : vector<16xi32>
    %and3A_1519 = arith.andi %ne3A_1504, %lt3A_1518 : vector<16xi1>
    %jit3A_1520 = arith.constant 2040 : i32
    %broadcast_in_dim3A_1521 = vector.broadcast %jit3A_1520 : i32 to vector<16xi32>
    %select_n3A_1522 = arith.select %and3A_1519, %sub3A_1515, %broadcast_in_dim3A_1521 : vector<16xi1>, vector<16xi32>
    %swap3A_1523 = arith.constant 2 : i32
    %swap3A_1524 = arith.index_cast %swap3A_1523 : i32 to index
    %swap3A_1525 = arith.constant 32 : index
    %swap3A_1526 = tpu.vector_load %arg9[%swap3A_1524, %swap3A_1525] {strides = array<i32>} : memref<5x64xi32, #tpu.memory_space<vmem>>, vector<16xi32>,
    tpu.vector_store %arg9[%swap3A_1524, %swap3A_1525], %select_n3A_1522 {strides = array<i32>} : memref<5x64xi32, #tpu.memory_space<vmem>>, vector<16xi32>,
    %reduce_sum3A_1527 = arith.constant true
    %reduce_sum3A_1528 = vector.broadcast %reduce_sum3A_1527 : i1 to vector<16xi1>
    %reduce_sum3A_1529 = tpu.scan <sum>, %select_n3A_1509 masked %reduce_sum3A_1528 : vector<16xi32>, vector<16xi1> -> vector<16xi32>
    %reduce_sum3A_1530 = vector.extract %reduce_sum3A_1529[15] : i32 from vector<16xi32>
    %add3A_1531 = arith.addi %add3A_1488, %reduce_sum3A_1530 : i32
    %add3A_1532 = arith.constant 176 : i32
    %add3A_1533 = arith.addi %mul3A_0, %add3A_1532 : i32
    %add3A_1534 = vector.broadcast %add3A_1533 : i32 to vector<16xi32>
    %add3A_1535 = arith.addi %add3A_1534, %iota3A : vector<16xi32>
    %add3A_1536 = arith.constant 176 : i32
    %add3A_1537 = arith.addi %mul3A_0, %add3A_1536 : i32
    %get3A_1538 = arith.index_cast %add3A_1537 : i32 to index
    %get3A_1539 = tpu.vector_load %arg5[%get3A_1538] {strides = array<i32>} : memref<5136xi32, #tpu.memory_space<vmem>>, vector<16xi32>,
    %add3A_1540 = arith.constant 176 : i32
    %add3A_1541 = arith.addi %mul3A_0, %add3A_1540 : i32
    %add3A_1542 = arith.constant 1 : i32
    %add3A_1543 = arith.addi %add3A_1541, %add3A_1542 : i32
    %add3A_1544 = vector.broadcast %add3A_1543 : i32 to vector<16xi32>
    %add3A_1545 = arith.addi %add3A_1544, %iota3A : vector<16xi32>
    %gather3A_1546 = tpu.vector_load_idx %arg5[%add3A_1545] : memref<5136xi32, #tpu.memory_space<vmem>>[vector<16xi32>], vector<16xi32>,
    %ne3A_1547 = arith.cmpi ne, %get3A_1539, %gather3A_1546 : vector<16xi32>
    %jit3A_1548 = arith.constant 1 : i32
    %jit3A_1549 = arith.constant 0 : i32
    %broadcast_in_dim3A_1550 = vector.broadcast %jit3A_1548 : i32 to vector<16xi32>
    %broadcast_in_dim3A_1551 = vector.broadcast %jit3A_1549 : i32 to vector<16xi32>
    %select_n3A_1552 = arith.select %ne3A_1547, %broadcast_in_dim3A_1550, %broadcast_in_dim3A_1551 : vector<16xi1>, vector<16xi32>
    %broadcast_in_dim3A_1553 = arith.constant true
    %broadcast_in_dim3A_1554 = vector.broadcast %broadcast_in_dim3A_1553 : i1 to vector<16xi1>
    %masked_cumsum3A_1555 = tpu.scan <sum>, %select_n3A_1552 masked %broadcast_in_dim3A_1554 : vector<16xi32>, vector<16xi1> -> vector<16xi32>
    %add3A_1556 = vector.broadcast %add3A_1531 : i32 to vector<16xi32>
    %add3A_1557 = arith.addi %add3A_1556, %masked_cumsum3A_1555 : vector<16xi32>
    %sub3A_1558 = arith.subi %add3A_1557, %select_n3A_1552 : vector<16xi32>
    %lt3A_1559 = arith.constant 5000 : i32
    %lt3A_1560 = vector.broadcast %lt3A_1559 : i32 to vector<16xi32>
    %lt3A_1561 = arith.cmpi slt, %add3A_1535, %lt3A_1560 : vector<16xi32>
    %and3A_1562 = arith.andi %ne3A_1547, %lt3A_1561 : vector<16xi1>
    %jit3A_1563 = arith.constant 2040 : i32
    %broadcast_in_dim3A_1564 = vector.broadcast %jit3A_1563 : i32 to vector<16xi32>
    %select_n3A_1565 = arith.select %and3A_1562, %sub3A_1558, %broadcast_in_dim3A_1564 : vector<16xi1>, vector<16xi32>
    %swap3A_1566 = arith.constant 2 : i32
    %swap3A_1567 = arith.index_cast %swap3A_1566 : i32 to index
    %swap3A_1568 = arith.constant 48 : index
    %swap3A_1569 = tpu.vector_load %arg9[%swap3A_1567, %swap3A_1568] {strides = array<i32>} : memref<5x64xi32, #tpu.memory_space<vmem>>, vector<16xi32>,
    tpu.vector_store %arg9[%swap3A_1567, %swap3A_1568], %select_n3A_1565 {strides = array<i32>} : memref<5x64xi32, #tpu.memory_space<vmem>>, vector<16xi32>,
    %reduce_sum3A_1570 = arith.constant true
    %reduce_sum3A_1571 = vector.broadcast %reduce_sum3A_1570 : i1 to vector<16xi1>
    %reduce_sum3A_1572 = tpu.scan <sum>, %select_n3A_1552 masked %reduce_sum3A_1571 : vector<16xi32>, vector<16xi1> -> vector<16xi32>
    %reduce_sum3A_1573 = vector.extract %reduce_sum3A_1572[15] : i32 from vector<16xi32>
    %add3A_1574 = arith.addi %add3A_1531, %reduce_sum3A_1573 : i32
    %add3A_1575 = arith.constant 192 : i32
    %add3A_1576 = arith.addi %mul3A_0, %add3A_1575 : i32
    %add3A_1577 = vector.broadcast %add3A_1576 : i32 to vector<16xi32>
    %add3A_1578 = arith.addi %add3A_1577, %iota3A : vector<16xi32>
    %add3A_1579 = arith.constant 192 : i32
    %add3A_1580 = arith.addi %mul3A_0, %add3A_1579 : i32
    %get3A_1581 = arith.index_cast %add3A_1580 : i32 to index
    %get3A_1582 = tpu.vector_load %arg5[%get3A_1581] {strides = array<i32>} : memref<5136xi32, #tpu.memory_space<vmem>>, vector<16xi32>,
    %add3A_1583 = arith.constant 192 : i32
    %add3A_1584 = arith.addi %mul3A_0, %add3A_1583 : i32
    %add3A_1585 = arith.constant 1 : i32
    %add3A_1586 = arith.addi %add3A_1584, %add3A_1585 : i32
    %add3A_1587 = vector.broadcast %add3A_1586 : i32 to vector<16xi32>
    %add3A_1588 = arith.addi %add3A_1587, %iota3A : vector<16xi32>
    %gather3A_1589 = tpu.vector_load_idx %arg5[%add3A_1588] : memref<5136xi32, #tpu.memory_space<vmem>>[vector<16xi32>], vector<16xi32>,
    %ne3A_1590 = arith.cmpi ne, %get3A_1582, %gather3A_1589 : vector<16xi32>
    %jit3A_1591 = arith.constant 1 : i32
    %jit3A_1592 = arith.constant 0 : i32
    %broadcast_in_dim3A_1593 = vector.broadcast %jit3A_1591 : i32 to vector<16xi32>
    %broadcast_in_dim3A_1594 = vector.broadcast %jit3A_1592 : i32 to vector<16xi32>
    %select_n3A_1595 = arith.select %ne3A_1590, %broadcast_in_dim3A_1593, %broadcast_in_dim3A_1594 : vector<16xi1>, vector<16xi32>
    %broadcast_in_dim3A_1596 = arith.constant true
    %broadcast_in_dim3A_1597 = vector.broadcast %broadcast_in_dim3A_1596 : i1 to vector<16xi1>
    %masked_cumsum3A_1598 = tpu.scan <sum>, %select_n3A_1595 masked %broadcast_in_dim3A_1597 : vector<16xi32>, vector<16xi1> -> vector<16xi32>
    %add3A_1599 = vector.broadcast %add3A_1574 : i32 to vector<16xi32>
    %add3A_1600 = arith.addi %add3A_1599, %masked_cumsum3A_1598 : vector<16xi32>
    %sub3A_1601 = arith.subi %add3A_1600, %select_n3A_1595 : vector<16xi32>
    %lt3A_1602 = arith.constant 5000 : i32
    %lt3A_1603 = vector.broadcast %lt3A_1602 : i32 to vector<16xi32>
    %lt3A_1604 = arith.cmpi slt, %add3A_1578, %lt3A_1603 : vector<16xi32>
    %and3A_1605 = arith.andi %ne3A_1590, %lt3A_1604 : vector<16xi1>
    %jit3A_1606 = arith.constant 2040 : i32
    %broadcast_in_dim3A_1607 = vector.broadcast %jit3A_1606 : i32 to vector<16xi32>
    %select_n3A_1608 = arith.select %and3A_1605, %sub3A_1601, %broadcast_in_dim3A_1607 : vector<16xi1>, vector<16xi32>
    %swap3A_1609 = arith.constant 3 : i32
    %swap3A_1610 = arith.index_cast %swap3A_1609 : i32 to index
    %swap3A_1611 = arith.constant 0 : index
    %swap3A_1612 = tpu.vector_load %arg9[%swap3A_1610, %swap3A_1611] {strides = array<i32>} : memref<5x64xi32, #tpu.memory_space<vmem>>, vector<16xi32>,
    tpu.vector_store %arg9[%swap3A_1610, %swap3A_1611], %select_n3A_1608 {strides = array<i32>} : memref<5x64xi32, #tpu.memory_space<vmem>>, vector<16xi32>,
    %reduce_sum3A_1613 = arith.constant true
    %reduce_sum3A_1614 = vector.broadcast %reduce_sum3A_1613 : i1 to vector<16xi1>
    %reduce_sum3A_1615 = tpu.scan <sum>, %select_n3A_1595 masked %reduce_sum3A_1614 : vector<16xi32>, vector<16xi1> -> vector<16xi32>
    %reduce_sum3A_1616 = vector.extract %reduce_sum3A_1615[15] : i32 from vector<16xi32>
    %add3A_1617 = arith.addi %add3A_1574, %reduce_sum3A_1616 : i32
    %add3A_1618 = arith.constant 208 : i32
    %add3A_1619 = arith.addi %mul3A_0, %add3A_1618 : i32
    %add3A_1620 = vector.broadcast %add3A_1619 : i32 to vector<16xi32>
    %add3A_1621 = arith.addi %add3A_1620, %iota3A : vector<16xi32>
    %add3A_1622 = arith.constant 208 : i32
    %add3A_1623 = arith.addi %mul3A_0, %add3A_1622 : i32
    %get3A_1624 = arith.index_cast %add3A_1623 : i32 to index
    %get3A_1625 = tpu.vector_load %arg5[%get3A_1624] {strides = array<i32>} : memref<5136xi32, #tpu.memory_space<vmem>>, vector<16xi32>,
    %add3A_1626 = arith.constant 208 : i32
    %add3A_1627 = arith.addi %mul3A_0, %add3A_1626 : i32
    %add3A_1628 = arith.constant 1 : i32
    %add3A_1629 = arith.addi %add3A_1627, %add3A_1628 : i32
    %add3A_1630 = vector.broadcast %add3A_1629 : i32 to vector<16xi32>
    %add3A_1631 = arith.addi %add3A_1630, %iota3A : vector<16xi32>
    %gather3A_1632 = tpu.vector_load_idx %arg5[%add3A_1631] : memref<5136xi32, #tpu.memory_space<vmem>>[vector<16xi32>], vector<16xi32>,
    %ne3A_1633 = arith.cmpi ne, %get3A_1625, %gather3A_1632 : vector<16xi32>
    %jit3A_1634 = arith.constant 1 : i32
    %jit3A_1635 = arith.constant 0 : i32
    %broadcast_in_dim3A_1636 = vector.broadcast %jit3A_1634 : i32 to vector<16xi32>
    %broadcast_in_dim3A_1637 = vector.broadcast %jit3A_1635 : i32 to vector<16xi32>
    %select_n3A_1638 = arith.select %ne3A_1633, %broadcast_in_dim3A_1636, %broadcast_in_dim3A_1637 : vector<16xi1>, vector<16xi32>
    %broadcast_in_dim3A_1639 = arith.constant true
    %broadcast_in_dim3A_1640 = vector.broadcast %broadcast_in_dim3A_1639 : i1 to vector<16xi1>
    %masked_cumsum3A_1641 = tpu.scan <sum>, %select_n3A_1638 masked %broadcast_in_dim3A_1640 : vector<16xi32>, vector<16xi1> -> vector<16xi32>
    %add3A_1642 = vector.broadcast %add3A_1617 : i32 to vector<16xi32>
    %add3A_1643 = arith.addi %add3A_1642, %masked_cumsum3A_1641 : vector<16xi32>
    %sub3A_1644 = arith.subi %add3A_1643, %select_n3A_1638 : vector<16xi32>
    %lt3A_1645 = arith.constant 5000 : i32
    %lt3A_1646 = vector.broadcast %lt3A_1645 : i32 to vector<16xi32>
    %lt3A_1647 = arith.cmpi slt, %add3A_1621, %lt3A_1646 : vector<16xi32>
    %and3A_1648 = arith.andi %ne3A_1633, %lt3A_1647 : vector<16xi1>
    %jit3A_1649 = arith.constant 2040 : i32
    %broadcast_in_dim3A_1650 = vector.broadcast %jit3A_1649 : i32 to vector<16xi32>
    %select_n3A_1651 = arith.select %and3A_1648, %sub3A_1644, %broadcast_in_dim3A_1650 : vector<16xi1>, vector<16xi32>
    %swap3A_1652 = arith.constant 3 : i32
    %swap3A_1653 = arith.index_cast %swap3A_1652 : i32 to index
    %swap3A_1654 = arith.constant 16 : index
    %swap3A_1655 = tpu.vector_load %arg9[%swap3A_1653, %swap3A_1654] {strides = array<i32>} : memref<5x64xi32, #tpu.memory_space<vmem>>, vector<16xi32>,
    tpu.vector_store %arg9[%swap3A_1653, %swap3A_1654], %select_n3A_1651 {strides = array<i32>} : memref<5x64xi32, #tpu.memory_space<vmem>>, vector<16xi32>,
    %reduce_sum3A_1656 = arith.constant true
    %reduce_sum3A_1657 = vector.broadcast %reduce_sum3A_1656 : i1 to vector<16xi1>
    %reduce_sum3A_1658 = tpu.scan <sum>, %select_n3A_1638 masked %reduce_sum3A_1657 : vector<16xi32>, vector<16xi1> -> vector<16xi32>
    %reduce_sum3A_1659 = vector.extract %reduce_sum3A_1658[15] : i32 from vector<16xi32>
    %add3A_1660 = arith.addi %add3A_1617, %reduce_sum3A_1659 : i32
    %add3A_1661 = arith.constant 224 : i32
    %add3A_1662 = arith.addi %mul3A_0, %add3A_1661 : i32
    %add3A_1663 = vector.broadcast %add3A_1662 : i32 to vector<16xi32>
    %add3A_1664 = arith.addi %add3A_1663, %iota3A : vector<16xi32>
    %add3A_1665 = arith.constant 224 : i32
    %add3A_1666 = arith.addi %mul3A_0, %add3A_1665 : i32
    %get3A_1667 = arith.index_cast %add3A_1666 : i32 to index
    %get3A_1668 = tpu.vector_load %arg5[%get3A_1667] {strides = array<i32>} : memref<5136xi32, #tpu.memory_space<vmem>>, vector<16xi32>,
    %add3A_1669 = arith.constant 224 : i32
    %add3A_1670 = arith.addi %mul3A_0, %add3A_1669 : i32
    %add3A_1671 = arith.constant 1 : i32
    %add3A_1672 = arith.addi %add3A_1670, %add3A_1671 : i32
    %add3A_1673 = vector.broadcast %add3A_1672 : i32 to vector<16xi32>
    %add3A_1674 = arith.addi %add3A_1673, %iota3A : vector<16xi32>
    %gather3A_1675 = tpu.vector_load_idx %arg5[%add3A_1674] : memref<5136xi32, #tpu.memory_space<vmem>>[vector<16xi32>], vector<16xi32>,
    %ne3A_1676 = arith.cmpi ne, %get3A_1668, %gather3A_1675 : vector<16xi32>
    %jit3A_1677 = arith.constant 1 : i32
    %jit3A_1678 = arith.constant 0 : i32
    %broadcast_in_dim3A_1679 = vector.broadcast %jit3A_1677 : i32 to vector<16xi32>
    %broadcast_in_dim3A_1680 = vector.broadcast %jit3A_1678 : i32 to vector<16xi32>
    %select_n3A_1681 = arith.select %ne3A_1676, %broadcast_in_dim3A_1679, %broadcast_in_dim3A_1680 : vector<16xi1>, vector<16xi32>
    %broadcast_in_dim3A_1682 = arith.constant true
    %broadcast_in_dim3A_1683 = vector.broadcast %broadcast_in_dim3A_1682 : i1 to vector<16xi1>
    %masked_cumsum3A_1684 = tpu.scan <sum>, %select_n3A_1681 masked %broadcast_in_dim3A_1683 : vector<16xi32>, vector<16xi1> -> vector<16xi32>
    %add3A_1685 = vector.broadcast %add3A_1660 : i32 to vector<16xi32>
    %add3A_1686 = arith.addi %add3A_1685, %masked_cumsum3A_1684 : vector<16xi32>
    %sub3A_1687 = arith.subi %add3A_1686, %select_n3A_1681 : vector<16xi32>
    %lt3A_1688 = arith.constant 5000 : i32
    %lt3A_1689 = vector.broadcast %lt3A_1688 : i32 to vector<16xi32>
    %lt3A_1690 = arith.cmpi slt, %add3A_1664, %lt3A_1689 : vector<16xi32>
    %and3A_1691 = arith.andi %ne3A_1676, %lt3A_1690 : vector<16xi1>
    %jit3A_1692 = arith.constant 2040 : i32
    %broadcast_in_dim3A_1693 = vector.broadcast %jit3A_1692 : i32 to vector<16xi32>
    %select_n3A_1694 = arith.select %and3A_1691, %sub3A_1687, %broadcast_in_dim3A_1693 : vector<16xi1>, vector<16xi32>
    %swap3A_1695 = arith.constant 3 : i32
    %swap3A_1696 = arith.index_cast %swap3A_1695 : i32 to index
    %swap3A_1697 = arith.constant 32 : index
    %swap3A_1698 = tpu.vector_load %arg9[%swap3A_1696, %swap3A_1697] {strides = array<i32>} : memref<5x64xi32, #tpu.memory_space<vmem>>, vector<16xi32>,
    tpu.vector_store %arg9[%swap3A_1696, %swap3A_1697], %select_n3A_1694 {strides = array<i32>} : memref<5x64xi32, #tpu.memory_space<vmem>>, vector<16xi32>,
    %reduce_sum3A_1699 = arith.constant true
    %reduce_sum3A_1700 = vector.broadcast %reduce_sum3A_1699 : i1 to vector<16xi1>
    %reduce_sum3A_1701 = tpu.scan <sum>, %select_n3A_1681 masked %reduce_sum3A_1700 : vector<16xi32>, vector<16xi1> -> vector<16xi32>
    %reduce_sum3A_1702 = vector.extract %reduce_sum3A_1701[15] : i32 from vector<16xi32>
    %add3A_1703 = arith.addi %add3A_1660, %reduce_sum3A_1702 : i32
    %add3A_1704 = arith.constant 240 : i32
    %add3A_1705 = arith.addi %mul3A_0, %add3A_1704 : i32
    %add3A_1706 = vector.broadcast %add3A_1705 : i32 to vector<16xi32>
    %add3A_1707 = arith.addi %add3A_1706, %iota3A : vector<16xi32>
    %add3A_1708 = arith.constant 240 : i32
    %add3A_1709 = arith.addi %mul3A_0, %add3A_1708 : i32
    %get3A_1710 = arith.index_cast %add3A_1709 : i32 to index
    %get3A_1711 = tpu.vector_load %arg5[%get3A_1710] {strides = array<i32>} : memref<5136xi32, #tpu.memory_space<vmem>>, vector<16xi32>,
    %add3A_1712 = arith.constant 240 : i32
    %add3A_1713 = arith.addi %mul3A_0, %add3A_1712 : i32
    %add3A_1714 = arith.constant 1 : i32
    %add3A_1715 = arith.addi %add3A_1713, %add3A_1714 : i32
    %add3A_1716 = vector.broadcast %add3A_1715 : i32 to vector<16xi32>
    %add3A_1717 = arith.addi %add3A_1716, %iota3A : vector<16xi32>
    %gather3A_1718 = tpu.vector_load_idx %arg5[%add3A_1717] : memref<5136xi32, #tpu.memory_space<vmem>>[vector<16xi32>], vector<16xi32>,
    %ne3A_1719 = arith.cmpi ne, %get3A_1711, %gather3A_1718 : vector<16xi32>
    %jit3A_1720 = arith.constant 1 : i32
    %jit3A_1721 = arith.constant 0 : i32
    %broadcast_in_dim3A_1722 = vector.broadcast %jit3A_1720 : i32 to vector<16xi32>
    %broadcast_in_dim3A_1723 = vector.broadcast %jit3A_1721 : i32 to vector<16xi32>
    %select_n3A_1724 = arith.select %ne3A_1719, %broadcast_in_dim3A_1722, %broadcast_in_dim3A_1723 : vector<16xi1>, vector<16xi32>
    %broadcast_in_dim3A_1725 = arith.constant true
    %broadcast_in_dim3A_1726 = vector.broadcast %broadcast_in_dim3A_1725 : i1 to vector<16xi1>
    %masked_cumsum3A_1727 = tpu.scan <sum>, %select_n3A_1724 masked %broadcast_in_dim3A_1726 : vector<16xi32>, vector<16xi1> -> vector<16xi32>
    %add3A_1728 = vector.broadcast %add3A_1703 : i32 to vector<16xi32>
    %add3A_1729 = arith.addi %add3A_1728, %masked_cumsum3A_1727 : vector<16xi32>
    %sub3A_1730 = arith.subi %add3A_1729, %select_n3A_1724 : vector<16xi32>
    %lt3A_1731 = arith.constant 5000 : i32
    %lt3A_1732 = vector.broadcast %lt3A_1731 : i32 to vector<16xi32>
    %lt3A_1733 = arith.cmpi slt, %add3A_1707, %lt3A_1732 : vector<16xi32>
    %and3A_1734 = arith.andi %ne3A_1719, %lt3A_1733 : vector<16xi1>
    %jit3A_1735 = arith.constant 2040 : i32
    %broadcast_in_dim3A_1736 = vector.broadcast %jit3A_1735 : i32 to vector<16xi32>
    %select_n3A_1737 = arith.select %and3A_1734, %sub3A_1730, %broadcast_in_dim3A_1736 : vector<16xi1>, vector<16xi32>
    %swap3A_1738 = arith.constant 3 : i32
    %swap3A_1739 = arith.index_cast %swap3A_1738 : i32 to index
    %swap3A_1740 = arith.constant 48 : index
    %swap3A_1741 = tpu.vector_load %arg9[%swap3A_1739, %swap3A_1740] {strides = array<i32>} : memref<5x64xi32, #tpu.memory_space<vmem>>, vector<16xi32>,
    tpu.vector_store %arg9[%swap3A_1739, %swap3A_1740], %select_n3A_1737 {strides = array<i32>} : memref<5x64xi32, #tpu.memory_space<vmem>>, vector<16xi32>,
    %reduce_sum3A_1742 = arith.constant true
    %reduce_sum3A_1743 = vector.broadcast %reduce_sum3A_1742 : i1 to vector<16xi1>
    %reduce_sum3A_1744 = tpu.scan <sum>, %select_n3A_1724 masked %reduce_sum3A_1743 : vector<16xi32>, vector<16xi1> -> vector<16xi32>
    %reduce_sum3A_1745 = vector.extract %reduce_sum3A_1744[15] : i32 from vector<16xi32>
    %add3A_1746 = arith.addi %add3A_1703, %reduce_sum3A_1745 : i32
    %add3A_1747 = arith.constant 256 : i32
    %add3A_1748 = arith.addi %mul3A_0, %add3A_1747 : i32
    %add3A_1749 = vector.broadcast %add3A_1748 : i32 to vector<16xi32>
    %add3A_1750 = arith.addi %add3A_1749, %iota3A : vector<16xi32>
    %add3A_1751 = arith.constant 256 : i32
    %add3A_1752 = arith.addi %mul3A_0, %add3A_1751 : i32
    %get3A_1753 = arith.index_cast %add3A_1752 : i32 to index
    %get3A_1754 = tpu.vector_load %arg5[%get3A_1753] {strides = array<i32>} : memref<5136xi32, #tpu.memory_space<vmem>>, vector<16xi32>,
    %add3A_1755 = arith.constant 256 : i32
    %add3A_1756 = arith.addi %mul3A_0, %add3A_1755 : i32
    %add3A_1757 = arith.constant 1 : i32
    %add3A_1758 = arith.addi %add3A_1756, %add3A_1757 : i32
    %add3A_1759 = vector.broadcast %add3A_1758 : i32 to vector<16xi32>
    %add3A_1760 = arith.addi %add3A_1759, %iota3A : vector<16xi32>
    %gather3A_1761 = tpu.vector_load_idx %arg5[%add3A_1760] : memref<5136xi32, #tpu.memory_space<vmem>>[vector<16xi32>], vector<16xi32>,
    %ne3A_1762 = arith.cmpi ne, %get3A_1754, %gather3A_1761 : vector<16xi32>
    %jit3A_1763 = arith.constant 1 : i32
    %jit3A_1764 = arith.constant 0 : i32
    %broadcast_in_dim3A_1765 = vector.broadcast %jit3A_1763 : i32 to vector<16xi32>
    %broadcast_in_dim3A_1766 = vector.broadcast %jit3A_1764 : i32 to vector<16xi32>
    %select_n3A_1767 = arith.select %ne3A_1762, %broadcast_in_dim3A_1765, %broadcast_in_dim3A_1766 : vector<16xi1>, vector<16xi32>
    %broadcast_in_dim3A_1768 = arith.constant true
    %broadcast_in_dim3A_1769 = vector.broadcast %broadcast_in_dim3A_1768 : i1 to vector<16xi1>
    %masked_cumsum3A_1770 = tpu.scan <sum>, %select_n3A_1767 masked %broadcast_in_dim3A_1769 : vector<16xi32>, vector<16xi1> -> vector<16xi32>
    %add3A_1771 = vector.broadcast %add3A_1746 : i32 to vector<16xi32>
    %add3A_1772 = arith.addi %add3A_1771, %masked_cumsum3A_1770 : vector<16xi32>
    %sub3A_1773 = arith.subi %add3A_1772, %select_n3A_1767 : vector<16xi32>
    %lt3A_1774 = arith.constant 5000 : i32
    %lt3A_1775 = vector.broadcast %lt3A_1774 : i32 to vector<16xi32>
    %lt3A_1776 = arith.cmpi slt, %add3A_1750, %lt3A_1775 : vector<16xi32>
    %and3A_1777 = arith.andi %ne3A_1762, %lt3A_1776 : vector<16xi1>
    %jit3A_1778 = arith.constant 2040 : i32
    %broadcast_in_dim3A_1779 = vector.broadcast %jit3A_1778 : i32 to vector<16xi32>
    %select_n3A_1780 = arith.select %and3A_1777, %sub3A_1773, %broadcast_in_dim3A_1779 : vector<16xi1>, vector<16xi32>
    %swap3A_1781 = arith.constant 4 : i32
    %swap3A_1782 = arith.index_cast %swap3A_1781 : i32 to index
    %swap3A_1783 = arith.constant 0 : index
    %swap3A_1784 = tpu.vector_load %arg9[%swap3A_1782, %swap3A_1783] {strides = array<i32>} : memref<5x64xi32, #tpu.memory_space<vmem>>, vector<16xi32>,
    tpu.vector_store %arg9[%swap3A_1782, %swap3A_1783], %select_n3A_1780 {strides = array<i32>} : memref<5x64xi32, #tpu.memory_space<vmem>>, vector<16xi32>,
    %reduce_sum3A_1785 = arith.constant true
    %reduce_sum3A_1786 = vector.broadcast %reduce_sum3A_1785 : i1 to vector<16xi1>
    %reduce_sum3A_1787 = tpu.scan <sum>, %select_n3A_1767 masked %reduce_sum3A_1786 : vector<16xi32>, vector<16xi1> -> vector<16xi32>
    %reduce_sum3A_1788 = vector.extract %reduce_sum3A_1787[15] : i32 from vector<16xi32>
    %add3A_1789 = arith.addi %add3A_1746, %reduce_sum3A_1788 : i32
    %add3A_1790 = arith.constant 272 : i32
    %add3A_1791 = arith.addi %mul3A_0, %add3A_1790 : i32
    %add3A_1792 = vector.broadcast %add3A_1791 : i32 to vector<16xi32>
    %add3A_1793 = arith.addi %add3A_1792, %iota3A : vector<16xi32>
    %add3A_1794 = arith.constant 272 : i32
    %add3A_1795 = arith.addi %mul3A_0, %add3A_1794 : i32
    %get3A_1796 = arith.index_cast %add3A_1795 : i32 to index
    %get3A_1797 = tpu.vector_load %arg5[%get3A_1796] {strides = array<i32>} : memref<5136xi32, #tpu.memory_space<vmem>>, vector<16xi32>,
    %add3A_1798 = arith.constant 272 : i32
    %add3A_1799 = arith.addi %mul3A_0, %add3A_1798 : i32
    %add3A_1800 = arith.constant 1 : i32
    %add3A_1801 = arith.addi %add3A_1799, %add3A_1800 : i32
    %add3A_1802 = vector.broadcast %add3A_1801 : i32 to vector<16xi32>
    %add3A_1803 = arith.addi %add3A_1802, %iota3A : vector<16xi32>
    %gather3A_1804 = tpu.vector_load_idx %arg5[%add3A_1803] : memref<5136xi32, #tpu.memory_space<vmem>>[vector<16xi32>], vector<16xi32>,
    %ne3A_1805 = arith.cmpi ne, %get3A_1797, %gather3A_1804 : vector<16xi32>
    %jit3A_1806 = arith.constant 1 : i32
    %jit3A_1807 = arith.constant 0 : i32
    %broadcast_in_dim3A_1808 = vector.broadcast %jit3A_1806 : i32 to vector<16xi32>
    %broadcast_in_dim3A_1809 = vector.broadcast %jit3A_1807 : i32 to vector<16xi32>
    %select_n3A_1810 = arith.select %ne3A_1805, %broadcast_in_dim3A_1808, %broadcast_in_dim3A_1809 : vector<16xi1>, vector<16xi32>
    %broadcast_in_dim3A_1811 = arith.constant true
    %broadcast_in_dim3A_1812 = vector.broadcast %broadcast_in_dim3A_1811 : i1 to vector<16xi1>
    %masked_cumsum3A_1813 = tpu.scan <sum>, %select_n3A_1810 masked %broadcast_in_dim3A_1812 : vector<16xi32>, vector<16xi1> -> vector<16xi32>
    %add3A_1814 = vector.broadcast %add3A_1789 : i32 to vector<16xi32>
    %add3A_1815 = arith.addi %add3A_1814, %masked_cumsum3A_1813 : vector<16xi32>
    %sub3A_1816 = arith.subi %add3A_1815, %select_n3A_1810 : vector<16xi32>
    %lt3A_1817 = arith.constant 5000 : i32
    %lt3A_1818 = vector.broadcast %lt3A_1817 : i32 to vector<16xi32>
    %lt3A_1819 = arith.cmpi slt, %add3A_1793, %lt3A_1818 : vector<16xi32>
    %and3A_1820 = arith.andi %ne3A_1805, %lt3A_1819 : vector<16xi1>
    %jit3A_1821 = arith.constant 2040 : i32
    %broadcast_in_dim3A_1822 = vector.broadcast %jit3A_1821 : i32 to vector<16xi32>
    %select_n3A_1823 = arith.select %and3A_1820, %sub3A_1816, %broadcast_in_dim3A_1822 : vector<16xi1>, vector<16xi32>
    %swap3A_1824 = arith.constant 4 : i32
    %swap3A_1825 = arith.index_cast %swap3A_1824 : i32 to index
    %swap3A_1826 = arith.constant 16 : index
    %swap3A_1827 = tpu.vector_load %arg9[%swap3A_1825, %swap3A_1826] {strides = array<i32>} : memref<5x64xi32, #tpu.memory_space<vmem>>, vector<16xi32>,
    tpu.vector_store %arg9[%swap3A_1825, %swap3A_1826], %select_n3A_1823 {strides = array<i32>} : memref<5x64xi32, #tpu.memory_space<vmem>>, vector<16xi32>,
    %reduce_sum3A_1828 = arith.constant true
    %reduce_sum3A_1829 = vector.broadcast %reduce_sum3A_1828 : i1 to vector<16xi1>
    %reduce_sum3A_1830 = tpu.scan <sum>, %select_n3A_1810 masked %reduce_sum3A_1829 : vector<16xi32>, vector<16xi1> -> vector<16xi32>
    %reduce_sum3A_1831 = vector.extract %reduce_sum3A_1830[15] : i32 from vector<16xi32>
    %add3A_1832 = arith.addi %add3A_1789, %reduce_sum3A_1831 : i32
    %add3A_1833 = arith.constant 288 : i32
    %add3A_1834 = arith.addi %mul3A_0, %add3A_1833 : i32
    %add3A_1835 = vector.broadcast %add3A_1834 : i32 to vector<16xi32>
    %add3A_1836 = arith.addi %add3A_1835, %iota3A : vector<16xi32>
    %add3A_1837 = arith.constant 288 : i32
    %add3A_1838 = arith.addi %mul3A_0, %add3A_1837 : i32
    %get3A_1839 = arith.index_cast %add3A_1838 : i32 to index
    %get3A_1840 = tpu.vector_load %arg5[%get3A_1839] {strides = array<i32>} : memref<5136xi32, #tpu.memory_space<vmem>>, vector<16xi32>,
    %add3A_1841 = arith.constant 288 : i32
    %add3A_1842 = arith.addi %mul3A_0, %add3A_1841 : i32
    %add3A_1843 = arith.constant 1 : i32
    %add3A_1844 = arith.addi %add3A_1842, %add3A_1843 : i32
    %add3A_1845 = vector.broadcast %add3A_1844 : i32 to vector<16xi32>
    %add3A_1846 = arith.addi %add3A_1845, %iota3A : vector<16xi32>
    %gather3A_1847 = tpu.vector_load_idx %arg5[%add3A_1846] : memref<5136xi32, #tpu.memory_space<vmem>>[vector<16xi32>], vector<16xi32>,
    %ne3A_1848 = arith.cmpi ne, %get3A_1840, %gather3A_1847 : vector<16xi32>
    %jit3A_1849 = arith.constant 1 : i32
    %jit3A_1850 = arith.constant 0 : i32
    %broadcast_in_dim3A_1851 = vector.broadcast %jit3A_1849 : i32 to vector<16xi32>
    %broadcast_in_dim3A_1852 = vector.broadcast %jit3A_1850 : i32 to vector<16xi32>
    %select_n3A_1853 = arith.select %ne3A_1848, %broadcast_in_dim3A_1851, %broadcast_in_dim3A_1852 : vector<16xi1>, vector<16xi32>
    %broadcast_in_dim3A_1854 = arith.constant true
    %broadcast_in_dim3A_1855 = vector.broadcast %broadcast_in_dim3A_1854 : i1 to vector<16xi1>
    %masked_cumsum3A_1856 = tpu.scan <sum>, %select_n3A_1853 masked %broadcast_in_dim3A_1855 : vector<16xi32>, vector<16xi1> -> vector<16xi32>
    %add3A_1857 = vector.broadcast %add3A_1832 : i32 to vector<16xi32>
    %add3A_1858 = arith.addi %add3A_1857, %masked_cumsum3A_1856 : vector<16xi32>
    %sub3A_1859 = arith.subi %add3A_1858, %select_n3A_1853 : vector<16xi32>
    %lt3A_1860 = arith.constant 5000 : i32
    %lt3A_1861 = vector.broadcast %lt3A_1860 : i32 to vector<16xi32>
    %lt3A_1862 = arith.cmpi slt, %add3A_1836, %lt3A_1861 : vector<16xi32>
    %and3A_1863 = arith.andi %ne3A_1848, %lt3A_1862 : vector<16xi1>
    %jit3A_1864 = arith.constant 2040 : i32
    %broadcast_in_dim3A_1865 = vector.broadcast %jit3A_1864 : i32 to vector<16xi32>
    %select_n3A_1866 = arith.select %and3A_1863, %sub3A_1859, %broadcast_in_dim3A_1865 : vector<16xi1>, vector<16xi32>
    %swap3A_1867 = arith.constant 4 : i32
    %swap3A_1868 = arith.index_cast %swap3A_1867 : i32 to index
    %swap3A_1869 = arith.constant 32 : index
    %swap3A_1870 = tpu.vector_load %arg9[%swap3A_1868, %swap3A_1869] {strides = array<i32>} : memref<5x64xi32, #tpu.memory_space<vmem>>, vector<16xi32>,
    tpu.vector_store %arg9[%swap3A_1868, %swap3A_1869], %select_n3A_1866 {strides = array<i32>} : memref<5x64xi32, #tpu.memory_space<vmem>>, vector<16xi32>,
    %reduce_sum3A_1871 = arith.constant true
    %reduce_sum3A_1872 = vector.broadcast %reduce_sum3A_1871 : i1 to vector<16xi1>
    %reduce_sum3A_1873 = tpu.scan <sum>, %select_n3A_1853 masked %reduce_sum3A_1872 : vector<16xi32>, vector<16xi1> -> vector<16xi32>
    %reduce_sum3A_1874 = vector.extract %reduce_sum3A_1873[15] : i32 from vector<16xi32>
    %add3A_1875 = arith.addi %add3A_1832, %reduce_sum3A_1874 : i32
    %add3A_1876 = arith.constant 304 : i32
    %add3A_1877 = arith.addi %mul3A_0, %add3A_1876 : i32
    %add3A_1878 = vector.broadcast %add3A_1877 : i32 to vector<16xi32>
    %add3A_1879 = arith.addi %add3A_1878, %iota3A : vector<16xi32>
    %add3A_1880 = arith.constant 304 : i32
    %add3A_1881 = arith.addi %mul3A_0, %add3A_1880 : i32
    %get3A_1882 = arith.index_cast %add3A_1881 : i32 to index
    %get3A_1883 = tpu.vector_load %arg5[%get3A_1882] {strides = array<i32>} : memref<5136xi32, #tpu.memory_space<vmem>>, vector<16xi32>,
    %add3A_1884 = arith.constant 304 : i32
    %add3A_1885 = arith.addi %mul3A_0, %add3A_1884 : i32
    %add3A_1886 = arith.constant 1 : i32
    %add3A_1887 = arith.addi %add3A_1885, %add3A_1886 : i32
    %add3A_1888 = vector.broadcast %add3A_1887 : i32 to vector<16xi32>
    %add3A_1889 = arith.addi %add3A_1888, %iota3A : vector<16xi32>
    %gather3A_1890 = tpu.vector_load_idx %arg5[%add3A_1889] : memref<5136xi32, #tpu.memory_space<vmem>>[vector<16xi32>], vector<16xi32>,
    %ne3A_1891 = arith.cmpi ne, %get3A_1883, %gather3A_1890 : vector<16xi32>
    %jit3A_1892 = arith.constant 1 : i32
    %jit3A_1893 = arith.constant 0 : i32
    %broadcast_in_dim3A_1894 = vector.broadcast %jit3A_1892 : i32 to vector<16xi32>
    %broadcast_in_dim3A_1895 = vector.broadcast %jit3A_1893 : i32 to vector<16xi32>
    %select_n3A_1896 = arith.select %ne3A_1891, %broadcast_in_dim3A_1894, %broadcast_in_dim3A_1895 : vector<16xi1>, vector<16xi32>
    %broadcast_in_dim3A_1897 = arith.constant true
    %broadcast_in_dim3A_1898 = vector.broadcast %broadcast_in_dim3A_1897 : i1 to vector<16xi1>
    %masked_cumsum3A_1899 = tpu.scan <sum>, %select_n3A_1896 masked %broadcast_in_dim3A_1898 : vector<16xi32>, vector<16xi1> -> vector<16xi32>
    %add3A_1900 = vector.broadcast %add3A_1875 : i32 to vector<16xi32>
    %add3A_1901 = arith.addi %add3A_1900, %masked_cumsum3A_1899 : vector<16xi32>
    %sub3A_1902 = arith.subi %add3A_1901, %select_n3A_1896 : vector<16xi32>
    %lt3A_1903 = arith.constant 5000 : i32
    %lt3A_1904 = vector.broadcast %lt3A_1903 : i32 to vector<16xi32>
    %lt3A_1905 = arith.cmpi slt, %add3A_1879, %lt3A_1904 : vector<16xi32>
    %and3A_1906 = arith.andi %ne3A_1891, %lt3A_1905 : vector<16xi1>
    %jit3A_1907 = arith.constant 2040 : i32
    %broadcast_in_dim3A_1908 = vector.broadcast %jit3A_1907 : i32 to vector<16xi32>
    %select_n3A_1909 = arith.select %and3A_1906, %sub3A_1902, %broadcast_in_dim3A_1908 : vector<16xi1>, vector<16xi32>
    %swap3A_1910 = arith.constant 4 : i32
    %swap3A_1911 = arith.index_cast %swap3A_1910 : i32 to index
    %swap3A_1912 = arith.constant 48 : index
    %swap3A_1913 = tpu.vector_load %arg9[%swap3A_1911, %swap3A_1912] {strides = array<i32>} : memref<5x64xi32, #tpu.memory_space<vmem>>, vector<16xi32>,
    tpu.vector_store %arg9[%swap3A_1911, %swap3A_1912], %select_n3A_1909 {strides = array<i32>} : memref<5x64xi32, #tpu.memory_space<vmem>>, vector<16xi32>,
    %reduce_sum3A_1914 = arith.constant true
    %reduce_sum3A_1915 = vector.broadcast %reduce_sum3A_1914 : i1 to vector<16xi1>
    %reduce_sum3A_1916 = tpu.scan <sum>, %select_n3A_1896 masked %reduce_sum3A_1915 : vector<16xi32>, vector<16xi1> -> vector<16xi32>
    %reduce_sum3A_1917 = vector.extract %reduce_sum3A_1916[15] : i32 from vector<16xi32>
    %add3A_1918 = arith.addi %add3A_1875, %reduce_sum3A_1917 : i32
    %dma_wait3A_1919 = arith.constant 0 : i32
    %dma_wait3A_1920 = arith.constant 0 : i32
    %dma_wait3A_1921 = arith.constant 0 : i32
    %dma_wait3A_1922 = tpu.memref_slice %arg6[%dma_wait3A_1920, %dma_wait3A_1921] : memref<320x128xf32, #tpu.memory_space<vmem>> -> memref<64x128xf32, #tpu.memory_space<vmem>>
    %dma_wait3A_1923 = arith.constant 0 : i32
    %dma_wait3A_1924 = tpu.memref_slice %arg8[%dma_wait3A_1919, %dma_wait3A_1923] : memref<5x64xi32, #tpu.memory_space<vmem>> -> memref<1x64xi32, #tpu.memory_space<vmem>>
    %dma_wait3A_1925 = tpu.memref_squeeze %dma_wait3A_1924 : memref<1x64xi32, #tpu.memory_space<vmem>> -> memref<64xi32, #tpu.memory_space<vmem>>
    %dma_wait3A_1926 = arith.constant 0 : i32
    %dma_wait3A_1927 = arith.constant 0 : i32
    %dma_wait3A_1928 = tpu.memref_slice %arg11[%dma_wait3A_1926, %dma_wait3A_1927] : memref<2048x128xf32, #tpu.memory_space<vmem_shared>> -> memref<2048x128xf32, #tpu.memory_space<vmem_shared>>
    tpu.wait_indirect_dma semaphore(%arg14 : memref<!tpu.dma_semaphore, #tpu.memory_space<semaphore_mem>>) src(%dma_wait3A_1922 : memref<64x128xf32, #tpu.memory_space<vmem>>) dst(%dma_wait3A_1928 : memref<2048x128xf32, #tpu.memory_space<vmem_shared>>)
    %dma_wait3A_1929 = arith.constant 1 : i32
    %dma_wait3A_1930 = arith.constant 64 : i32
    %dma_wait3A_1931 = arith.constant 0 : i32
    %dma_wait3A_1932 = tpu.memref_slice %arg6[%dma_wait3A_1930, %dma_wait3A_1931] : memref<320x128xf32, #tpu.memory_space<vmem>> -> memref<64x128xf32, #tpu.memory_space<vmem>>
    %dma_wait3A_1933 = arith.constant 0 : i32
    %dma_wait3A_1934 = tpu.memref_slice %arg8[%dma_wait3A_1929, %dma_wait3A_1933] : memref<5x64xi32, #tpu.memory_space<vmem>> -> memref<1x64xi32, #tpu.memory_space<vmem>>
    %dma_wait3A_1935 = tpu.memref_squeeze %dma_wait3A_1934 : memref<1x64xi32, #tpu.memory_space<vmem>> -> memref<64xi32, #tpu.memory_space<vmem>>
    %dma_wait3A_1936 = arith.constant 0 : i32
    %dma_wait3A_1937 = arith.constant 0 : i32
    %dma_wait3A_1938 = tpu.memref_slice %arg11[%dma_wait3A_1936, %dma_wait3A_1937] : memref<2048x128xf32, #tpu.memory_space<vmem_shared>> -> memref<2048x128xf32, #tpu.memory_space<vmem_shared>>
    tpu.wait_indirect_dma semaphore(%arg14 : memref<!tpu.dma_semaphore, #tpu.memory_space<semaphore_mem>>) src(%dma_wait3A_1932 : memref<64x128xf32, #tpu.memory_space<vmem>>) dst(%dma_wait3A_1938 : memref<2048x128xf32, #tpu.memory_space<vmem_shared>>)
    %dma_wait3A_1939 = arith.constant 2 : i32
    %dma_wait3A_1940 = arith.constant 128 : i32
    %dma_wait3A_1941 = arith.constant 0 : i32
    %dma_wait3A_1942 = tpu.memref_slice %arg6[%dma_wait3A_1940, %dma_wait3A_1941] : memref<320x128xf32, #tpu.memory_space<vmem>> -> memref<64x128xf32, #tpu.memory_space<vmem>>
    %dma_wait3A_1943 = arith.constant 0 : i32
    %dma_wait3A_1944 = tpu.memref_slice %arg8[%dma_wait3A_1939, %dma_wait3A_1943] : memref<5x64xi32, #tpu.memory_space<vmem>> -> memref<1x64xi32, #tpu.memory_space<vmem>>
    %dma_wait3A_1945 = tpu.memref_squeeze %dma_wait3A_1944 : memref<1x64xi32, #tpu.memory_space<vmem>> -> memref<64xi32, #tpu.memory_space<vmem>>
    %dma_wait3A_1946 = arith.constant 0 : i32
    %dma_wait3A_1947 = arith.constant 0 : i32
    %dma_wait3A_1948 = tpu.memref_slice %arg11[%dma_wait3A_1946, %dma_wait3A_1947] : memref<2048x128xf32, #tpu.memory_space<vmem_shared>> -> memref<2048x128xf32, #tpu.memory_space<vmem_shared>>
    tpu.wait_indirect_dma semaphore(%arg14 : memref<!tpu.dma_semaphore, #tpu.memory_space<semaphore_mem>>) src(%dma_wait3A_1942 : memref<64x128xf32, #tpu.memory_space<vmem>>) dst(%dma_wait3A_1948 : memref<2048x128xf32, #tpu.memory_space<vmem_shared>>)
    %dma_wait3A_1949 = arith.constant 3 : i32
    %dma_wait3A_1950 = arith.constant 192 : i32
    %dma_wait3A_1951 = arith.constant 0 : i32
    %dma_wait3A_1952 = tpu.memref_slice %arg6[%dma_wait3A_1950, %dma_wait3A_1951] : memref<320x128xf32, #tpu.memory_space<vmem>> -> memref<64x128xf32, #tpu.memory_space<vmem>>
    %dma_wait3A_1953 = arith.constant 0 : i32
    %dma_wait3A_1954 = tpu.memref_slice %arg8[%dma_wait3A_1949, %dma_wait3A_1953] : memref<5x64xi32, #tpu.memory_space<vmem>> -> memref<1x64xi32, #tpu.memory_space<vmem>>
    %dma_wait3A_1955 = tpu.memref_squeeze %dma_wait3A_1954 : memref<1x64xi32, #tpu.memory_space<vmem>> -> memref<64xi32, #tpu.memory_space<vmem>>
    %dma_wait3A_1956 = arith.constant 0 : i32
    %dma_wait3A_1957 = arith.constant 0 : i32
    %dma_wait3A_1958 = tpu.memref_slice %arg11[%dma_wait3A_1956, %dma_wait3A_1957] : memref<2048x128xf32, #tpu.memory_space<vmem_shared>> -> memref<2048x128xf32, #tpu.memory_space<vmem_shared>>
    tpu.wait_indirect_dma semaphore(%arg14 : memref<!tpu.dma_semaphore, #tpu.memory_space<semaphore_mem>>) src(%dma_wait3A_1952 : memref<64x128xf32, #tpu.memory_space<vmem>>) dst(%dma_wait3A_1958 : memref<2048x128xf32, #tpu.memory_space<vmem_shared>>)
    %dma_wait3A_1959 = arith.constant 4 : i32
    %dma_wait3A_1960 = arith.constant 256 : i32
    %dma_wait3A_1961 = arith.constant 0 : i32
    %dma_wait3A_1962 = tpu.memref_slice %arg6[%dma_wait3A_1960, %dma_wait3A_1961] : memref<320x128xf32, #tpu.memory_space<vmem>> -> memref<64x128xf32, #tpu.memory_space<vmem>>
    %dma_wait3A_1963 = arith.constant 0 : i32
    %dma_wait3A_1964 = tpu.memref_slice %arg8[%dma_wait3A_1959, %dma_wait3A_1963] : memref<5x64xi32, #tpu.memory_space<vmem>> -> memref<1x64xi32, #tpu.memory_space<vmem>>
    %dma_wait3A_1965 = tpu.memref_squeeze %dma_wait3A_1964 : memref<1x64xi32, #tpu.memory_space<vmem>> -> memref<64xi32, #tpu.memory_space<vmem>>
    %dma_wait3A_1966 = arith.constant 0 : i32
    %dma_wait3A_1967 = arith.constant 0 : i32
    %dma_wait3A_1968 = tpu.memref_slice %arg11[%dma_wait3A_1966, %dma_wait3A_1967] : memref<2048x128xf32, #tpu.memory_space<vmem_shared>> -> memref<2048x128xf32, #tpu.memory_space<vmem_shared>>
    tpu.wait_indirect_dma semaphore(%arg14 : memref<!tpu.dma_semaphore, #tpu.memory_space<semaphore_mem>>) src(%dma_wait3A_1962 : memref<64x128xf32, #tpu.memory_space<vmem>>) dst(%dma_wait3A_1968 : memref<2048x128xf32, #tpu.memory_space<vmem_shared>>)
    %barrier3A_1969 = arith.constant 0 : index
    tpu.barrier barrier_id(%barrier3A_1969)
    %dma_start3A_1970 = arith.constant 0 : i32
    %dma_start3A_1971 = arith.constant 0 : i32
    %dma_start3A_1972 = arith.constant 0 : i32
    %dma_start3A_1973 = tpu.memref_slice %arg7[%dma_start3A_1971, %dma_start3A_1972] : memref<320x128xf32, #tpu.memory_space<vmem>> -> memref<64x128xf32, #tpu.memory_space<vmem>>
    %dma_start3A_1974 = arith.constant 0 : i32
    %dma_start3A_1975 = tpu.memref_slice %arg9[%dma_start3A_1970, %dma_start3A_1974] : memref<5x64xi32, #tpu.memory_space<vmem>> -> memref<1x64xi32, #tpu.memory_space<vmem>>
    %dma_start3A_1976 = tpu.memref_squeeze %dma_start3A_1975 : memref<1x64xi32, #tpu.memory_space<vmem>> -> memref<64xi32, #tpu.memory_space<vmem>>
    %dma_start3A_1977 = arith.constant 0 : i32
    %dma_start3A_1978 = arith.constant 0 : i32
    %dma_start3A_1979 = tpu.memref_slice %arg11[%dma_start3A_1977, %dma_start3A_1978] : memref<2048x128xf32, #tpu.memory_space<vmem_shared>> -> memref<2048x128xf32, #tpu.memory_space<vmem_shared>>
    tpu.enqueue_indirect_dma source(%dma_start3A_1979 : memref<2048x128xf32, #tpu.memory_space<vmem_shared>>) target(%dma_start3A_1973 : memref<64x128xf32, #tpu.memory_space<vmem>>) offsets(%dma_start3A_1976 : memref<64xi32, #tpu.memory_space<vmem>>) semaphore(%arg15 : memref<!tpu.dma_semaphore, #tpu.memory_space<semaphore_mem>>)
    %dma_start3A_1980 = arith.constant 1 : i32
    %dma_start3A_1981 = arith.constant 64 : i32
    %dma_start3A_1982 = arith.constant 0 : i32
    %dma_start3A_1983 = tpu.memref_slice %arg7[%dma_start3A_1981, %dma_start3A_1982] : memref<320x128xf32, #tpu.memory_space<vmem>> -> memref<64x128xf32, #tpu.memory_space<vmem>>
    %dma_start3A_1984 = arith.constant 0 : i32
    %dma_start3A_1985 = tpu.memref_slice %arg9[%dma_start3A_1980, %dma_start3A_1984] : memref<5x64xi32, #tpu.memory_space<vmem>> -> memref<1x64xi32, #tpu.memory_space<vmem>>
    %dma_start3A_1986 = tpu.memref_squeeze %dma_start3A_1985 : memref<1x64xi32, #tpu.memory_space<vmem>> -> memref<64xi32, #tpu.memory_space<vmem>>
    %dma_start3A_1987 = arith.constant 0 : i32
    %dma_start3A_1988 = arith.constant 0 : i32
    %dma_start3A_1989 = tpu.memref_slice %arg11[%dma_start3A_1987, %dma_start3A_1988] : memref<2048x128xf32, #tpu.memory_space<vmem_shared>> -> memref<2048x128xf32, #tpu.memory_space<vmem_shared>>
    tpu.enqueue_indirect_dma source(%dma_start3A_1989 : memref<2048x128xf32, #tpu.memory_space<vmem_shared>>) target(%dma_start3A_1983 : memref<64x128xf32, #tpu.memory_space<vmem>>) offsets(%dma_start3A_1986 : memref<64xi32, #tpu.memory_space<vmem>>) semaphore(%arg15 : memref<!tpu.dma_semaphore, #tpu.memory_space<semaphore_mem>>)
    %dma_start3A_1990 = arith.constant 2 : i32
    %dma_start3A_1991 = arith.constant 128 : i32
    %dma_start3A_1992 = arith.constant 0 : i32
    %dma_start3A_1993 = tpu.memref_slice %arg7[%dma_start3A_1991, %dma_start3A_1992] : memref<320x128xf32, #tpu.memory_space<vmem>> -> memref<64x128xf32, #tpu.memory_space<vmem>>
    %dma_start3A_1994 = arith.constant 0 : i32
    %dma_start3A_1995 = tpu.memref_slice %arg9[%dma_start3A_1990, %dma_start3A_1994] : memref<5x64xi32, #tpu.memory_space<vmem>> -> memref<1x64xi32, #tpu.memory_space<vmem>>
    %dma_start3A_1996 = tpu.memref_squeeze %dma_start3A_1995 : memref<1x64xi32, #tpu.memory_space<vmem>> -> memref<64xi32, #tpu.memory_space<vmem>>
    %dma_start3A_1997 = arith.constant 0 : i32
    %dma_start3A_1998 = arith.constant 0 : i32
    %dma_start3A_1999 = tpu.memref_slice %arg11[%dma_start3A_1997, %dma_start3A_1998] : memref<2048x128xf32, #tpu.memory_space<vmem_shared>> -> memref<2048x128xf32, #tpu.memory_space<vmem_shared>>
    tpu.enqueue_indirect_dma source(%dma_start3A_1999 : memref<2048x128xf32, #tpu.memory_space<vmem_shared>>) target(%dma_start3A_1993 : memref<64x128xf32, #tpu.memory_space<vmem>>) offsets(%dma_start3A_1996 : memref<64xi32, #tpu.memory_space<vmem>>) semaphore(%arg15 : memref<!tpu.dma_semaphore, #tpu.memory_space<semaphore_mem>>)
    %dma_start3A_2000 = arith.constant 3 : i32
    %dma_start3A_2001 = arith.constant 192 : i32
    %dma_start3A_2002 = arith.constant 0 : i32
    %dma_start3A_2003 = tpu.memref_slice %arg7[%dma_start3A_2001, %dma_start3A_2002] : memref<320x128xf32, #tpu.memory_space<vmem>> -> memref<64x128xf32, #tpu.memory_space<vmem>>
    %dma_start3A_2004 = arith.constant 0 : i32
    %dma_start3A_2005 = tpu.memref_slice %arg9[%dma_start3A_2000, %dma_start3A_2004] : memref<5x64xi32, #tpu.memory_space<vmem>> -> memref<1x64xi32, #tpu.memory_space<vmem>>
    %dma_start3A_2006 = tpu.memref_squeeze %dma_start3A_2005 : memref<1x64xi32, #tpu.memory_space<vmem>> -> memref<64xi32, #tpu.memory_space<vmem>>
    %dma_start3A_2007 = arith.constant 0 : i32
    %dma_start3A_2008 = arith.constant 0 : i32
    %dma_start3A_2009 = tpu.memref_slice %arg11[%dma_start3A_2007, %dma_start3A_2008] : memref<2048x128xf32, #tpu.memory_space<vmem_shared>> -> memref<2048x128xf32, #tpu.memory_space<vmem_shared>>
    tpu.enqueue_indirect_dma source(%dma_start3A_2009 : memref<2048x128xf32, #tpu.memory_space<vmem_shared>>) target(%dma_start3A_2003 : memref<64x128xf32, #tpu.memory_space<vmem>>) offsets(%dma_start3A_2006 : memref<64xi32, #tpu.memory_space<vmem>>) semaphore(%arg15 : memref<!tpu.dma_semaphore, #tpu.memory_space<semaphore_mem>>)
    %dma_start3A_2010 = arith.constant 4 : i32
    %dma_start3A_2011 = arith.constant 256 : i32
    %dma_start3A_2012 = arith.constant 0 : i32
    %dma_start3A_2013 = tpu.memref_slice %arg7[%dma_start3A_2011, %dma_start3A_2012] : memref<320x128xf32, #tpu.memory_space<vmem>> -> memref<64x128xf32, #tpu.memory_space<vmem>>
    %dma_start3A_2014 = arith.constant 0 : i32
    %dma_start3A_2015 = tpu.memref_slice %arg9[%dma_start3A_2010, %dma_start3A_2014] : memref<5x64xi32, #tpu.memory_space<vmem>> -> memref<1x64xi32, #tpu.memory_space<vmem>>
    %dma_start3A_2016 = tpu.memref_squeeze %dma_start3A_2015 : memref<1x64xi32, #tpu.memory_space<vmem>> -> memref<64xi32, #tpu.memory_space<vmem>>
    %dma_start3A_2017 = arith.constant 0 : i32
    %dma_start3A_2018 = arith.constant 0 : i32
    %dma_start3A_2019 = tpu.memref_slice %arg11[%dma_start3A_2017, %dma_start3A_2018] : memref<2048x128xf32, #tpu.memory_space<vmem_shared>> -> memref<2048x128xf32, #tpu.memory_space<vmem_shared>>
    tpu.enqueue_indirect_dma source(%dma_start3A_2019 : memref<2048x128xf32, #tpu.memory_space<vmem_shared>>) target(%dma_start3A_2013 : memref<64x128xf32, #tpu.memory_space<vmem>>) offsets(%dma_start3A_2016 : memref<64xi32, #tpu.memory_space<vmem>>) semaphore(%arg15 : memref<!tpu.dma_semaphore, #tpu.memory_space<semaphore_mem>>)
    %dma_wait3A_2020 = arith.constant 0 : i32
    %dma_wait3A_2021 = arith.constant 0 : i32
    %dma_wait3A_2022 = arith.constant 0 : i32
    %dma_wait3A_2023 = tpu.memref_slice %arg7[%dma_wait3A_2021, %dma_wait3A_2022] : memref<320x128xf32, #tpu.memory_space<vmem>> -> memref<64x128xf32, #tpu.memory_space<vmem>>
    %dma_wait3A_2024 = arith.constant 0 : i32
    %dma_wait3A_2025 = tpu.memref_slice %arg9[%dma_wait3A_2020, %dma_wait3A_2024] : memref<5x64xi32, #tpu.memory_space<vmem>> -> memref<1x64xi32, #tpu.memory_space<vmem>>
    %dma_wait3A_2026 = tpu.memref_squeeze %dma_wait3A_2025 : memref<1x64xi32, #tpu.memory_space<vmem>> -> memref<64xi32, #tpu.memory_space<vmem>>
    %dma_wait3A_2027 = arith.constant 0 : i32
    %dma_wait3A_2028 = arith.constant 0 : i32
    %dma_wait3A_2029 = tpu.memref_slice %arg11[%dma_wait3A_2027, %dma_wait3A_2028] : memref<2048x128xf32, #tpu.memory_space<vmem_shared>> -> memref<2048x128xf32, #tpu.memory_space<vmem_shared>>
    tpu.wait_indirect_dma semaphore(%arg15 : memref<!tpu.dma_semaphore, #tpu.memory_space<semaphore_mem>>) src(%dma_wait3A_2029 : memref<2048x128xf32, #tpu.memory_space<vmem_shared>>) dst(%dma_wait3A_2023 : memref<64x128xf32, #tpu.memory_space<vmem>>)
    %add3A_2030 = arith.constant 0 : i32
    %add3A_2031 = arith.addi %mul3A_0, %add3A_2030 : i32
    %dma_start3A_2032 = arith.constant 0 : i32
    %dma_start3A_2033 = arith.constant 0 : i32
    %dma_start3A_2034 = tpu.memref_slice %arg7[%dma_start3A_2032, %dma_start3A_2033] : memref<320x128xf32, #tpu.memory_space<vmem>> -> memref<64x128xf32, #tpu.memory_space<vmem>>
    %dma_start3A_2035 = arith.constant 0 : i32
    %dma_start3A_2036 = tpu.memref_slice %arg4[%add3A_2031, %dma_start3A_2035] : memref<5120x128xf32, #tpu.memory_space<hbm>> -> memref<64x128xf32, #tpu.memory_space<hbm>>
    %dma_start3A_2037 = arith.constant 0 : i32
    %dma_start3A_2038 = tpu.memref_slice %arg4[%add3A_2031, %dma_start3A_2037] : memref<5120x128xf32, #tpu.memory_space<hbm>> -> memref<64x128xf32, #tpu.memory_space<hbm>>
    %dma_start3A_2039 = arith.constant 0 : i32
    %dma_start3A_2040 = arith.constant 0 : i32
    %dma_start3A_2041 = tpu.memref_slice %arg7[%dma_start3A_2039, %dma_start3A_2040] : memref<320x128xf32, #tpu.memory_space<vmem>> -> memref<64x128xf32, #tpu.memory_space<vmem>>
    tpu.enqueue_dma source(%dma_start3A_2041 : memref<64x128xf32, #tpu.memory_space<vmem>>) target(%dma_start3A_2038 : memref<64x128xf32, #tpu.memory_space<hbm>>) target_semaphore(%arg12 : memref<!tpu.dma_semaphore, #tpu.memory_space<semaphore_mem>>)
    %dma_wait3A_2042 = arith.constant 1 : i32
    %dma_wait3A_2043 = arith.constant 64 : i32
    %dma_wait3A_2044 = arith.constant 0 : i32
    %dma_wait3A_2045 = tpu.memref_slice %arg7[%dma_wait3A_2043, %dma_wait3A_2044] : memref<320x128xf32, #tpu.memory_space<vmem>> -> memref<64x128xf32, #tpu.memory_space<vmem>>
    %dma_wait3A_2046 = arith.constant 0 : i32
    %dma_wait3A_2047 = tpu.memref_slice %arg9[%dma_wait3A_2042, %dma_wait3A_2046] : memref<5x64xi32, #tpu.memory_space<vmem>> -> memref<1x64xi32, #tpu.memory_space<vmem>>
    %dma_wait3A_2048 = tpu.memref_squeeze %dma_wait3A_2047 : memref<1x64xi32, #tpu.memory_space<vmem>> -> memref<64xi32, #tpu.memory_space<vmem>>
    %dma_wait3A_2049 = arith.constant 0 : i32
    %dma_wait3A_2050 = arith.constant 0 : i32
    %dma_wait3A_2051 = tpu.memref_slice %arg11[%dma_wait3A_2049, %dma_wait3A_2050] : memref<2048x128xf32, #tpu.memory_space<vmem_shared>> -> memref<2048x128xf32, #tpu.memory_space<vmem_shared>>
    tpu.wait_indirect_dma semaphore(%arg15 : memref<!tpu.dma_semaphore, #tpu.memory_space<semaphore_mem>>) src(%dma_wait3A_2051 : memref<2048x128xf32, #tpu.memory_space<vmem_shared>>) dst(%dma_wait3A_2045 : memref<64x128xf32, #tpu.memory_space<vmem>>)
    %add3A_2052 = arith.constant 64 : i32
    %add3A_2053 = arith.addi %mul3A_0, %add3A_2052 : i32
    %dma_start3A_2054 = arith.constant 64 : i32
    %dma_start3A_2055 = arith.constant 0 : i32
    %dma_start3A_2056 = tpu.memref_slice %arg7[%dma_start3A_2054, %dma_start3A_2055] : memref<320x128xf32, #tpu.memory_space<vmem>> -> memref<64x128xf32, #tpu.memory_space<vmem>>
    %dma_start3A_2057 = arith.constant 0 : i32
    %dma_start3A_2058 = tpu.memref_slice %arg4[%add3A_2053, %dma_start3A_2057] : memref<5120x128xf32, #tpu.memory_space<hbm>> -> memref<64x128xf32, #tpu.memory_space<hbm>>
    %dma_start3A_2059 = arith.constant 0 : i32
    %dma_start3A_2060 = tpu.memref_slice %arg4[%add3A_2053, %dma_start3A_2059] : memref<5120x128xf32, #tpu.memory_space<hbm>> -> memref<64x128xf32, #tpu.memory_space<hbm>>
    %dma_start3A_2061 = arith.constant 64 : i32
    %dma_start3A_2062 = arith.constant 0 : i32
    %dma_start3A_2063 = tpu.memref_slice %arg7[%dma_start3A_2061, %dma_start3A_2062] : memref<320x128xf32, #tpu.memory_space<vmem>> -> memref<64x128xf32, #tpu.memory_space<vmem>>
    tpu.enqueue_dma source(%dma_start3A_2063 : memref<64x128xf32, #tpu.memory_space<vmem>>) target(%dma_start3A_2060 : memref<64x128xf32, #tpu.memory_space<hbm>>) target_semaphore(%arg12 : memref<!tpu.dma_semaphore, #tpu.memory_space<semaphore_mem>>)
    %dma_wait3A_2064 = arith.constant 2 : i32
    %dma_wait3A_2065 = arith.constant 128 : i32
    %dma_wait3A_2066 = arith.constant 0 : i32
    %dma_wait3A_2067 = tpu.memref_slice %arg7[%dma_wait3A_2065, %dma_wait3A_2066] : memref<320x128xf32, #tpu.memory_space<vmem>> -> memref<64x128xf32, #tpu.memory_space<vmem>>
    %dma_wait3A_2068 = arith.constant 0 : i32
    %dma_wait3A_2069 = tpu.memref_slice %arg9[%dma_wait3A_2064, %dma_wait3A_2068] : memref<5x64xi32, #tpu.memory_space<vmem>> -> memref<1x64xi32, #tpu.memory_space<vmem>>
    %dma_wait3A_2070 = tpu.memref_squeeze %dma_wait3A_2069 : memref<1x64xi32, #tpu.memory_space<vmem>> -> memref<64xi32, #tpu.memory_space<vmem>>
    %dma_wait3A_2071 = arith.constant 0 : i32
    %dma_wait3A_2072 = arith.constant 0 : i32
    %dma_wait3A_2073 = tpu.memref_slice %arg11[%dma_wait3A_2071, %dma_wait3A_2072] : memref<2048x128xf32, #tpu.memory_space<vmem_shared>> -> memref<2048x128xf32, #tpu.memory_space<vmem_shared>>
    tpu.wait_indirect_dma semaphore(%arg15 : memref<!tpu.dma_semaphore, #tpu.memory_space<semaphore_mem>>) src(%dma_wait3A_2073 : memref<2048x128xf32, #tpu.memory_space<vmem_shared>>) dst(%dma_wait3A_2067 : memref<64x128xf32, #tpu.memory_space<vmem>>)
    %add3A_2074 = arith.constant 128 : i32
    %add3A_2075 = arith.addi %mul3A_0, %add3A_2074 : i32
    %dma_start3A_2076 = arith.constant 128 : i32
    %dma_start3A_2077 = arith.constant 0 : i32
    %dma_start3A_2078 = tpu.memref_slice %arg7[%dma_start3A_2076, %dma_start3A_2077] : memref<320x128xf32, #tpu.memory_space<vmem>> -> memref<64x128xf32, #tpu.memory_space<vmem>>
    %dma_start3A_2079 = arith.constant 0 : i32
    %dma_start3A_2080 = tpu.memref_slice %arg4[%add3A_2075, %dma_start3A_2079] : memref<5120x128xf32, #tpu.memory_space<hbm>> -> memref<64x128xf32, #tpu.memory_space<hbm>>
    %dma_start3A_2081 = arith.constant 0 : i32
    %dma_start3A_2082 = tpu.memref_slice %arg4[%add3A_2075, %dma_start3A_2081] : memref<5120x128xf32, #tpu.memory_space<hbm>> -> memref<64x128xf32, #tpu.memory_space<hbm>>
    %dma_start3A_2083 = arith.constant 128 : i32
    %dma_start3A_2084 = arith.constant 0 : i32
    %dma_start3A_2085 = tpu.memref_slice %arg7[%dma_start3A_2083, %dma_start3A_2084] : memref<320x128xf32, #tpu.memory_space<vmem>> -> memref<64x128xf32, #tpu.memory_space<vmem>>
    tpu.enqueue_dma source(%dma_start3A_2085 : memref<64x128xf32, #tpu.memory_space<vmem>>) target(%dma_start3A_2082 : memref<64x128xf32, #tpu.memory_space<hbm>>) target_semaphore(%arg12 : memref<!tpu.dma_semaphore, #tpu.memory_space<semaphore_mem>>)
    %dma_wait3A_2086 = arith.constant 3 : i32
    %dma_wait3A_2087 = arith.constant 192 : i32
    %dma_wait3A_2088 = arith.constant 0 : i32
    %dma_wait3A_2089 = tpu.memref_slice %arg7[%dma_wait3A_2087, %dma_wait3A_2088] : memref<320x128xf32, #tpu.memory_space<vmem>> -> memref<64x128xf32, #tpu.memory_space<vmem>>
    %dma_wait3A_2090 = arith.constant 0 : i32
    %dma_wait3A_2091 = tpu.memref_slice %arg9[%dma_wait3A_2086, %dma_wait3A_2090] : memref<5x64xi32, #tpu.memory_space<vmem>> -> memref<1x64xi32, #tpu.memory_space<vmem>>
    %dma_wait3A_2092 = tpu.memref_squeeze %dma_wait3A_2091 : memref<1x64xi32, #tpu.memory_space<vmem>> -> memref<64xi32, #tpu.memory_space<vmem>>
    %dma_wait3A_2093 = arith.constant 0 : i32
    %dma_wait3A_2094 = arith.constant 0 : i32
    %dma_wait3A_2095 = tpu.memref_slice %arg11[%dma_wait3A_2093, %dma_wait3A_2094] : memref<2048x128xf32, #tpu.memory_space<vmem_shared>> -> memref<2048x128xf32, #tpu.memory_space<vmem_shared>>
    tpu.wait_indirect_dma semaphore(%arg15 : memref<!tpu.dma_semaphore, #tpu.memory_space<semaphore_mem>>) src(%dma_wait3A_2095 : memref<2048x128xf32, #tpu.memory_space<vmem_shared>>) dst(%dma_wait3A_2089 : memref<64x128xf32, #tpu.memory_space<vmem>>)
    %add3A_2096 = arith.constant 192 : i32
    %add3A_2097 = arith.addi %mul3A_0, %add3A_2096 : i32
    %dma_start3A_2098 = arith.constant 192 : i32
    %dma_start3A_2099 = arith.constant 0 : i32
    %dma_start3A_2100 = tpu.memref_slice %arg7[%dma_start3A_2098, %dma_start3A_2099] : memref<320x128xf32, #tpu.memory_space<vmem>> -> memref<64x128xf32, #tpu.memory_space<vmem>>
    %dma_start3A_2101 = arith.constant 0 : i32
    %dma_start3A_2102 = tpu.memref_slice %arg4[%add3A_2097, %dma_start3A_2101] : memref<5120x128xf32, #tpu.memory_space<hbm>> -> memref<64x128xf32, #tpu.memory_space<hbm>>
    %dma_start3A_2103 = arith.constant 0 : i32
    %dma_start3A_2104 = tpu.memref_slice %arg4[%add3A_2097, %dma_start3A_2103] : memref<5120x128xf32, #tpu.memory_space<hbm>> -> memref<64x128xf32, #tpu.memory_space<hbm>>
    %dma_start3A_2105 = arith.constant 192 : i32
    %dma_start3A_2106 = arith.constant 0 : i32
    %dma_start3A_2107 = tpu.memref_slice %arg7[%dma_start3A_2105, %dma_start3A_2106] : memref<320x128xf32, #tpu.memory_space<vmem>> -> memref<64x128xf32, #tpu.memory_space<vmem>>
    tpu.enqueue_dma source(%dma_start3A_2107 : memref<64x128xf32, #tpu.memory_space<vmem>>) target(%dma_start3A_2104 : memref<64x128xf32, #tpu.memory_space<hbm>>) target_semaphore(%arg12 : memref<!tpu.dma_semaphore, #tpu.memory_space<semaphore_mem>>)
    %dma_wait3A_2108 = arith.constant 4 : i32
    %dma_wait3A_2109 = arith.constant 256 : i32
    %dma_wait3A_2110 = arith.constant 0 : i32
    %dma_wait3A_2111 = tpu.memref_slice %arg7[%dma_wait3A_2109, %dma_wait3A_2110] : memref<320x128xf32, #tpu.memory_space<vmem>> -> memref<64x128xf32, #tpu.memory_space<vmem>>
    %dma_wait3A_2112 = arith.constant 0 : i32
    %dma_wait3A_2113 = tpu.memref_slice %arg9[%dma_wait3A_2108, %dma_wait3A_2112] : memref<5x64xi32, #tpu.memory_space<vmem>> -> memref<1x64xi32, #tpu.memory_space<vmem>>
    %dma_wait3A_2114 = tpu.memref_squeeze %dma_wait3A_2113 : memref<1x64xi32, #tpu.memory_space<vmem>> -> memref<64xi32, #tpu.memory_space<vmem>>
    %dma_wait3A_2115 = arith.constant 0 : i32
    %dma_wait3A_2116 = arith.constant 0 : i32
    %dma_wait3A_2117 = tpu.memref_slice %arg11[%dma_wait3A_2115, %dma_wait3A_2116] : memref<2048x128xf32, #tpu.memory_space<vmem_shared>> -> memref<2048x128xf32, #tpu.memory_space<vmem_shared>>
    tpu.wait_indirect_dma semaphore(%arg15 : memref<!tpu.dma_semaphore, #tpu.memory_space<semaphore_mem>>) src(%dma_wait3A_2117 : memref<2048x128xf32, #tpu.memory_space<vmem_shared>>) dst(%dma_wait3A_2111 : memref<64x128xf32, #tpu.memory_space<vmem>>)
    %add3A_2118 = arith.constant 256 : i32
    %add3A_2119 = arith.addi %mul3A_0, %add3A_2118 : i32
    %dma_start3A_2120 = arith.constant 256 : i32
    %dma_start3A_2121 = arith.constant 0 : i32
    %dma_start3A_2122 = tpu.memref_slice %arg7[%dma_start3A_2120, %dma_start3A_2121] : memref<320x128xf32, #tpu.memory_space<vmem>> -> memref<64x128xf32, #tpu.memory_space<vmem>>
    %dma_start3A_2123 = arith.constant 0 : i32
    %dma_start3A_2124 = tpu.memref_slice %arg4[%add3A_2119, %dma_start3A_2123] : memref<5120x128xf32, #tpu.memory_space<hbm>> -> memref<64x128xf32, #tpu.memory_space<hbm>>
    %dma_start3A_2125 = arith.constant 0 : i32
    %dma_start3A_2126 = tpu.memref_slice %arg4[%add3A_2119, %dma_start3A_2125] : memref<5120x128xf32, #tpu.memory_space<hbm>> -> memref<64x128xf32, #tpu.memory_space<hbm>>
    %dma_start3A_2127 = arith.constant 256 : i32
    %dma_start3A_2128 = arith.constant 0 : i32
    %dma_start3A_2129 = tpu.memref_slice %arg7[%dma_start3A_2127, %dma_start3A_2128] : memref<320x128xf32, #tpu.memory_space<vmem>> -> memref<64x128xf32, #tpu.memory_space<vmem>>
    tpu.enqueue_dma source(%dma_start3A_2129 : memref<64x128xf32, #tpu.memory_space<vmem>>) target(%dma_start3A_2126 : memref<64x128xf32, #tpu.memory_space<hbm>>) target_semaphore(%arg12 : memref<!tpu.dma_semaphore, #tpu.memory_space<semaphore_mem>>)
    %dma_wait3A_2130 = arith.constant 0 : i32
    %dma_wait3A_2131 = arith.constant 0 : i32
    %dma_wait3A_2132 = tpu.memref_slice %arg7[%dma_wait3A_2130, %dma_wait3A_2131] : memref<320x128xf32, #tpu.memory_space<vmem>> -> memref<64x128xf32, #tpu.memory_space<vmem>>
    %dma_wait3A_2133 = arith.constant 0 : i32
    %dma_wait3A_2134 = tpu.memref_slice %arg4[%add3A_2031, %dma_wait3A_2133] : memref<5120x128xf32, #tpu.memory_space<hbm>> -> memref<64x128xf32, #tpu.memory_space<hbm>>
    %dma_wait3A_2135 = arith.constant 0 : i32
    %dma_wait3A_2136 = tpu.memref_slice %arg4[%add3A_2031, %dma_wait3A_2135] : memref<5120x128xf32, #tpu.memory_space<hbm>> -> memref<64x128xf32, #tpu.memory_space<hbm>>
    %dma_wait3A_2137 = arith.constant 0 : i32
    %dma_wait3A_2138 = arith.constant 0 : i32
    %dma_wait3A_2139 = tpu.memref_slice %arg7[%dma_wait3A_2137, %dma_wait3A_2138] : memref<320x128xf32, #tpu.memory_space<vmem>> -> memref<64x128xf32, #tpu.memory_space<vmem>>
    tpu.wait_dma2 semaphore(%arg12 : memref<!tpu.dma_semaphore, #tpu.memory_space<semaphore_mem>>) src(%dma_wait3A_2139 : memref<64x128xf32, #tpu.memory_space<vmem>>) dst(%dma_wait3A_2136 : memref<64x128xf32, #tpu.memory_space<hbm>>)
    %dma_wait3A_2140 = arith.constant 64 : i32
    %dma_wait3A_2141 = arith.constant 0 : i32
    %dma_wait3A_2142 = tpu.memref_slice %arg7[%dma_wait3A_2140, %dma_wait3A_2141] : memref<320x128xf32, #tpu.memory_space<vmem>> -> memref<64x128xf32, #tpu.memory_space<vmem>>
    %dma_wait3A_2143 = arith.constant 0 : i32
    %dma_wait3A_2144 = tpu.memref_slice %arg4[%add3A_2053, %dma_wait3A_2143] : memref<5120x128xf32, #tpu.memory_space<hbm>> -> memref<64x128xf32, #tpu.memory_space<hbm>>
    %dma_wait3A_2145 = arith.constant 0 : i32
    %dma_wait3A_2146 = tpu.memref_slice %arg4[%add3A_2053, %dma_wait3A_2145] : memref<5120x128xf32, #tpu.memory_space<hbm>> -> memref<64x128xf32, #tpu.memory_space<hbm>>
    %dma_wait3A_2147 = arith.constant 64 : i32
    %dma_wait3A_2148 = arith.constant 0 : i32
    %dma_wait3A_2149 = tpu.memref_slice %arg7[%dma_wait3A_2147, %dma_wait3A_2148] : memref<320x128xf32, #tpu.memory_space<vmem>> -> memref<64x128xf32, #tpu.memory_space<vmem>>
    tpu.wait_dma2 semaphore(%arg12 : memref<!tpu.dma_semaphore, #tpu.memory_space<semaphore_mem>>) src(%dma_wait3A_2149 : memref<64x128xf32, #tpu.memory_space<vmem>>) dst(%dma_wait3A_2146 : memref<64x128xf32, #tpu.memory_space<hbm>>)
    %dma_wait3A_2150 = arith.constant 128 : i32
    %dma_wait3A_2151 = arith.constant 0 : i32
    %dma_wait3A_2152 = tpu.memref_slice %arg7[%dma_wait3A_2150, %dma_wait3A_2151] : memref<320x128xf32, #tpu.memory_space<vmem>> -> memref<64x128xf32, #tpu.memory_space<vmem>>
    %dma_wait3A_2153 = arith.constant 0 : i32
    %dma_wait3A_2154 = tpu.memref_slice %arg4[%add3A_2075, %dma_wait3A_2153] : memref<5120x128xf32, #tpu.memory_space<hbm>> -> memref<64x128xf32, #tpu.memory_space<hbm>>
    %dma_wait3A_2155 = arith.constant 0 : i32
    %dma_wait3A_2156 = tpu.memref_slice %arg4[%add3A_2075, %dma_wait3A_2155] : memref<5120x128xf32, #tpu.memory_space<hbm>> -> memref<64x128xf32, #tpu.memory_space<hbm>>
    %dma_wait3A_2157 = arith.constant 128 : i32
    %dma_wait3A_2158 = arith.constant 0 : i32
    %dma_wait3A_2159 = tpu.memref_slice %arg7[%dma_wait3A_2157, %dma_wait3A_2158] : memref<320x128xf32, #tpu.memory_space<vmem>> -> memref<64x128xf32, #tpu.memory_space<vmem>>
    tpu.wait_dma2 semaphore(%arg12 : memref<!tpu.dma_semaphore, #tpu.memory_space<semaphore_mem>>) src(%dma_wait3A_2159 : memref<64x128xf32, #tpu.memory_space<vmem>>) dst(%dma_wait3A_2156 : memref<64x128xf32, #tpu.memory_space<hbm>>)
    %dma_wait3A_2160 = arith.constant 192 : i32
    %dma_wait3A_2161 = arith.constant 0 : i32
    %dma_wait3A_2162 = tpu.memref_slice %arg7[%dma_wait3A_2160, %dma_wait3A_2161] : memref<320x128xf32, #tpu.memory_space<vmem>> -> memref<64x128xf32, #tpu.memory_space<vmem>>
    %dma_wait3A_2163 = arith.constant 0 : i32
    %dma_wait3A_2164 = tpu.memref_slice %arg4[%add3A_2097, %dma_wait3A_2163] : memref<5120x128xf32, #tpu.memory_space<hbm>> -> memref<64x128xf32, #tpu.memory_space<hbm>>
    %dma_wait3A_2165 = arith.constant 0 : i32
    %dma_wait3A_2166 = tpu.memref_slice %arg4[%add3A_2097, %dma_wait3A_2165] : memref<5120x128xf32, #tpu.memory_space<hbm>> -> memref<64x128xf32, #tpu.memory_space<hbm>>
    %dma_wait3A_2167 = arith.constant 192 : i32
    %dma_wait3A_2168 = arith.constant 0 : i32
    %dma_wait3A_2169 = tpu.memref_slice %arg7[%dma_wait3A_2167, %dma_wait3A_2168] : memref<320x128xf32, #tpu.memory_space<vmem>> -> memref<64x128xf32, #tpu.memory_space<vmem>>
    tpu.wait_dma2 semaphore(%arg12 : memref<!tpu.dma_semaphore, #tpu.memory_space<semaphore_mem>>) src(%dma_wait3A_2169 : memref<64x128xf32, #tpu.memory_space<vmem>>) dst(%dma_wait3A_2166 : memref<64x128xf32, #tpu.memory_space<hbm>>)
    %dma_wait3A_2170 = arith.constant 256 : i32
    %dma_wait3A_2171 = arith.constant 0 : i32
    %dma_wait3A_2172 = tpu.memref_slice %arg7[%dma_wait3A_2170, %dma_wait3A_2171] : memref<320x128xf32, #tpu.memory_space<vmem>> -> memref<64x128xf32, #tpu.memory_space<vmem>>
    %dma_wait3A_2173 = arith.constant 0 : i32
    %dma_wait3A_2174 = tpu.memref_slice %arg4[%add3A_2119, %dma_wait3A_2173] : memref<5120x128xf32, #tpu.memory_space<hbm>> -> memref<64x128xf32, #tpu.memory_space<hbm>>
    %dma_wait3A_2175 = arith.constant 0 : i32
    %dma_wait3A_2176 = tpu.memref_slice %arg4[%add3A_2119, %dma_wait3A_2175] : memref<5120x128xf32, #tpu.memory_space<hbm>> -> memref<64x128xf32, #tpu.memory_space<hbm>>
    %dma_wait3A_2177 = arith.constant 256 : i32
    %dma_wait3A_2178 = arith.constant 0 : i32
    %dma_wait3A_2179 = tpu.memref_slice %arg7[%dma_wait3A_2177, %dma_wait3A_2178] : memref<320x128xf32, #tpu.memory_space<vmem>> -> memref<64x128xf32, #tpu.memory_space<vmem>>
    tpu.wait_dma2 semaphore(%arg12 : memref<!tpu.dma_semaphore, #tpu.memory_space<semaphore_mem>>) src(%dma_wait3A_2179 : memref<64x128xf32, #tpu.memory_space<vmem>>) dst(%dma_wait3A_2176 : memref<64x128xf32, #tpu.memory_space<hbm>>)
    return
  }
}

module attributes {stable_mosaic.version = 14 : i64} {
  func.func @_tc2_body(%arg0: memref<10000x1xf32, #tpu.memory_space<vmem>>, %arg1: memref<5120x128xf32, #tpu.memory_space<vmem>>, %arg2: memref<128x1024xf32, #tpu.memory_space<vmem>>, %arg3: memref<1x128xf32, #tpu.memory_space<vmem>>, %arg4: memref<256x1xf32, #tpu.memory_space<vmem>>, %arg5: memref<10000x1xf32, #tpu.memory_space<vmem>>) attributes {dimension_semantics = [], scalar_prefetch = 0 : i64, scratch_operands = 0 : i64, tpu.core_type = #tpu.core_type<tc>} {
    %get3A = arith.constant 0 : index
    %get3A_0 = arith.constant 0 : index
    %get3A_1 = vector.load %arg1[%get3A, %get3A_0] : memref<5120x128xf32, #tpu.memory_space<vmem>>, vector<5120x128xf32>
    %max3A = arith.constant 0.000000e+00 : f32
    %max3A_2 = vector.broadcast %max3A : f32 to vector<5120x128xf32>
    %max3A_3 = arith.maximumf %get3A_1, %max3A_2 : vector<5120x128xf32>
    %iota3A = tpu.iota {dimensions = array<i32: 0>} : vector<1024x128xi32>
    %iota3A_4 = tpu.iota {dimensions = array<i32: 1>} : vector<1024x128xi32>
    %jit3A = arith.constant 128 : i32
    %eq3A = arith.constant 0 : i32
    %eq3A_5 = arith.cmpi eq, %jit3A, %eq3A : i32
    %jit3A_6 = arith.constant 1 : i32
    %select_n3A = arith.select %eq3A_5, %jit3A_6, %jit3A : i32
    %rem3A = vector.broadcast %select_n3A : i32 to vector<1024x128xi32>
    %rem3A_7 = arith.remsi %iota3A, %rem3A : vector<1024x128xi32>
    %ne3A = arith.constant 0 : i32
    %ne3A_8 = vector.broadcast %ne3A : i32 to vector<1024x128xi32>
    %ne3A_9 = arith.cmpi ne, %rem3A_7, %ne3A_8 : vector<1024x128xi32>
    %lt3A = arith.constant 0 : i32
    %lt3A_10 = vector.broadcast %lt3A : i32 to vector<1024x128xi32>
    %lt3A_11 = arith.cmpi slt, %rem3A_7, %lt3A_10 : vector<1024x128xi32>
    %lt3A_12 = arith.constant 0 : i32
    %lt3A_13 = arith.cmpi slt, %select_n3A, %lt3A_12 : i32
    %ne3A_14 = vector.broadcast %lt3A_13 : i1 to vector<1024x128xi1>
    %ne3A_15 = vector.broadcast %ne3A_14 : vector<1024x128xi1> to vector<1024x128xi1>
    %ne3A_16 = arith.xori %lt3A_11, %ne3A_15 : vector<1024x128xi1>
    %and3A = arith.andi %ne3A_16, %ne3A_9 : vector<1024x128xi1>
    %add3A = vector.broadcast %select_n3A : i32 to vector<1024x128xi32>
    %add3A_17 = arith.addi %rem3A_7, %add3A : vector<1024x128xi32>
    %select_n3A_18 = arith.select %and3A, %add3A_17, %rem3A_7 : vector<1024x128xi1>, vector<1024x128xi32>
    %eq3A_19 = arith.cmpi eq, %select_n3A_18, %iota3A_4 : vector<1024x128xi32>
    %jit3A_20 = arith.constant 1.250000e-01 : f32
    %jit3A_21 = arith.constant 0.000000e+00 : f32
    %broadcast_in_dim3A = vector.broadcast %jit3A_20 : f32 to vector<1024x128xf32>
    %broadcast_in_dim3A_22 = vector.broadcast %jit3A_21 : f32 to vector<1024x128xf32>
    %select_n3A_23 = arith.select %eq3A_19, %broadcast_in_dim3A, %broadcast_in_dim3A_22 : vector<1024x128xi1>, vector<1024x128xf32>
    %get3A_24 = arith.constant 0 : index
    %get3A_25 = arith.constant 0 : index
    %get3A_26 = vector.load %arg2[%get3A_24, %get3A_25] : memref<128x1024xf32, #tpu.memory_space<vmem>>, vector<128x1024xf32>
    %dot_general3A = arith.constant dense<0.000000e+00> : vector<128x128xf32>
    %dot_general3A_27 = tpu.matmul %get3A_26, %select_n3A_23, %dot_general3A {dimension_numbers = #tpu.dot_dimension_numbers<[1], [0], [0], [1], [0, 0, 1, 1], [], []>, transpose_lhs_hint = false} : vector<128x1024xf32>, vector<1024x128xf32>, vector<128x128xf32> -> vector<128x128xf32>
    %dot_general3A_28 = arith.constant dense<0.000000e+00> : vector<5120x128xf32>
    %dot_general3A_29 = tpu.matmul %max3A_3, %dot_general3A_27, %dot_general3A_28 {dimension_numbers = #tpu.dot_dimension_numbers<[1], [0], [0], [1], [0, 0, 1, 1], [], []>, transpose_lhs_hint = false} : vector<5120x128xf32>, vector<128x128xf32>, vector<5120x128xf32> -> vector<5120x128xf32>
    %get3A_30 = arith.constant 0 : index
    %get3A_31 = arith.constant 0 : index
    %get3A_32 = vector.load %arg3[%get3A_30, %get3A_31] : memref<1x128xf32, #tpu.memory_space<vmem>>, vector<1x128xf32>
    %add3A_33 = vector.broadcast %get3A_32 : vector<1x128xf32> to vector<5120x128xf32>
    %add3A_34 = arith.addf %dot_general3A_29, %add3A_33 : vector<5120x128xf32>
    %max3A_35 = arith.constant 0.000000e+00 : f32
    %max3A_36 = vector.broadcast %max3A_35 : f32 to vector<5120x128xf32>
    %max3A_37 = arith.maximumf %add3A_34, %max3A_36 : vector<5120x128xf32>
    %get3A_38 = arith.constant 0 : index
    %get3A_39 = arith.constant 0 : index
    %get3A_40 = vector.load %arg3[%get3A_38, %get3A_39] : memref<1x128xf32, #tpu.memory_space<vmem>>, vector<1x128xf32>
    %max3A_41 = arith.constant 0.000000e+00 : f32
    %max3A_42 = vector.broadcast %max3A_41 : f32 to vector<1x128xf32>
    %max3A_43 = arith.maximumf %get3A_40, %max3A_42 : vector<1x128xf32>
    %get3A_44 = arith.constant 128 : index
    %get3A_45 = arith.constant 0 : index
    %get3A_46 = vector.load %arg4[%get3A_44, %get3A_45] : memref<256x1xf32, #tpu.memory_space<vmem>>, vector<128x1xf32>
    %dot_general3A_47 = arith.constant dense<0.000000e+00> : vector<5120x1xf32>
    %dot_general3A_48 = tpu.matmul %max3A_37, %get3A_46, %dot_general3A_47 {dimension_numbers = #tpu.dot_dimension_numbers<[1], [0], [0], [1], [0, 0, 1, 1], [], []>, transpose_lhs_hint = false} : vector<5120x128xf32>, vector<128x1xf32>, vector<5120x1xf32> -> vector<5120x1xf32>
    %dot_general3A_49 = arith.constant dense<0.000000e+00> : vector<1x1xf32>
    %dot_general3A_50 = tpu.matmul %max3A_43, %get3A_46, %dot_general3A_49 {dimension_numbers = #tpu.dot_dimension_numbers<[1], [0], [0], [1], [0, 0, 1, 1], [], []>, transpose_lhs_hint = false} : vector<1x128xf32>, vector<128x1xf32>, vector<1x1xf32> -> vector<1x1xf32>
    %iota3A_51 = tpu.iota {dimensions = array<i32: 0>} : vector<10000x1xi32>
    %broadcast_in_dim3A_52 = arith.constant 0.000000e+00 : f32
    %broadcast_in_dim3A_53 = vector.broadcast %broadcast_in_dim3A_52 : f32 to vector<4880x1xf32>
    %concatenate3A = tpu.concatenate %dot_general3A_48, %broadcast_in_dim3A_53 in 0 : vector<5120x1xf32>, vector<4880x1xf32> -> vector<10000x1xf32>
    %get3A_54 = arith.constant 0 : index
    %get3A_55 = arith.constant 0 : index
    %get3A_56 = vector.load %arg0[%get3A_54, %get3A_55] : memref<10000x1xf32, #tpu.memory_space<vmem>>, vector<10000x1xf32>
    %lt3A_57 = arith.constant 5120 : i32
    %lt3A_58 = vector.broadcast %lt3A_57 : i32 to vector<10000x1xi32>
    %lt3A_59 = arith.cmpi slt, %iota3A_51, %lt3A_58 : vector<10000x1xi32>
    %broadcast_in_dim3A_60 = vector.shape_cast %dot_general3A_50 : vector<1x1xf32> to vector<1x1xf32>
    %broadcast_in_dim3A_61 = vector.broadcast %broadcast_in_dim3A_60 : vector<1x1xf32> to vector<10000x1xf32>
    %select_n3A_62 = arith.select %lt3A_59, %concatenate3A, %broadcast_in_dim3A_61 : vector<10000x1xi1>, vector<10000x1xf32>
    %add3A_63 = arith.addf %get3A_56, %select_n3A_62 : vector<10000x1xf32>
    %swap3A = arith.constant 0 : index
    %swap3A_64 = arith.constant 0 : index
    %swap3A_65 = vector.load %arg5[%swap3A, %swap3A_64] : memref<10000x1xf32, #tpu.memory_space<vmem>>, vector<10000x1xf32>
    tpu.vector_store %arg5[%swap3A, %swap3A_64], %add3A_63 {strides = array<i32>} : memref<10000x1xf32, #tpu.memory_space<vmem>>, vector<10000x1xf32>,
    return
  }
}

module attributes {stable_mosaic.version = 14 : i64} {
  func.func @_tcb_body(%arg0: memref<10000x128xf32, #tpu.memory_space<vmem>>, %arg1: memref<128x128xf32, #tpu.memory_space<vmem>>, %arg2: memref<1x128xf32, #tpu.memory_space<vmem>>, %arg3: memref<1x128xf32, #tpu.memory_space<vmem>>, %arg4: memref<1x128xf32, #tpu.memory_space<vmem>>, %arg5: memref<256x1xf32, #tpu.memory_space<vmem>>, %arg6: memref<1x1xf32, #tpu.memory_space<vmem>>, %arg7: memref<10000x1xf32, #tpu.memory_space<vmem>>) attributes {dimension_semantics = [], scalar_prefetch = 0 : i64, scratch_operands = 0 : i64, tpu.core_type = #tpu.core_type<tc>} {
    %get3A = arith.constant 0 : index
    %get3A_0 = arith.constant 0 : index
    %get3A_1 = vector.load %arg0[%get3A, %get3A_0] : memref<10000x128xf32, #tpu.memory_space<vmem>>, vector<10000x128xf32>
    %get3A_2 = arith.constant 0 : index
    %get3A_3 = arith.constant 0 : index
    %get3A_4 = vector.load %arg1[%get3A_2, %get3A_3] : memref<128x128xf32, #tpu.memory_space<vmem>>, vector<128x128xf32>
    %dot_general3A = arith.constant dense<0.000000e+00> : vector<10000x128xf32>
    %dot_general3A_5 = tpu.matmul %get3A_1, %get3A_4, %dot_general3A {dimension_numbers = #tpu.dot_dimension_numbers<[1], [0], [0], [1], [0, 0, 1, 1], [], []>, transpose_lhs_hint = false} : vector<10000x128xf32>, vector<128x128xf32>, vector<10000x128xf32> -> vector<10000x128xf32>
    %get3A_6 = arith.constant 0 : index
    %get3A_7 = arith.constant 0 : index
    %get3A_8 = vector.load %arg2[%get3A_6, %get3A_7] : memref<1x128xf32, #tpu.memory_space<vmem>>, vector<1x128xf32>
    %add3A = vector.broadcast %get3A_8 : vector<1x128xf32> to vector<10000x128xf32>
    %add3A_9 = arith.addf %dot_general3A_5, %add3A : vector<10000x128xf32>
    %reduce_sum3A = arith.constant dense<0.000000e+00> : vector<128xf32>
    %reduce_sum3A_10 = vector.multi_reduction <add>, %add3A_9, %reduce_sum3A [0] : vector<10000x128xf32> to vector<128xf32>
    %broadcast_in_dim3A = vector.shape_cast %reduce_sum3A_10 : vector<128xf32> to vector<1x128xf32>
    %div3A = arith.constant 1.000000e+04 : f32
    %div3A_11 = vector.broadcast %div3A : f32 to vector<1x128xf32>
    %div3A_12 = arith.divf %broadcast_in_dim3A, %div3A_11 : vector<1x128xf32>
    %sub3A = vector.broadcast %div3A_12 : vector<1x128xf32> to vector<10000x128xf32>
    %sub3A_13 = arith.subf %add3A_9, %sub3A : vector<10000x128xf32>
    %integer_pow3A = arith.mulf %sub3A_13, %sub3A_13 : vector<10000x128xf32>
    %reduce_sum3A_14 = arith.constant dense<0.000000e+00> : vector<128xf32>
    %reduce_sum3A_15 = vector.multi_reduction <add>, %integer_pow3A, %reduce_sum3A_14 [0] : vector<10000x128xf32> to vector<128xf32>
    %broadcast_in_dim3A_16 = vector.shape_cast %reduce_sum3A_15 : vector<128xf32> to vector<1x128xf32>
    %div3A_17 = arith.constant 1.000000e+04 : f32
    %div3A_18 = vector.broadcast %div3A_17 : f32 to vector<1x128xf32>
    %div3A_19 = arith.divf %broadcast_in_dim3A_16, %div3A_18 : vector<1x128xf32>
    %sub3A_20 = vector.broadcast %div3A_12 : vector<1x128xf32> to vector<10000x128xf32>
    %sub3A_21 = arith.subf %add3A_9, %sub3A_20 : vector<10000x128xf32>
    %add3A_22 = arith.constant 9.99999974E-6 : f32
    %add3A_23 = vector.broadcast %add3A_22 : f32 to vector<1x128xf32>
    %add3A_24 = arith.addf %div3A_19, %add3A_23 : vector<1x128xf32>
    %sqrt3A = math.sqrt %add3A_24 : vector<1x128xf32>
    %div3A_25 = vector.broadcast %sqrt3A : vector<1x128xf32> to vector<10000x128xf32>
    %div3A_26 = arith.divf %sub3A_21, %div3A_25 : vector<10000x128xf32>
    %get3A_27 = arith.constant 0 : index
    %get3A_28 = arith.constant 0 : index
    %get3A_29 = vector.load %arg3[%get3A_27, %get3A_28] : memref<1x128xf32, #tpu.memory_space<vmem>>, vector<1x128xf32>
    %mul3A = vector.broadcast %get3A_29 : vector<1x128xf32> to vector<10000x128xf32>
    %mul3A_30 = arith.mulf %div3A_26, %mul3A : vector<10000x128xf32>
    %get3A_31 = arith.constant 0 : index
    %get3A_32 = arith.constant 0 : index
    %get3A_33 = vector.load %arg4[%get3A_31, %get3A_32] : memref<1x128xf32, #tpu.memory_space<vmem>>, vector<1x128xf32>
    %add3A_34 = vector.broadcast %get3A_33 : vector<1x128xf32> to vector<10000x128xf32>
    %add3A_35 = arith.addf %mul3A_30, %add3A_34 : vector<10000x128xf32>
    %max3A = arith.constant 0.000000e+00 : f32
    %max3A_36 = vector.broadcast %max3A : f32 to vector<10000x128xf32>
    %max3A_37 = arith.maximumf %add3A_35, %max3A_36 : vector<10000x128xf32>
    %get3A_38 = arith.constant 0 : index
    %get3A_39 = arith.constant 0 : index
    %get3A_40 = vector.load %arg5[%get3A_38, %get3A_39] : memref<256x1xf32, #tpu.memory_space<vmem>>, vector<128x1xf32>
    %dot_general3A_41 = arith.constant dense<0.000000e+00> : vector<10000x1xf32>
    %dot_general3A_42 = tpu.matmul %max3A_37, %get3A_40, %dot_general3A_41 {dimension_numbers = #tpu.dot_dimension_numbers<[1], [0], [0], [1], [0, 0, 1, 1], [], []>, transpose_lhs_hint = false} : vector<10000x128xf32>, vector<128x1xf32>, vector<10000x1xf32> -> vector<10000x1xf32>
    %get3A_43 = arith.constant 0 : index
    %get3A_44 = arith.constant 0 : index
    %get3A_45 = vector.load %arg6[%get3A_43, %get3A_44] : memref<1x1xf32, #tpu.memory_space<vmem>>, vector<1x1xf32>
    %add3A_46 = vector.broadcast %get3A_45 : vector<1x1xf32> to vector<10000x1xf32>
    %add3A_47 = arith.addf %dot_general3A_42, %add3A_46 : vector<10000x1xf32>
    %swap3A = arith.constant 0 : index
    %swap3A_48 = arith.constant 0 : index
    %swap3A_49 = vector.load %arg7[%swap3A, %swap3A_48] : memref<10000x1xf32, #tpu.memory_space<vmem>>, vector<10000x1xf32>
    tpu.vector_store %arg7[%swap3A, %swap3A_48], %add3A_47 {strides = array<i32>} : memref<10000x1xf32, #tpu.memory_space<vmem>>, vector<10000x1xf32>,
    return
  }
}

module attributes {stable_mosaic.version = 14 : i64} {
  func.func @_tca_body(%arg0: memref<5000x128xf32, #tpu.memory_space<vmem>>, %arg1: memref<128x128xf32, #tpu.memory_space<vmem>>, %arg2: memref<1x128xf32, #tpu.memory_space<vmem>>, %arg3: memref<5120x128xf32, #tpu.memory_space<vmem>>) attributes {dimension_semantics = [], scalar_prefetch = 0 : i64, scratch_operands = 0 : i64, tpu.core_type = #tpu.core_type<tc>} {
    %get3A = arith.constant 0 : index
    %get3A_0 = arith.constant 0 : index
    %get3A_1 = vector.load %arg0[%get3A, %get3A_0] : memref<5000x128xf32, #tpu.memory_space<vmem>>, vector<5000x128xf32>
    %get3A_2 = arith.constant 0 : index
    %get3A_3 = arith.constant 0 : index
    %get3A_4 = vector.load %arg1[%get3A_2, %get3A_3] : memref<128x128xf32, #tpu.memory_space<vmem>>, vector<128x128xf32>
    %dot_general3A = arith.constant dense<0.000000e+00> : vector<5000x128xf32>
    %dot_general3A_5 = tpu.matmul %get3A_1, %get3A_4, %dot_general3A {dimension_numbers = #tpu.dot_dimension_numbers<[1], [0], [0], [1], [0, 0, 1, 1], [], []>, transpose_lhs_hint = false} : vector<5000x128xf32>, vector<128x128xf32>, vector<5000x128xf32> -> vector<5000x128xf32>
    %get3A_6 = arith.constant 0 : index
    %get3A_7 = arith.constant 0 : index
    %get3A_8 = vector.load %arg2[%get3A_6, %get3A_7] : memref<1x128xf32, #tpu.memory_space<vmem>>, vector<1x128xf32>
    %add3A = vector.broadcast %get3A_8 : vector<1x128xf32> to vector<5000x128xf32>
    %add3A_9 = arith.addf %dot_general3A_5, %add3A : vector<5000x128xf32>
    %max3A = arith.constant 0.000000e+00 : f32
    %max3A_10 = vector.broadcast %max3A : f32 to vector<5000x128xf32>
    %max3A_11 = arith.maximumf %add3A_9, %max3A_10 : vector<5000x128xf32>
    %swap3A = arith.constant 0 : index
    %swap3A_12 = arith.constant 0 : index
    %swap3A_13 = vector.load %arg3[%swap3A, %swap3A_12] : memref<5120x128xf32, #tpu.memory_space<vmem>>, vector<5000x128xf32>
    tpu.vector_store %arg3[%swap3A, %swap3A_12], %max3A_11 {strides = array<i32>} : memref<5120x128xf32, #tpu.memory_space<vmem>>, vector<5000x128xf32>,
    %broadcast_in_dim3A = arith.constant 0.000000e+00 : f32
    %broadcast_in_dim3A_14 = vector.broadcast %broadcast_in_dim3A : f32 to vector<120x128xf32>
    %swap3A_15 = arith.constant 5000 : index
    %swap3A_16 = arith.constant 0 : index
    %swap3A_17 = vector.load %arg3[%swap3A_15, %swap3A_16] : memref<5120x128xf32, #tpu.memory_space<vmem>>, vector<120x128xf32>
    tpu.vector_store %arg3[%swap3A_15, %swap3A_16], %broadcast_in_dim3A_14 {strides = array<i32>} : memref<5120x128xf32, #tpu.memory_space<vmem>>, vector<120x128xf32>,
    return
  }
}

</mosaic_0001>

<sc_bundles>
// kernel: kernel.6.cloned.1.call-start
scs
__scs_entry_jumppad:
0x0: {  	(pc) =	sbr.rel $0x88, $3  }
0x1: {  	(tag) =	ssettag $0x0;
	lr =	simm.s32 $0x1  }
0x2: {  	[smem:$0x3F96] =	sst lr;
	_ =	strace $0xD0000000  }
0x3: {  	_ = 	snop  }
0x4: {  	_ = 	snop  }
0x5: {  	_ = 	snop  }
0x6: {  	_ = 	snop  }
0x7: {  	_ = 	snop  }
__scs_overlays_trampoline_lowered:
0x8: {  	[smem:$0x3FA5] =	sst s0  }
0x9: {  	[smem:$0x3FA6] =	sst s1  }
0xa: {  	[smem:$0x3FA7] =	sst s2  }
0xb: {  	[smem:$0x3FA8] =	sst s3  }
0xc: {  	[smem:$0x3FA9] =	sst s4  }
0xd: {  	[smem:$0x3FAA] =	sst s5  }
0xe: {  	[smem:$0x3FAB] =	sst s6  }
0xf: {  	[smem:$0x3FAC] =	sst s7  }
0x10: {  	[smem:$0x3FAD] =	sst s8  }
0x11: {  	[smem:$0x3FAE] =	sst s9;
	s0 =	simm.s32 @!p0 $0x0  }
0x12: {  	s1 =	sld [smem:$0x3F94];
	s0 =	simm.s32 @p0 $0x1  }
0x13: {  	[smem:$0x3FAF] =	sst s0;
	s0 =	simm.s32 @!p1 $0x0  }
0x14: {  	s2 =	sld [smem:$0x3F93];
	s0 =	simm.s32 @p1 $0x1  }
0x15: {  	[smem:$0x3FB0] =	sst s0;
	s0 =	simm.s32 @!p2 $0x0  }
0x16: {  	s3 =	sld [smem:$0x3FDB];
	s0 =	simm.s32 @p2 $0x1  }
0x17: {  	s4 =	simm.s32 $0x1BF5;
	[smem:$0x3FB2] =	sst s0  }
0x18: {  	s0 =	sld [smem:$0x3F95];
	_ =	swait.ge [sflag:s4], $0x0  }
0x19: {  	s7 =	sld [smem:$0x3F96]  }
0x1a: {  	s8 =	sadd.s32 $0xFFFFE003, lr  }
0x1b: {  	s9 =	sadd.s32 $0xFFFFFEF7, lr;
	s5 =	simm.s32 $0xFFFFFFFF;
	p2 =	slt.u32 s8, $0xFFFFF086  }
0x1c: {  	p1 =	slt.u32 s9, $0xF7A;
	s5 =	simm.s32 @!p2 $0x0  }
0x1d: {  	s5 =	simm.s32 @p1 $0x1;
	p0 =	seq.s32 s7, s2  }
0x1e: {  	s7 =	smul.u32 @!p0 $0xF7A, s2;
	p2 =	seq.s32 @!p0 s5, $0x0  }
0x1f: {  	s9 =	smul.u32 $0xF7A, s1;
	s8 =	simm.s32 @!p0 $0x1BF5;
	p2 =	por !p2, p0  }
0x20: {  	[sflag:s8] =	ssyncset.s32 @!p0 $0xFFFFF086;
	s6 =	sadd.s32 @!p0 s3, s7;
	s7 =	simm.s32 @!p0 $0x108  }
0x21: {  	s3 =	sadd.s32 s3, s9;
	s6 =	sadd.s32 @!p0 $0x88, s6;
	s7 =	simm.s32 @p2 $0x1082  }
0x22: {  	[simem:s7], [sflag:s8] =	dma.local @!p0 [hbm:s6], $0xF7A  }
0x23: {  	s9 =	sor.u32 $0xD0000000, s2;
	s6 =	simm.s32 $0x108;
	_ =	swait.ge @!p0 [sflag:s8], $0x0  }
0x24: {  	s3 =	sadd.s32 $0x88, s3;
	s6 =	simm.s32 @!p1 $0x1082;
	[sflag:s4] =	ssyncset.s32 $0xFFFFF086  }
0x25: {  	[simem:s6], [sflag:s4] =	dma.local [hbm:s3], $0xF7A  }
0x26: {  	[smem:$0x3F96] =	sst s1;
	(tag) =	ssettag s2;
	_ =	strace s9  }
0x27: {  	s1 =	sld [smem:$0x3FA6]  }
0x28: {  	s2 =	sld [smem:$0x3FA7]  }
0x29: {  	s4 =	sld [smem:$0x3FA9]  }
0x2a: {  	p0 =	seq.s32 s5, $0x0;
	s5 =	sld [smem:$0x3FAA]  }
0x2b: {  	s6 =	sld [smem:$0x3FAB]  }
0x2c: {  	s7 =	sld [smem:$0x3FAC]  }
0x2d: {  	s3 =	simm.s32 $0x108;
	s8 =	sld [smem:$0x3FAD]  }
0x2e: {  	s3 =	simm.s32 @!p0 $0x1082;
	s9 =	sld [smem:$0x3FAE]  }
0x2f: {  	lr =	sadd.s32 s0, s3;
	s0 =	sld [smem:$0x3FA5]  }
0x30: {  	s3 =	sld [smem:$0x3FA8]  }
0x31: {  	[smem:$0x3FB1] =	sst s10  }
0x32: {  	s10 =	sld [smem:$0x3FAF];
	_ =	sdelay $0x3  }
0x33: {  	p0 =	seq.s32 s10, $0x1;
	s10 =	sld [smem:$0x3FB1];
	_ =	sdelay $0x3  }
0x34: {  	[smem:$0x3FB1] =	sst s10  }
0x35: {  	s10 =	sld [smem:$0x3FB0];
	_ =	sdelay $0x3  }
0x36: {  	p1 =	seq.s32 s10, $0x1;
	s10 =	sld [smem:$0x3FB1];
	_ =	sdelay $0x3  }
0x37: {  	[smem:$0x3FB1] =	sst s10  }
0x38: {  	s10 =	sld [smem:$0x3FB2]  }
0x39: {  	_ = 	snop;
	(pc) =	sbr.ind lr, $3  }
0x3a: {  	_ = 	snop  }
0x3b: {  	_ = 	snop  }
0x3c: {  	p2 =	seq.s32 s10, $0x1;
	s10 =	sld [smem:$0x3FB1]  }
0x3d: {  	_ =	shalt  }
0x3e: {  	_ =	shalt  }
0x3f: {  	_ =	shalt  }
0x40: {  	_ =	shalt  }
0x41: {  	_ =	shalt  }
0x42: {  	_ =	shalt  }
0x43: {  	_ =	shalt  }
0x44: {  	_ =	shalt  }
0x45: {  	_ =	shalt  }
0x46: {  	_ =	shalt  }
0x47: {  	_ =	shalt  }
0x48: {  	_ =	shalt  }
0x49: {  	_ =	shalt  }
0x4a: {  	_ =	shalt  }
0x4b: {  	_ =	shalt  }
0x4c: {  	_ =	shalt  }
0x4d: {  	_ =	shalt  }
0x4e: {  	_ =	shalt  }
0x4f: {  	_ =	shalt  }
0x50: {  	_ =	shalt  }
0x51: {  	_ =	shalt  }
0x52: {  	_ =	shalt  }
0x53: {  	_ =	shalt  }
0x54: {  	_ =	shalt  }
0x55: {  	_ =	shalt  }
0x56: {  	_ =	shalt  }
0x57: {  	_ =	shalt  }
0x58: {  	_ =	shalt  }
0x59: {  	_ =	shalt  }
0x5a: {  	_ =	shalt  }
0x5b: {  	_ =	shalt  }
0x5c: {  	_ =	shalt  }
0x5d: {  	_ =	shalt  }
0x5e: {  	_ =	shalt  }
0x5f: {  	_ =	shalt  }
0x60: {  	_ =	shalt  }
0x61: {  	_ =	shalt  }
0x62: {  	_ =	shalt  }
0x63: {  	_ =	shalt  }
0x64: {  	_ =	shalt  }
0x65: {  	_ =	shalt  }
0x66: {  	_ =	shalt  }
0x67: {  	_ =	shalt  }
0x68: {  	_ =	shalt  }
0x69: {  	_ =	shalt  }
0x6a: {  	_ =	shalt  }
0x6b: {  	_ =	shalt  }
0x6c: {  	_ =	shalt  }
0x6d: {  	_ =	shalt  }
0x6e: {  	_ =	shalt  }
0x6f: {  	_ =	shalt  }
0x70: {  	_ =	shalt  }
0x71: {  	_ =	shalt  }
0x72: {  	_ =	shalt  }
0x73: {  	_ =	shalt  }
0x74: {  	_ =	shalt  }
0x75: {  	_ =	shalt  }
0x76: {  	_ =	shalt  }
0x77: {  	_ =	shalt  }
0x78: {  	_ =	shalt  }
0x79: {  	_ =	shalt  }
0x7a: {  	_ =	shalt  }
0x7b: {  	_ =	shalt  }
0x7c: {  	_ =	shalt  }
0x7d: {  	_ =	shalt  }
0x7e: {  	_ =	shalt  }
0x7f: {  	_ =	shalt  }
0x80: {  	_ =	shalt  }
0x81: {  	_ =	shalt  }
0x82: {  	_ =	shalt  }
0x83: {  	_ =	shalt  }
0x84: {  	_ =	shalt  }
0x85: {  	_ =	shalt  }
0x86: {  	_ =	shalt  }
0x87: {  	_ =	shalt  }
.Lfunc_end0:
.L_simem_size_0:
called_computation_lowered:
.L_overlay_start_0:
0x88: {  	s0 =	sld [smem:$0x3FD9]  }
0x89: {  	s1 =	sld [smem:$0x3FFE];
	_ =	sdelay $0x3  }
0x8a: {  	s0 =	sadd.s32 s1, s0  }
0x8b: {  	[smem:$0x3FBD] =	sst s0  }
0x8c: {  	_ = 	snop  }
0x8d: {  	s0 =	sld [smem:$0x3FC7];
	(tm) =	ssettm $0x1  }
0x8e: {  	s16 =	sld [smem:$0x3FFB];
	_ =	sdelay $0x3  }
0x8f: {  	_ =	strace s16  }
0x90: {  	s1 =	sld [smem:$0x3FFC];
	_ =	sdelay $0x3  }
0x91: {  	_ =	strace s1  }
0x92: {  	s1 =	sld [smem:$0x3FFD];
	_ =	sdelay $0x3  }
0x93: {  	_ =	strace s1  }
0x94: {  	_ =	strace $0x8FFFFFFF  }
0x95: {  	s17 =	sld [smem:$0x3FDB];
	_ =	sdelay $0x1  }
0x96: {  	s2 =	simm.s32 $_scs_section_size  }
0x97: {  	s3 =	simm.s32 $_size__tile_overlayer_lowered;
	s4 =	simm.s32 $_tile_overlayer_lowered  }
0x98: {  	s20 =	simm.s32 $0x1BFF;
	s19 =	sshll.u32 s4, $0x1;
	s1 =	sadd.s32 s2, s17  }
0x99: {  	s5 =	simm.s32 $0x0;
	s18 =	sshll.u32 s3, $0x1;
	s3 =	sadd.s32 s19, s1  }
0x9a: {  	[timem:s5], [sflag:s20] =	dma.local [hbm:s3], s18  }
0x9b: {  	_ =	swait.ge [sflag:s20], s18  }
0x9c: {  	s2 =	ssub.s32 $0x0, s18;
	[sflag:s20] =	ssyncset.done $0x0  }
0x9d: {  	[sflag:s20] =	ssyncadd.s32 s2;
	_ =	sdelay $0x1  }
0x9e: {  	s21 =	simm.s32 $0x1B8B  }
0x9f: {  	_ =	swait.ge [sflag:s21], $0x1  }
0xa0: {  	[sflag:s21] =	ssyncset.done $0x0  }
0xa1: {  	s23 =	simm.s32 $0x1B8E;
	s22 =	sld [smem:$0x3FFE];
	[sflag:s21] =	ssyncadd.s32 $0xFFFFFFFF  }
0xa2: {  	s24 =	simm.s32 $execute0_lowered;
	[smem:$0x3FD2] =	sst s23  }
0xa3: {  	s3 =	sshll.u32 s24, $0x1;
	_ =	strace $0x80000046;
	[dreg:$0x1] =	wrdreg $0xFFFFFFFF  }
0xa4: {  	s25 =	simm.s32 $_size_execute0_lowered;
	s1 =	sadd.s32 s1, s3;
	[dreg:$0x0] =	wrdreg $0x0  }
0xa5: {  	s3 =	sshll.u32 s25, $0x1;
	[dreg:$0x2] =	wrdreg s1  }
0xa6: {  	[dreg:$0x3] =	wrdreg s3  }
0xa7: {  	[dreg:$0x4] =	wrdreg $0xC0  }
0xa8: {  	_ =	task [dreg:s5], $0x5FFFF  }
0xa9: {  	[dreg:$0x1] =	wrdreg $0xFFFFFFFF  }
0xaa: {  	[dreg:$0x0] =	wrdreg $0x60  }
0xab: {  	[dreg:$0x2] =	wrdreg s22  }
0xac: {  	[dreg:$0x3] =	wrdreg s0  }
0xad: {  	[dreg:$0x4] =	wrdreg $0x164800  }
0xae: {  	[dreg:$0x5] =	wrdreg $0x9  }
0xaf: {  	_ =	task.clear_ibuf [dreg:s5], $0x6FFFF;
	_ =	strace $0x90000046  }
0xb0: {  	s26 =	simm.s32 $0x9;
	_ =	strace $0x80000048  }
0xb1: {  	_ =	swait.ge [sflag:s26], $0x1  }
0xb2: {  	[sflag:s26] =	ssyncadd.s32 $0xFFFFFFFF  }
0xb3: {  	_ =	strace $0x90000048  }
0xb4: {  	_ =	sfence  }
0xb5: {  	s28 =	sld [smem:$0x0];
	_ =	sdelay $0x1  }
0xb6: {  	s29 =	srdreg.scid  }
0xb7: {  	s30 =	sshll.u32 s29, $0xD;
	s31 =	sshrl.u32 s29, $0x2  }
0xb8: {  	s2 =	sand.u32 $0x4000, s30;
	s1 =	sand.u32 $0x1, s29;
	s0 =	sadd.s32 s31, s28  }
0xb9: {  	s1 =	sor.u32 s2, s1;
	s0 =	sshll.u32 s0, $0x11  }
0xba: {  	s0 =	sor.u32 s0, s1  }
0xbb: {  	s0 =	sadd.s32 $0x8F2B, s0  }
0xbc: {  	[sflag:s0] =	ssyncadd.remote.s32 $0x1  }
0xbd: {  	_ =	sfence.sel $0xFFFF  }
0xbe: {  	[dreg:$0x0] =	wrdreg $0xFFFFFFFF;
	(pc) =	sbr.abs _section_cstart, $3  }
0xbf: {  	[dreg:$0x1] =	wrdreg $0xFFFFFFFF  }
0xc0: {  	_ =	task.clear_ibuf [dreg:s5], $0x2FFFF;
	_ =	strace $0x9FFFFFFF  }
0xc1: {  	(tm) =	ssettm $0x7FFFFFFF  }
tec
execute0_lowered:
.L_overlay_start_1:
0x0: {  	(tag) =	ssettag $0x1  }
0x1: {  	s9 =	rddreg [dreg:$0x0]  }
0x2: {  	s4 =	rddreg [dreg:$0x1];
	s1 =	stileid.u32  }
0x3: {  	s3 =	rddreg [dreg:$0x2];
	s2 =	simm.s32 $0x0;
	s8 =	smul.u32 $0x1400, s1  }
0x4: {  	[smem:$0x7FF] =	sst s2  }
0x5: {  	s0 =	rddreg [dreg:$0x3];
	_ =	strace $0x80000047;
	s5 =	sadd.s32 s8, s9  }
0x6: {  	[tilespmem:s2], [sflag:$0x1] =	stream.linear.gather [hbm4b:s4+s2], $0x1388, $0x38;
	[tilespmem:$0x1A480] =	vst v63  }
0x7: {  	s10 =	simm.s32 $0x1480;
	s17 =	sadd.s32 $0x2000, s5  }
0x8: {  	v0 =	vimm.f32 $0.0e+00;
	[tilespmem:s10], [sflag:$0x2] =	stream.linear.gather [hbm4b:s17+s2], $0xA000, $0x38;
	[tilespmem:$0x1A480] =	vst v63  }
0x9: {  	[tilespmem:$0x15C80] =	vst v0  }
0xa: {  	[tilespmem:$0x15C90] =	vst v0  }
0xb: {  	[tilespmem:$0x15CA0] =	vst v0  }
0xc: {  	[tilespmem:$0x15CB0] =	vst v0  }
0xd: {  	[tilespmem:$0x15CC0] =	vst v0  }
0xe: {  	[tilespmem:$0x15CD0] =	vst v0  }
0xf: {  	[tilespmem:$0x15CE0] =	vst v0  }
0x10: {  	[tilespmem:$0x15CF0] =	vst v0  }
0x11: {  	[tilespmem:$0x15D00] =	vst v0  }
0x12: {  	[tilespmem:$0x15D10] =	vst v0  }
0x13: {  	[tilespmem:$0x15D20] =	vst v0  }
0x14: {  	[tilespmem:$0x15D30] =	vst v0  }
0x15: {  	[tilespmem:$0x15D40] =	vst v0  }
0x16: {  	[tilespmem:$0x15D50] =	vst v0  }
0x17: {  	[tilespmem:$0x15D60] =	vst v0  }
0x18: {  	[tilespmem:$0x15D70] =	vst v0  }
0x19: {  	[tilespmem:$0x15D80] =	vst v0  }
0x1a: {  	[tilespmem:$0x15D90] =	vst v0  }
0x1b: {  	[tilespmem:$0x15DA0] =	vst v0  }
0x1c: {  	[tilespmem:$0x15DB0] =	vst v0  }
0x1d: {  	[tilespmem:$0x15DC0] =	vst v0  }
0x1e: {  	[tilespmem:$0x15DD0] =	vst v0  }
0x1f: {  	[tilespmem:$0x15DE0] =	vst v0  }
0x20: {  	[tilespmem:$0x15DF0] =	vst v0  }
0x21: {  	[tilespmem:$0x15E00] =	vst v0  }
0x22: {  	[tilespmem:$0x15E10] =	vst v0  }
0x23: {  	[tilespmem:$0x15E20] =	vst v0  }
0x24: {  	[tilespmem:$0x15E30] =	vst v0  }
0x25: {  	[tilespmem:$0x15E40] =	vst v0  }
0x26: {  	[tilespmem:$0x15E50] =	vst v0  }
0x27: {  	[tilespmem:$0x15E60] =	vst v0  }
0x28: {  	[tilespmem:$0x15E70] =	vst v0  }
0x29: {  	[tilespmem:$0x15E80] =	vst v0  }
0x2a: {  	[tilespmem:$0x15E90] =	vst v0  }
0x2b: {  	[tilespmem:$0x15EA0] =	vst v0  }
0x2c: {  	[tilespmem:$0x15EB0] =	vst v0  }
0x2d: {  	[tilespmem:$0x15EC0] =	vst v0  }
0x2e: {  	[tilespmem:$0x15ED0] =	vst v0  }
0x2f: {  	[tilespmem:$0x15EE0] =	vst v0  }
0x30: {  	[tilespmem:$0x15EF0] =	vst v0  }
0x31: {  	[tilespmem:$0x15F00] =	vst v0  }
0x32: {  	[tilespmem:$0x15F10] =	vst v0  }
0x33: {  	[tilespmem:$0x15F20] =	vst v0  }
0x34: {  	[tilespmem:$0x15F30] =	vst v0  }
0x35: {  	[tilespmem:$0x15F40] =	vst v0  }
0x36: {  	[tilespmem:$0x15F50] =	vst v0  }
0x37: {  	[tilespmem:$0x15F60] =	vst v0  }
0x38: {  	[tilespmem:$0x15F70] =	vst v0  }
0x39: {  	[tilespmem:$0x15F80] =	vst v0  }
0x3a: {  	[tilespmem:$0x15F90] =	vst v0  }
0x3b: {  	[tilespmem:$0x15FA0] =	vst v0  }
0x3c: {  	[tilespmem:$0x15FB0] =	vst v0  }
0x3d: {  	[tilespmem:$0x15FC0] =	vst v0  }
0x3e: {  	[tilespmem:$0x15FD0] =	vst v0  }
0x3f: {  	[tilespmem:$0x15FE0] =	vst v0  }
0x40: {  	[tilespmem:$0x15FF0] =	vst v0  }
0x41: {  	[tilespmem:$0x16000] =	vst v0  }
0x42: {  	[tilespmem:$0x16010] =	vst v0  }
0x43: {  	[tilespmem:$0x16020] =	vst v0  }
0x44: {  	[tilespmem:$0x16030] =	vst v0  }
0x45: {  	[tilespmem:$0x16040] =	vst v0  }
0x46: {  	[tilespmem:$0x16050] =	vst v0  }
0x47: {  	[tilespmem:$0x16060] =	vst v0  }
0x48: {  	[tilespmem:$0x16070] =	vst v0  }
0x49: {  	[tilespmem:$0x16080] =	vst v0  }
0x4a: {  	[tilespmem:$0x16090] =	vst v0  }
0x4b: {  	[tilespmem:$0x160A0] =	vst v0  }
0x4c: {  	[tilespmem:$0x160B0] =	vst v0  }
0x4d: {  	[tilespmem:$0x160C0] =	vst v0  }
0x4e: {  	[tilespmem:$0x160D0] =	vst v0  }
0x4f: {  	[tilespmem:$0x160E0] =	vst v0  }
0x50: {  	[tilespmem:$0x160F0] =	vst v0  }
0x51: {  	[tilespmem:$0x16100] =	vst v0  }
0x52: {  	[tilespmem:$0x16110] =	vst v0  }
0x53: {  	[tilespmem:$0x16120] =	vst v0  }
0x54: {  	[tilespmem:$0x16130] =	vst v0  }
0x55: {  	[tilespmem:$0x16140] =	vst v0  }
0x56: {  	[tilespmem:$0x16150] =	vst v0  }
0x57: {  	[tilespmem:$0x16160] =	vst v0  }
0x58: {  	[tilespmem:$0x16170] =	vst v0  }
0x59: {  	[tilespmem:$0x16180] =	vst v0  }
0x5a: {  	[tilespmem:$0x16190] =	vst v0  }
0x5b: {  	[tilespmem:$0x161A0] =	vst v0  }
0x5c: {  	[tilespmem:$0x161B0] =	vst v0  }
0x5d: {  	[tilespmem:$0x161C0] =	vst v0  }
0x5e: {  	[tilespmem:$0x161D0] =	vst v0  }
0x5f: {  	[tilespmem:$0x161E0] =	vst v0  }
0x60: {  	[tilespmem:$0x161F0] =	vst v0  }
0x61: {  	[tilespmem:$0x16200] =	vst v0  }
0x62: {  	[tilespmem:$0x16210] =	vst v0  }
0x63: {  	[tilespmem:$0x16220] =	vst v0  }
0x64: {  	[tilespmem:$0x16230] =	vst v0  }
0x65: {  	[tilespmem:$0x16240] =	vst v0  }
0x66: {  	[tilespmem:$0x16250] =	vst v0  }
0x67: {  	[tilespmem:$0x16260] =	vst v0  }
0x68: {  	[tilespmem:$0x16270] =	vst v0  }
0x69: {  	[tilespmem:$0x16280] =	vst v0  }
0x6a: {  	[tilespmem:$0x16290] =	vst v0  }
0x6b: {  	[tilespmem:$0x162A0] =	vst v0  }
0x6c: {  	[tilespmem:$0x162B0] =	vst v0  }
0x6d: {  	[tilespmem:$0x162C0] =	vst v0  }
0x6e: {  	[tilespmem:$0x162D0] =	vst v0  }
0x6f: {  	[tilespmem:$0x162E0] =	vst v0  }
0x70: {  	[tilespmem:$0x162F0] =	vst v0  }
0x71: {  	[tilespmem:$0x16300] =	vst v0  }
0x72: {  	[tilespmem:$0x16310] =	vst v0  }
0x73: {  	[tilespmem:$0x16320] =	vst v0  }
0x74: {  	[tilespmem:$0x16330] =	vst v0  }
0x75: {  	[tilespmem:$0x16340] =	vst v0  }
0x76: {  	[tilespmem:$0x16350] =	vst v0  }
0x77: {  	[tilespmem:$0x16360] =	vst v0  }
0x78: {  	[tilespmem:$0x16370] =	vst v0  }
0x79: {  	[tilespmem:$0x16380] =	vst v0  }
0x7a: {  	[tilespmem:$0x16390] =	vst v0  }
0x7b: {  	[tilespmem:$0x163A0] =	vst v0  }
0x7c: {  	[tilespmem:$0x163B0] =	vst v0  }
0x7d: {  	[tilespmem:$0x163C0] =	vst v0  }
0x7e: {  	[tilespmem:$0x163D0] =	vst v0  }
0x7f: {  	[tilespmem:$0x163E0] =	vst v0  }
0x80: {  	[tilespmem:$0x163F0] =	vst v0  }
0x81: {  	[tilespmem:$0x16400] =	vst v0  }
0x82: {  	[tilespmem:$0x16410] =	vst v0  }
0x83: {  	[tilespmem:$0x16420] =	vst v0  }
0x84: {  	[tilespmem:$0x16430] =	vst v0  }
0x85: {  	[tilespmem:$0x16440] =	vst v0  }
0x86: {  	[tilespmem:$0x16450] =	vst v0  }
0x87: {  	s18 =	sshll.u32 s1, $0xE;
	[tilespmem:$0x16460] =	vst v0  }
0x88: {  	s19 =	simm.s32 $0x15C80;
	s6 =	simm.s32 $0x5;
	s4 =	sadd.s32 s18, s3;
	[tilespmem:$0x16470] =	vst v0  }
0x89: {  	[spmem:s4] =	stream.linear.scatter [tilespmem:s19], [sflag:$0x5], $0x800, $0x38;
	[tilespmem:$0x1A480] =	vst v63  }
0x8a: {  	_ =	swait.ge [sflag:s6], $0x800  }
0x8b: {  	[sflag:s6] =	ssyncset.done $0x0  }
0x8c: {  	s7 =	sadd.s32 $0x800, s4;
	[sflag:s6] =	ssyncadd.s32 $0xFFFFF800  }
0x8d: {  	[spmem:s7] =	stream.linear.scatter [tilespmem:s19], [sflag:$0x5], $0x800, $0x38;
	[tilespmem:$0x1A480] =	vst v63  }
0x8e: {  	_ =	swait.ge [sflag:s6], $0x800  }
0x8f: {  	[sflag:s6] =	ssyncset.done $0x0  }
0x90: {  	s20 =	sadd.s32 $0x1000, s4;
	[sflag:s6] =	ssyncadd.s32 $0xFFFFF800  }
0x91: {  	[spmem:s20] =	stream.linear.scatter [tilespmem:s19], [sflag:$0x5], $0x800, $0x38;
	[tilespmem:$0x1A480] =	vst v63  }
0x92: {  	_ =	swait.ge [sflag:s6], $0x800  }
0x93: {  	[sflag:s6] =	ssyncset.done $0x0  }
0x94: {  	s21 =	sadd.s32 $0x1800, s4;
	[sflag:s6] =	ssyncadd.s32 $0xFFFFF800  }
0x95: {  	[spmem:s21] =	stream.linear.scatter [tilespmem:s19], [sflag:$0x5], $0x800, $0x38;
	[tilespmem:$0x1A480] =	vst v63  }
0x96: {  	_ =	swait.ge [sflag:s6], $0x800  }
0x97: {  	[sflag:s6] =	ssyncset.done $0x0  }
0x98: {  	s22 =	sadd.s32 $0x2000, s4;
	[sflag:s6] =	ssyncadd.s32 $0xFFFFF800  }
0x99: {  	[spmem:s22] =	stream.linear.scatter [tilespmem:s19], [sflag:$0x5], $0x800, $0x38;
	[tilespmem:$0x1A480] =	vst v63  }
0x9a: {  	_ =	swait.ge [sflag:s6], $0x800  }
0x9b: {  	[sflag:s6] =	ssyncset.done $0x0  }
0x9c: {  	s23 =	sadd.s32 $0x2800, s4;
	[sflag:s6] =	ssyncadd.s32 $0xFFFFF800  }
0x9d: {  	[spmem:s23] =	stream.linear.scatter [tilespmem:s19], [sflag:$0x5], $0x800, $0x38;
	[tilespmem:$0x1A480] =	vst v63  }
0x9e: {  	_ =	swait.ge [sflag:s6], $0x800  }
0x9f: {  	[sflag:s6] =	ssyncset.done $0x0  }
0xa0: {  	s24 =	sadd.s32 $0x3000, s4;
	[sflag:s6] =	ssyncadd.s32 $0xFFFFF800  }
0xa1: {  	[spmem:s24] =	stream.linear.scatter [tilespmem:s19], [sflag:$0x5], $0x800, $0x38;
	[tilespmem:$0x1A480] =	vst v63  }
0xa2: {  	_ =	swait.ge [sflag:s6], $0x800  }
0xa3: {  	[sflag:s6] =	ssyncset.done $0x0  }
0xa4: {  	s4 =	sadd.s32 $0x3800, s4;
	[sflag:s6] =	ssyncadd.s32 $0xFFFFF800  }
0xa5: {  	[spmem:s4] =	stream.linear.scatter [tilespmem:s19], [sflag:$0x5], $0x800, $0x38;
	[tilespmem:$0x1A480] =	vst v63  }
0xa6: {  	v24 =	vlaneseq.u32;
	_ =	swait.ge [sflag:s6], $0x800  }
0xa7: {  	v0 =	vadd.s32 $0x1388, v24;
	[sflag:s6] =	ssyncset.done $0x0  }
0xa8: {  	v1 =	vadd.s32 $0x1398, v24;
	s4 =	simm.s32 $0x1;
	[sflag:s6] =	ssyncadd.s32 $0xFFFFF800  }
0xa9: {  	v2 =	vadd.s32 $0x13A8, v24;
	_ =	swait.ge [sflag:s4], $0x1388  }
0xaa: {  	v3 =	vadd.s32 $0x13B8, v24;
	[sflag:s4] =	ssyncset.done $0x0  }
0xab: {  	v4 =	vimm.s32 $0x7FF;
	v5 =	vadd.s32 $0x13C8, v24;
	[sflag:s4] =	ssyncadd.s32 $0xFFFFEC78  }
0xac: {  	[tilespmem:v0+s2+$0x0] =	vst.idx.msk $0xffff, v4;
	v0 =	vadd.s32 $0x13D8, v24  }
0xad: {  	[tilespmem:v1+s2+$0x0] =	vst.idx.msk $0xffff, v4;
	v1 =	vadd.s32 $0x13E8, v24  }
0xae: {  	[tilespmem:v2+s2+$0x0] =	vst.idx.msk $0xffff, v4;
	v2 =	vor.u32 $0x13F0, v24  }
0xaf: {  	[tilespmem:v3+s2+$0x0] =	vst.idx.msk $0xffff, v4;
	v3 =	vor.u32 $0x1400, v24  }
0xb0: {  	[tilespmem:v5+s2+$0x0] =	vst.idx.msk $0xffff, v4  }
0xb1: {  	[tilespmem:v0+s2+$0x0] =	vst.idx.msk $0xffff, v4  }
0xb2: {  	[tilespmem:v1+s2+$0x0] =	vst.idx.msk $0xffff, v4  }
0xb3: {  	s5 =	smul.u32 $0x140, s1;
	[tilespmem:v2+s2+$0x0] =	vst.idx.msk $0xffff, v4  }
0xb4: {  	[tilespmem:v3+s2+$0x0] =	vst.idx.msk $0xffff, v4  }
0xb5: {  	v0 =	vld [tilespmem:s5+$0x0];
	_ =	sdelay $0x4  }
0xb6: {  	[tilespmem:$0x15480] =	vst v0  }
0xb7: {  	v0 =	vld [tilespmem:s5+$0x10];
	_ =	sdelay $0x4  }
0xb8: {  	[tilespmem:$0x15490] =	vst v0  }
0xb9: {  	v0 =	vld [tilespmem:s5+$0x20];
	_ =	sdelay $0x4  }
0xba: {  	[tilespmem:$0x154A0] =	vst v0  }
0xbb: {  	v0 =	vld [tilespmem:s5+$0x30];
	_ =	sdelay $0x4  }
0xbc: {  	[tilespmem:$0x154B0] =	vst v0  }
0xbd: {  	v0 =	vld [tilespmem:s5+$0x40];
	_ =	sdelay $0x4  }
0xbe: {  	[tilespmem:$0x15500] =	vst v0  }
0xbf: {  	v0 =	vld [tilespmem:s5+$0x50];
	_ =	sdelay $0x4  }
0xc0: {  	[tilespmem:$0x15510] =	vst v0  }
0xc1: {  	v0 =	vld [tilespmem:s5+$0x60];
	_ =	sdelay $0x4  }
0xc2: {  	[tilespmem:$0x15520] =	vst v0  }
0xc3: {  	v0 =	vld [tilespmem:s5+$0x70];
	_ =	sdelay $0x2  }
0xc4: {  	s12 =	sadd.s32 $0x80, s5  }
0xc5: {  	s26 =	sand.u32 $0x40, s5;
	s25 =	sand.u32 $0x3F80, s12  }
0xc6: {  	s13 =	sor.u32 s26, s25;
	[tilespmem:$0x15530] =	vst v0  }
0xc7: {  	v0 =	vld [tilespmem:s13+$0x0];
	_ =	sdelay $0x4  }
0xc8: {  	[tilespmem:$0x15580] =	vst v0  }
0xc9: {  	v0 =	vld [tilespmem:s5+$0x90];
	_ =	sdelay $0x4  }
0xca: {  	[tilespmem:$0x15590] =	vst v0  }
0xcb: {  	v0 =	vld [tilespmem:s5+$0xA0];
	_ =	sdelay $0x4  }
0xcc: {  	[tilespmem:$0x155A0] =	vst v0  }
0xcd: {  	v0 =	vld [tilespmem:s5+$0xB0];
	_ =	sdelay $0x4  }
0xce: {  	[tilespmem:$0x155B0] =	vst v0  }
0xcf: {  	v0 =	vld [tilespmem:s5+$0xC0];
	_ =	sdelay $0x4  }
0xd0: {  	[tilespmem:$0x15600] =	vst v0  }
0xd1: {  	v0 =	vld [tilespmem:s5+$0xD0];
	_ =	sdelay $0x4  }
0xd2: {  	[tilespmem:$0x15610] =	vst v0  }
0xd3: {  	v0 =	vld [tilespmem:s5+$0xE0];
	_ =	sdelay $0x4  }
0xd4: {  	[tilespmem:$0x15620] =	vst v0  }
0xd5: {  	v0 =	vld [tilespmem:s5+$0xF0];
	_ =	sdelay $0x2  }
0xd6: {  	s17 =	sadd.s32 $0x100, s5  }
0xd7: {  	s28 =	sand.u32 $0x3F80, s17  }
0xd8: {  	s7 =	sor.u32 s26, s28;
	[tilespmem:$0x15630] =	vst v0  }
0xd9: {  	v0 =	vld [tilespmem:s7+$0x0];
	_ =	sdelay $0x4  }
0xda: {  	[tilespmem:$0x15680] =	vst v0  }
0xdb: {  	v0 =	vld [tilespmem:s5+$0x110];
	_ =	sdelay $0x4  }
0xdc: {  	[tilespmem:$0x15690] =	vst v0  }
0xdd: {  	v0 =	vld [tilespmem:s5+$0x120];
	_ =	sdelay $0x2  }
0xde: {  	s29 =	simm.s32 $0x2  }
0xdf: {  	s11 =	simm.s32 $0x15480;
	s30 =	simm.s32 $0x15500;
	s31 =	simm.s32 $0x3480  }
0xe0: {  	s14 =	simm.s32 $0x15580;
	s15 =	simm.s32 $0x5480;
	s16 =	simm.s32 $0x15600;
	[tilespmem:$0x156A0] =	vst v0  }
0xe1: {  	p0 =	seq.s32 s1, $0x0;
	s18 =	sadd.s32 $0x16000, s9;
	v11 =	vmov s17;
	s17 =	sshll.u32 s17, $0x4;
	v0 =	vld [tilespmem:s5+$0x130]  }
0xe2: {  	s25 =	sadd.s32 $0x50, s5;
	s26 =	sor.u32 $0x31, s5;
	s28 =	sadd.s32 $0x41, s5  }
0xe3: {  	v29 =	vmov s25;
	s25 =	sadd.s32 $0xA1, s5;
	v33 =	vadd.s32 s26, v24;
	v32 =	vadd.s32 s28, v24;
	s26 =	sadd.s32 $0xB1, s5;
	s28 =	sadd.s32 $0xD0, s5  }
0xe4: {  	v19 =	vadd.s32 s25, v24;
	s25 =	sadd.s32 $0x121, s5;
	v17 =	vadd.s32 s26, v24;
	v13 =	vmov s28;
	s26 =	sadd.s32 $0x40, s5;
	s28 =	sadd.s32 $0x130, s5  }
0xe5: {  	s9 =	sshll.u32 s26, $0x4;
	s20 =	simm.s32 $0x15680;
	s22 =	sor.u32 $0x1, s5  }
0xe6: {  	s9 =	sadd.s32 s18, s9;
	s21 =	simm.s32 $0x9480;
	v37 =	vadd.s32 s22, v24;
	s22 =	sadd.s32 $0xA0, s5;
	[tilespmem:$0x156B0] =	vst v0  }
0xe7: {  	v18 =	vmov s22;
	s22 =	sadd.s32 $0x101, s5;
	s23 =	sor.u32 $0x11, s5;
	_ =	swait.ge [sflag:s29], $0xA000  }
0xe8: {  	v35 =	vadd.s32 s23, v24;
	s23 =	sadd.s32 $0x91, s5;
	s24 =	sor.u32 $0x21, s5;
	[sflag:s29] =	ssyncset.done $0x0  }
0xe9: {  	v22 =	vadd.s32 s23, v24;
	s23 =	sadd.s32 $0x120, s5;
	v34 =	vadd.s32 s24, v24;
	s24 =	sadd.s32 $0xB0, s5;
	[sflag:s29] =	ssyncadd.s32 $0xFFFF6000  }
0xea: {  	s6 =	simm.s32 $0x40;
	s29 =	sadd.s32 $0x60, s5;
	[bflag:$0x0] =	sbarrier.arrive $0xFFFF  }
0xeb: {  	[spmem:s3] =	stream.indirect.scatter.add.f32 [tilespmem:s10], [sflag:$0x3], $0x80, s11, s6, $0xb8;
	[tilespmem:$0x1A480] =	vst v63  }
0xec: {  	v16 =	vmov s24;
	s24 =	sadd.s32 $0x111, s5;
	s19 =	simm.s32 $0x7480;
	v27 =	vmov s29;
	s29 =	sadd.s32 $0xC1, s5  }
0xed: {  	[spmem:s3] =	stream.indirect.scatter.add.f32 [tilespmem:s31], [sflag:$0x3], $0x80, s30, s6, $0xb8;
	[tilespmem:$0x1A480] =	vst v63  }
0xee: {  	v15 =	vadd.s32 s29, v24;
	s29 =	sadd.s32 $0x131, s5;
	s30 =	sadd.s32 $0x51, s5;
	s31 =	sadd.s32 $0x61, s5  }
0xef: {  	s11 =	sadd.s32 s18, s8;
	v30 =	vadd.s32 s30, v24;
	v28 =	vadd.s32 s31, v24;
	s30 =	sadd.s32 $0xD1, s5;
	s31 =	sadd.s32 $0xE0, s5  }
0xf0: {  	v41 =	vmov s5;
	[spmem:s3] =	stream.indirect.scatter.add.f32 [tilespmem:s15], [sflag:$0x3], $0x80, s14, s6, $0xb8;
	[tilespmem:$0x1A480] =	vst v63  }
0xf1: {  	v31 =	vmov s12;
	v36 =	vmov s26;
	s15 =	sor.u32 $0x10, s5;
	s14 =	sor.u32 $0x20, s5;
	v14 =	vadd.s32 s30, v24;
	s30 =	sadd.s32 $0xC0, s5  }
0xf2: {  	v42 =	vimm.s32 $0x0;
	v7 =	vadd.s32 s22, v24;
	v6 =	vadd.s32 s24, v24;
	[spmem:s3] =	stream.indirect.scatter.add.f32 [tilespmem:s19], [sflag:$0x3], $0x80, s16, s6, $0xb8;
	[tilespmem:$0x1A480] =	vst v63  }
0xf3: {  	v2 =	vmov s23;
	v3 =	vadd.s32 s25, v24;
	v10 =	vmov s31;
	s31 =	sshll.u32 s12, $0x4;
	s10 =	sshll.u32 s30, $0x4;
	s19 =	sadd.s32 $0x71, s5  }
.Ltmp0:
0xf4: {  	v0 =	vmov s28;
	v1 =	vadd.s32 s29, v24;
	s16 =	sadd.s32 $0x70, s5;
	v26 =	vadd.s32 s19, v24;
	s19 =	sadd.s32 $0xE1, s5;
	(pc) =	sbr.rel @p0 .LBB2_8-.Ltmp0, $4  }
0xf5: {  	v5 =	vimm.s32 $0x0;
	v40 =	vmov s15;
	v39 =	vmov s14;
	[spmem:s3] =	stream.indirect.scatter.add.f32 [tilespmem:s21], [sflag:$0x3], $0x80, s20, s6, $0xb8;
	[tilespmem:$0x1A480] =	vst v63  }
0xf6: {  	v21 =	vmov s30;
	v25 =	vmov s16;
	s16 =	sadd.s32 $0xF0, s5;
	s20 =	sadd.s32 $0x81, s5;
	s21 =	sadd.s32 $0x90, s5;
	v12 =	vadd.s32 s19, v24  }
0xf7: {  	v8 =	vmov s16;
	s16 =	sor.u32 $0x30, s5;
	v23 =	vadd.s32 s20, v24;
	v20 =	vmov s21;
	s20 =	sadd.s32 $0x110, s5;
	s21 =	sadd.s32 $0xF1, s5  }
0xf8: {  	s8 =	sadd.s32 s18, s17;
	s12 =	sadd.s32 s18, s31;
	s10 =	sadd.s32 s18, s10;
	v38 =	vmov s16;
	v9 =	vadd.s32 s21, v24;
	v4 =	vmov s20  }
0xf9: {  	s17 =	simm.s32 $0x1  }
0xfa: {  	s18 =	simm.s32 $0x11;
	v42 =	vadd.s32 s17, v24  }
0xfb: {  	p1 =	sne.s32 s5, $0x40;
	s17 =	simm.s32 $0x20;
	v45 =	vadd.s32 s18, v24  }
.Ltmp1:
0xfc: {  	v48 =	vld [tilespmem:s17+$0x0];
	(pc) =	sbr.rel @!p1 .LBB2_2-.Ltmp1, $4  }
0xfd: {  	v51 =	vld [tilespmem:s17+$0xFFFFFFF0]  }
0xfe: {  	v43 =	vld [tilespmem:s17+$0xFFFFFFE0]  }
0xff: {  	s31 =	simm.s32 $0x21;
	s19 =	simm.s32 $0x31;
	v44 =	vld.idx.msk [tilespmem:v42+s2+$0x0], $0xffff  }
0x100: {  	p0 =	por $0x0, $0x0;
	v47 =	vadd.s32 s31, v24;
	v46 =	vadd.s32 s19, v24;
	v42 =	vimm.s32 $0x0;
	v45 =	vld.idx.msk [tilespmem:v45+s2+$0x0], $0xffff  }
0x101: {  	_ =	sdelay $0x3  }
0x102: {  	s18 =	simm.s32 $0x41;
	v52 =	vld.idx.msk [tilespmem:v47+s2+$0x0], $0xffff  }
0x103: {  	s29 =	simm.s32 $0x51;
	v54 =	vld [tilespmem:s17+$0x10];
	v53 =	vadd.s32 s18, v24  }
0x104: {  	v55 =	vld.idx.msk [tilespmem:v46+s2+$0x0], $0xffff;
	s17 =	simm.s32 $0x60;
	s30 =	simm.s32 $0x61;
	p1 =	sne.s32 s5, $0x80;
	v56 =	vadd.s32 s29, v24  }
.Ltmp2:
0x105: {  	s31 =	simm.s32 $0x71;
	v50 =	vld [tilespmem:s17+$0x0];
	v47 =	vadd.s32 s30, v24;
	(pc) =	sbr.rel @!p1 .LBB2_4-.Ltmp2, $4  }
0x106: {  	v49 =	vld [tilespmem:s17+$0xFFFFFFF0];
	v46 =	vadd.s32 s31, v24;
	vm0 =	vne.s32 v43, v44  }
0x107: {  	v43 =	vld [tilespmem:s17+$0xFFFFFFE0];
	v57 =	vsel vm0, $0x1, v42;
	vm0 =	vne.s32 v51, v45  }
0x108: {  	v62 =	vadd.s32 v57, v42;
	v63 =	vsel vm0, $0x1, v42;
	vm0 =	vne.s32 v48, v52;
	v44 =	vld.idx.msk [tilespmem:v53+s2+$0x0], $0xffff  }
0x109: {  	p0 =	por $0x1, $0x1;
	s18 =	simm.s32 $0x80;
	v45 =	vld.idx.msk [tilespmem:v56+s2+$0x0], $0xffff;
	v52 =	vadd.s32 v63, v62;
	v53 =	vsel vm0, $0x1, v42;
	vm0 =	vne.s32 v54, v55  }
.LBB2_5:
0x10a: {  	s19 =	sadd.s32 $0x1, s18;
	v48 =	vld.idx.msk [tilespmem:v47+s2+$0x0], $0xffff;
	v47 =	vadd.s32 v53, v52;
	v51 =	vsel vm0, $0x1, v42;
	v52 =	vmov v50;
	s20 =	smov.u32 s18;
	s18 =	sadd.s32 $0x40, s18  }
0x10b: {  	v53 =	vadd.s32 s19, v24;
	s19 =	sadd.s32 $0x11, s20;
	p1 =	sne.s32 s5, s18;
	v54 =	vld.idx.msk [tilespmem:v46+s2+$0x0], $0xffff;
	v51 =	vadd.s32 v51, v47;
	v55 =	vmov v49  }
0x10c: {  	v56 =	vadd.s32 s19, v24;
	s19 =	sadd.s32 $0x21, s20;
	v57 =	vld [tilespmem:s17+$0x10];
	s17 =	sadd.s32 $0x40, s17  }
.Ltmp3:
0x10d: {  	v50 =	vld [tilespmem:s17+$0x0];
	v47 =	vadd.s32 s19, v24;
	s19 =	sadd.s32 $0x31, s20;
	(pc) =	sbr.rel @p1 .LBB2_5-.Ltmp3, $4  }
0x10e: {  	vm0 =	vne.s32 v43, v44;
	v49 =	vld [tilespmem:s17+$0xFFFFFFF0];
	v46 =	vadd.s32 s19, v24  }
0x10f: {  	v58 =	vsel vm0, $0x1, v42;
	vm0 =	vne.s32 v55, v45;
	v43 =	vld [tilespmem:s17+$0xFFFFFFE0]  }
0x110: {  	v51 =	vadd.s32 v58, v51;
	v44 =	vld.idx.msk [tilespmem:v53+s2+$0x0], $0xffff;
	v53 =	vsel vm0, $0x1, v42;
	vm0 =	vne.s32 v52, v48  }
0x111: {  	v45 =	vld.idx.msk [tilespmem:v56+s2+$0x0], $0xffff;
	v52 =	vadd.s32 v53, v51;
	v53 =	vsel vm0, $0x1, v42;
	vm0 =	vne.s32 v57, v54  }
0x112: {  	_ = 	snop  }
0x113: {  	v48 =	vmov v50;
	v51 =	vmov v49  }
.LBB2_7:
0x114: {  	_ =	sdelay $0x3  }
0x115: {  	v47 =	vld.idx.msk [tilespmem:v47+s2+$0x0], $0xffff  }
0x116: {  	v46 =	vld.idx.msk [tilespmem:v46+s2+$0x0], $0xffff  }
0x117: {  	v49 =	vld [tilespmem:s17+$0x10]  }
0x118: {  	v50 =	vadd.s32 @p0 v53, v52;
	v52 =	vsel @p0 vm0, $0x1, v42  }
0x119: {  	v50 =	vadd.s32 @p0 v52, v50;
	vm12 =	vne.s32 v43, v44  }
0x11a: {  	v43 =	vsel vm12, $0x1, v42;
	vm13 =	vne.s32 v51, v45;
	v60 =	vpsel p0, v50, v42  }
0x11b: {  	v43 =	vadd.s32 v43, v60;
	v61 =	vsel vm13, $0x1, v42;
	vm14 =	vne.s32 v48, v47  }
0x11c: {  	v43 =	vadd.s32 v61, v43;
	vm15 =	vne.s32 v49, v46;
	v62 =	vsel vm14, $0x1, v42  }
0x11d: {  	v63 =	vsel vm15, $0x1, v42;
	v43 =	vadd.s32 v62, v43  }
0x11e: {  	v42 =	vadd.s32 v63, v43  }
.LBB2_8:
0x11f: {  	_ =	sdelay $0x2  }
0x120: {  	v43 =	vld [tilespmem:s5+$0x0]  }
0x121: {  	v37 =	vld.idx.msk [tilespmem:v37+s2+$0x0], $0xffff;
	_ =	sdelay $0x3  }
0x122: {  	(xrf0) =	vadd.scan.msk.s32 $0xffff, v42  }
0x123: {  	vm0 =	vne.s32 v43, v37  }
0x124: {  	v37 =	vsel vm0, $0x1, v5  }
0x125: {  	(xrf0) =	vadd.scan.msk.s32 $0xffff, v37;
	_ =	sdelay $0x2  }
0x126: {  	v24 =	vmul.u32 $0xFFFFFFFF, v24;
	v62, _, _ =	vpop (xrf0)  }
0x127: {  	v63 =	vbroadcast v62, $0xF  }
0x128: {  	v24 =	vadd.s32 $0x1388, v24;
	v43 =	vsel vm0, $0xFFFFFFFF, v5  }
0x129: {  	vm1 =	vlt.u32 v41, v24;
	v45 =	vadd.s32 v43, v63;
	v46, _, _ =	vpop (xrf0)  }
0x12a: {  	vm0 =	vmand vm1, vm0;
	v41 =	vadd.s32 v46, v45  }
0x12b: {  	(v2sf) =	vpush v62, $0xF;
	v47 =	vnsel vm0, $0x7F8, v41  }
0x12c: {  	(v2sf) =	vpush v46, $0xF;
	[tilespmem:$0x15880] =	vst v47  }
0x12d: {  	v37 =	vld [tilespmem:s15+$0x0]  }
0x12e: {  	v35 =	vld.idx.msk [tilespmem:v35+s2+$0x0], $0xffff;
	_ =	sdelay $0x4  }
0x12f: {  	vm14 =	vne.s32 v37, v35  }
0x130: {  	v35 =	vsel vm14, $0x1, v5  }
0x131: {  	(xrf0) =	vadd.scan.msk.s32 $0xffff, v35;
	_ =	sdelay $0x4  }
0x132: {  	s31 =	spop (v2sf)  }
0x133: {  	v48 =	vsel vm14, $0xFFFFFFFF, v5;
	s17 =	spop (v2sf);
	v49, _, _ =	vpop (xrf0)  }
0x134: {  	vm15 =	vlt.u32 v40, v24;
	s15 =	sadd.s32 s31, s17;
	v35 =	vadd.s32 v48, v49  }
0x135: {  	vm0 =	vmand vm15, vm14;
	v35 =	vadd.s32 s15, v35  }
0x136: {  	v35 =	vnsel vm0, $0x7F8, v35  }
0x137: {  	(v2sf) =	vpush v49, $0xF;
	[tilespmem:$0x15890] =	vst v35  }
0x138: {  	v35 =	vld [tilespmem:s14+$0x0]  }
0x139: {  	v34 =	vld.idx.msk [tilespmem:v34+s2+$0x0], $0xffff;
	_ =	sdelay $0x4  }
0x13a: {  	vm4 =	vne.s32 v35, v34  }
0x13b: {  	v34 =	vsel vm4, $0x1, v5  }
0x13c: {  	(xrf0) =	vadd.scan.msk.s32 $0xffff, v34;
	_ =	sdelay $0x5  }
0x13d: {  	v50 =	vsel vm4, $0xFFFFFFFF, v5;
	s17 =	spop (v2sf);
	v51, _, _ =	vpop (xrf0)  }
0x13e: {  	vm5 =	vlt.u32 v39, v24;
	s14 =	sadd.s32 s15, s17;
	v34 =	vadd.s32 v50, v51  }
0x13f: {  	vm0 =	vmand vm5, vm4;
	v34 =	vadd.s32 s14, v34  }
0x140: {  	v34 =	vnsel vm0, $0x7F8, v34  }
0x141: {  	(v2sf) =	vpush v51, $0xF;
	[tilespmem:$0x158A0] =	vst v34  }
0x142: {  	v34 =	vld [tilespmem:s16+$0x0]  }
0x143: {  	v33 =	vld.idx.msk [tilespmem:v33+s2+$0x0], $0xffff;
	_ =	sdelay $0x4  }
0x144: {  	vm6 =	vne.s32 v34, v33  }
0x145: {  	v33 =	vsel vm6, $0x1, v5  }
0x146: {  	(xrf0) =	vadd.scan.msk.s32 $0xffff, v33;
	_ =	sdelay $0x5  }
0x147: {  	v52 =	vsel vm6, $0xFFFFFFFF, v5;
	s18 =	spop (v2sf);
	v53, _, _ =	vpop (xrf0)  }
0x148: {  	vm7 =	vlt.u32 v38, v24;
	s14 =	sadd.s32 s14, s18;
	v33 =	vadd.s32 v52, v53  }
0x149: {  	vm0 =	vmand vm7, vm6;
	v33 =	vadd.s32 s14, v33  }
0x14a: {  	v33 =	vnsel vm0, $0x7F8, v33  }
0x14b: {  	(v2sf) =	vpush v53, $0xF;
	[tilespmem:$0x158B0] =	vst v33  }
0x14c: {  	v33 =	vld [tilespmem:s5+$0x40]  }
0x14d: {  	v32 =	vld.idx.msk [tilespmem:v32+s2+$0x0], $0xffff;
	_ =	sdelay $0x4  }
0x14e: {  	vm8 =	vne.s32 v33, v32  }
0x14f: {  	v32 =	vsel vm8, $0x1, v5  }
0x150: {  	(xrf0) =	vadd.scan.msk.s32 $0xffff, v32;
	_ =	sdelay $0x5  }
0x151: {  	v54 =	vsel vm8, $0xFFFFFFFF, v5;
	s19 =	spop (v2sf);
	v55, _, _ =	vpop (xrf0)  }
0x152: {  	vm9 =	vlt.u32 v36, v24;
	s14 =	sadd.s32 s14, s19;
	v32 =	vadd.s32 v54, v55  }
0x153: {  	vm0 =	vmand vm9, vm8;
	v32 =	vadd.s32 s14, v32  }
0x154: {  	v32 =	vnsel vm0, $0x7F8, v32  }
0x155: {  	(v2sf) =	vpush v55, $0xF;
	[tilespmem:$0x15900] =	vst v32  }
0x156: {  	v32 =	vld [tilespmem:s5+$0x50]  }
0x157: {  	v30 =	vld.idx.msk [tilespmem:v30+s2+$0x0], $0xffff;
	_ =	sdelay $0x4  }
0x158: {  	vm10 =	vne.s32 v32, v30  }
0x159: {  	v30 =	vsel vm10, $0x1, v5  }
0x15a: {  	(xrf0) =	vadd.scan.msk.s32 $0xffff, v30;
	_ =	sdelay $0x5  }
0x15b: {  	v56 =	vsel vm10, $0xFFFFFFFF, v5;
	s20 =	spop (v2sf);
	v57, _, _ =	vpop (xrf0)  }
0x15c: {  	vm11 =	vlt.u32 v29, v24;
	s14 =	sadd.s32 s14, s20;
	v58 =	vadd.s32 v56, v57  }
0x15d: {  	vm0 =	vmand vm11, vm10;
	v29 =	vadd.s32 s14, v58  }
0x15e: {  	v29 =	vnsel vm0, $0x7F8, v29  }
0x15f: {  	(v2sf) =	vpush v57, $0xF;
	[tilespmem:$0x15910] =	vst v29  }
0x160: {  	v29 =	vld [tilespmem:s5+$0x60]  }
0x161: {  	v28 =	vld.idx.msk [tilespmem:v28+s2+$0x0], $0xffff;
	_ =	sdelay $0x4  }
0x162: {  	vm12 =	vne.s32 v29, v28  }
0x163: {  	v28 =	vsel vm12, $0x1, v5  }
0x164: {  	(xrf0) =	vadd.scan.msk.s32 $0xffff, v28;
	_ =	sdelay $0x5  }
0x165: {  	v59 =	vsel vm12, $0xFFFFFFFF, v5;
	s21 =	spop (v2sf);
	v60, _, _ =	vpop (xrf0)  }
0x166: {  	vm13 =	vlt.u32 v27, v24;
	s14 =	sadd.s32 s14, s21;
	v61 =	vadd.s32 v59, v60  }
0x167: {  	vm0 =	vmand vm13, vm12;
	v27 =	vadd.s32 s14, v61  }
0x168: {  	v27 =	vnsel vm0, $0x7F8, v27  }
0x169: {  	(v2sf) =	vpush v60, $0xF;
	[tilespmem:$0x15920] =	vst v27  }
0x16a: {  	v27 =	vld [tilespmem:s5+$0x70]  }
0x16b: {  	v26 =	vld.idx.msk [tilespmem:v26+s2+$0x0], $0xffff;
	_ =	sdelay $0x4  }
0x16c: {  	vm14 =	vne.s32 v27, v26  }
0x16d: {  	v26 =	vsel vm14, $0x1, v5  }
0x16e: {  	(xrf0) =	vadd.scan.msk.s32 $0xffff, v26;
	_ =	sdelay $0x5  }
0x16f: {  	v62 =	vsel vm14, $0xFFFFFFFF, v5;
	s22 =	spop (v2sf);
	v63, _, _ =	vpop (xrf0)  }
0x170: {  	vm15 =	vlt.u32 v25, v24;
	s14 =	sadd.s32 s14, s22;
	v29 =	vadd.s32 v62, v63  }
0x171: {  	vm0 =	vmand vm15, vm14;
	v25 =	vadd.s32 s14, v29  }
0x172: {  	v25 =	vnsel vm0, $0x7F8, v25  }
0x173: {  	(v2sf) =	vpush v63, $0xF;
	[tilespmem:$0x15930] =	vst v25  }
0x174: {  	v25 =	vld [tilespmem:s13+$0x0]  }
0x175: {  	v23 =	vld.idx.msk [tilespmem:v23+s2+$0x0], $0xffff;
	_ =	sdelay $0x4  }
0x176: {  	vm4 =	vne.s32 v25, v23  }
0x177: {  	v23 =	vsel vm4, $0x1, v5  }
0x178: {  	(xrf0) =	vadd.scan.msk.s32 $0xffff, v23;
	_ =	sdelay $0x5  }
0x179: {  	v30 =	vsel vm4, $0xFFFFFFFF, v5;
	s23 =	spop (v2sf);
	v32, _, _ =	vpop (xrf0)  }
0x17a: {  	vm5 =	vlt.u32 v31, v24;
	s13 =	sadd.s32 s14, s23;
	v23 =	vadd.s32 v30, v32  }
0x17b: {  	vm0 =	vmand vm5, vm4;
	v23 =	vadd.s32 s13, v23  }
0x17c: {  	v23 =	vnsel vm0, $0x7F8, v23  }
0x17d: {  	(v2sf) =	vpush v32, $0xF;
	[tilespmem:$0x15980] =	vst v23  }
0x17e: {  	v23 =	vld [tilespmem:s5+$0x90]  }
0x17f: {  	v22 =	vld.idx.msk [tilespmem:v22+s2+$0x0], $0xffff;
	_ =	sdelay $0x4  }
0x180: {  	vm6 =	vne.s32 v23, v22  }
0x181: {  	v22 =	vsel vm6, $0x1, v5  }
0x182: {  	(xrf0) =	vadd.scan.msk.s32 $0xffff, v22;
	_ =	sdelay $0x5  }
0x183: {  	v33 =	vsel vm6, $0xFFFFFFFF, v5;
	s24 =	spop (v2sf);
	v34, _, _ =	vpop (xrf0)  }
0x184: {  	vm7 =	vlt.u32 v20, v24;
	s13 =	sadd.s32 s13, s24;
	v35 =	vadd.s32 v33, v34  }
0x185: {  	vm0 =	vmand vm7, vm6;
	v20 =	vadd.s32 s13, v35  }
0x186: {  	v20 =	vnsel vm0, $0x7F8, v20  }
0x187: {  	(v2sf) =	vpush v34, $0xF;
	[tilespmem:$0x15990] =	vst v20  }
0x188: {  	v20 =	vld [tilespmem:s5+$0xA0]  }
0x189: {  	v19 =	vld.idx.msk [tilespmem:v19+s2+$0x0], $0xffff;
	_ =	sdelay $0x4  }
0x18a: {  	vm8 =	vne.s32 v20, v19  }
0x18b: {  	v19 =	vsel vm8, $0x1, v5  }
0x18c: {  	(xrf0) =	vadd.scan.msk.s32 $0xffff, v19;
	_ =	sdelay $0x5  }
0x18d: {  	v36 =	vsel vm8, $0xFFFFFFFF, v5;
	s25 =	spop (v2sf);
	v37, _, _ =	vpop (xrf0)  }
0x18e: {  	vm9 =	vlt.u32 v18, v24;
	s13 =	sadd.s32 s13, s25;
	v38 =	vadd.s32 v36, v37  }
0x18f: {  	vm0 =	vmand vm9, vm8;
	v18 =	vadd.s32 s13, v38  }
0x190: {  	v18 =	vnsel vm0, $0x7F8, v18  }
0x191: {  	(v2sf) =	vpush v37, $0xF;
	[tilespmem:$0x159A0] =	vst v18  }
0x192: {  	v18 =	vld [tilespmem:s5+$0xB0]  }
0x193: {  	v17 =	vld.idx.msk [tilespmem:v17+s2+$0x0], $0xffff;
	_ =	sdelay $0x4  }
0x194: {  	vm10 =	vne.s32 v18, v17  }
0x195: {  	v17 =	vsel vm10, $0x1, v5  }
0x196: {  	(xrf0) =	vadd.scan.msk.s32 $0xffff, v17;
	_ =	sdelay $0x5  }
0x197: {  	v39 =	vsel vm10, $0xFFFFFFFF, v5;
	s26 =	spop (v2sf);
	v40, _, _ =	vpop (xrf0)  }
0x198: {  	vm11 =	vlt.u32 v16, v24;
	s13 =	sadd.s32 s13, s26;
	v41 =	vadd.s32 v39, v40  }
0x199: {  	vm0 =	vmand vm11, vm10;
	v16 =	vadd.s32 s13, v41  }
0x19a: {  	v16 =	vnsel vm0, $0x7F8, v16  }
0x19b: {  	(v2sf) =	vpush v40, $0xF;
	[tilespmem:$0x159B0] =	vst v16  }
0x19c: {  	v16 =	vld [tilespmem:s5+$0xC0]  }
0x19d: {  	v15 =	vld.idx.msk [tilespmem:v15+s2+$0x0], $0xffff;
	_ =	sdelay $0x4  }
0x19e: {  	vm12 =	vne.s32 v16, v15  }
0x19f: {  	v15 =	vsel vm12, $0x1, v5  }
0x1a0: {  	(xrf0) =	vadd.scan.msk.s32 $0xffff, v15;
	_ =	sdelay $0x5  }
0x1a1: {  	v42 =	vsel vm12, $0xFFFFFFFF, v5;
	s28 =	spop (v2sf);
	v43, _, _ =	vpop (xrf0)  }
0x1a2: {  	vm13 =	vlt.u32 v21, v24;
	s13 =	sadd.s32 s13, s28;
	v15 =	vadd.s32 v42, v43  }
0x1a3: {  	vm0 =	vmand vm13, vm12;
	v15 =	vadd.s32 s13, v15  }
0x1a4: {  	v15 =	vnsel vm0, $0x7F8, v15  }
0x1a5: {  	(v2sf) =	vpush v43, $0xF;
	[tilespmem:$0x15A00] =	vst v15  }
0x1a6: {  	v15 =	vld [tilespmem:s5+$0xD0]  }
0x1a7: {  	v14 =	vld.idx.msk [tilespmem:v14+s2+$0x0], $0xffff;
	_ =	sdelay $0x4  }
0x1a8: {  	vm14 =	vne.s32 v15, v14  }
0x1a9: {  	v14 =	vsel vm14, $0x1, v5  }
0x1aa: {  	(xrf0) =	vadd.scan.msk.s32 $0xffff, v14;
	_ =	sdelay $0x5  }
0x1ab: {  	v44 =	vsel vm14, $0xFFFFFFFF, v5;
	s29 =	spop (v2sf);
	v45, _, _ =	vpop (xrf0)  }
0x1ac: {  	vm15 =	vlt.u32 v13, v24;
	s13 =	sadd.s32 s13, s29;
	v46 =	vadd.s32 v44, v45  }
0x1ad: {  	vm0 =	vmand vm15, vm14;
	v13 =	vadd.s32 s13, v46  }
0x1ae: {  	v13 =	vnsel vm0, $0x7F8, v13  }
0x1af: {  	(v2sf) =	vpush v45, $0xF;
	[tilespmem:$0x15A10] =	vst v13  }
0x1b0: {  	v13 =	vld [tilespmem:s5+$0xE0]  }
0x1b1: {  	v12 =	vld.idx.msk [tilespmem:v12+s2+$0x0], $0xffff;
	_ =	sdelay $0x4  }
0x1b2: {  	vm4 =	vne.s32 v13, v12  }
0x1b3: {  	v12 =	vsel vm4, $0x1, v5  }
0x1b4: {  	(xrf0) =	vadd.scan.msk.s32 $0xffff, v12;
	_ =	sdelay $0x5  }
0x1b5: {  	v47 =	vsel vm4, $0xFFFFFFFF, v5;
	s30 =	spop (v2sf);
	v48, _, _ =	vpop (xrf0)  }
0x1b6: {  	vm5 =	vlt.u32 v10, v24;
	s13 =	sadd.s32 s13, s30;
	v49 =	vadd.s32 v47, v48  }
0x1b7: {  	vm0 =	vmand vm5, vm4;
	v10 =	vadd.s32 s13, v49  }
0x1b8: {  	v10 =	vnsel vm0, $0x7F8, v10  }
0x1b9: {  	(v2sf) =	vpush v48, $0xF;
	[tilespmem:$0x15A20] =	vst v10  }
0x1ba: {  	v10 =	vld [tilespmem:s5+$0xF0]  }
0x1bb: {  	v9 =	vld.idx.msk [tilespmem:v9+s2+$0x0], $0xffff;
	_ =	sdelay $0x4  }
0x1bc: {  	vm6 =	vne.s32 v10, v9  }
0x1bd: {  	v9 =	vsel vm6, $0x1, v5  }
0x1be: {  	(xrf0) =	vadd.scan.msk.s32 $0xffff, v9;
	_ =	sdelay $0x5  }
0x1bf: {  	v50 =	vsel vm6, $0xFFFFFFFF, v5;
	s31 =	spop (v2sf);
	v51, _, _ =	vpop (xrf0)  }
0x1c0: {  	vm7 =	vlt.u32 v8, v24;
	s13 =	sadd.s32 s13, s31;
	v52 =	vadd.s32 v50, v51  }
0x1c1: {  	vm0 =	vmand vm7, vm6;
	v8 =	vadd.s32 s13, v52  }
0x1c2: {  	v8 =	vnsel vm0, $0x7F8, v8  }
0x1c3: {  	(v2sf) =	vpush v51, $0xF;
	[tilespmem:$0x15A30] =	vst v8  }
0x1c4: {  	v8 =	vld [tilespmem:s7+$0x0]  }
0x1c5: {  	v7 =	vld.idx.msk [tilespmem:v7+s2+$0x0], $0xffff;
	_ =	sdelay $0x4  }
0x1c6: {  	vm8 =	vne.s32 v8, v7  }
0x1c7: {  	v7 =	vsel vm8, $0x1, v5  }
0x1c8: {  	(xrf0) =	vadd.scan.msk.s32 $0xffff, v7;
	_ =	sdelay $0x5  }
0x1c9: {  	v53 =	vsel vm8, $0xFFFFFFFF, v5;
	s15 =	spop (v2sf);
	v54, _, _ =	vpop (xrf0)  }
0x1ca: {  	vm9 =	vlt.u32 v11, v24;
	s7 =	sadd.s32 s13, s15;
	v7 =	vadd.s32 v53, v54  }
0x1cb: {  	vm0 =	vmand vm9, vm8;
	v7 =	vadd.s32 s7, v7  }
0x1cc: {  	v7 =	vnsel vm0, $0x7F8, v7  }
0x1cd: {  	(v2sf) =	vpush v54, $0xF;
	[tilespmem:$0x15A80] =	vst v7  }
0x1ce: {  	v7 =	vld [tilespmem:s5+$0x110]  }
0x1cf: {  	v6 =	vld.idx.msk [tilespmem:v6+s2+$0x0], $0xffff;
	_ =	sdelay $0x4  }
0x1d0: {  	vm10 =	vne.s32 v7, v6  }
0x1d1: {  	v6 =	vsel vm10, $0x1, v5  }
0x1d2: {  	(xrf0) =	vadd.scan.msk.s32 $0xffff, v6;
	_ =	sdelay $0x5  }
0x1d3: {  	v55 =	vsel vm10, $0xFFFFFFFF, v5;
	s16 =	spop (v2sf);
	v56, _, _ =	vpop (xrf0)  }
0x1d4: {  	vm11 =	vlt.u32 v4, v24;
	s7 =	sadd.s32 s7, s16;
	v57 =	vadd.s32 v55, v56  }
0x1d5: {  	vm0 =	vmand vm11, vm10;
	v4 =	vadd.s32 s7, v57  }
0x1d6: {  	v4 =	vnsel vm0, $0x7F8, v4  }
0x1d7: {  	(v2sf) =	vpush v56, $0xF;
	[tilespmem:$0x15A90] =	vst v4  }
0x1d8: {  	v4 =	vld [tilespmem:s5+$0x120]  }
0x1d9: {  	v3 =	vld.idx.msk [tilespmem:v3+s2+$0x0], $0xffff;
	_ =	sdelay $0x4  }
0x1da: {  	vm12 =	vne.s32 v4, v3  }
0x1db: {  	v3 =	vsel vm12, $0x1, v5  }
0x1dc: {  	(xrf0) =	vadd.scan.msk.s32 $0xffff, v3;
	_ =	sdelay $0x5  }
0x1dd: {  	v58 =	vsel vm12, $0xFFFFFFFF, v5;
	s17 =	spop (v2sf);
	v59, _, _ =	vpop (xrf0)  }
0x1de: {  	vm13 =	vlt.u32 v2, v24;
	s7 =	sadd.s32 s7, s17;
	v60 =	vadd.s32 v58, v59  }
0x1df: {  	vm0 =	vmand vm13, vm12;
	v2 =	vadd.s32 s7, v60  }
0x1e0: {  	v2 =	vnsel vm0, $0x7F8, v2  }
0x1e1: {  	(v2sf) =	vpush v59, $0xF;
	[tilespmem:$0x15AA0] =	vst v2  }
0x1e2: {  	v2 =	vld [tilespmem:s5+$0x130]  }
0x1e3: {  	v1 =	vld.idx.msk [tilespmem:v1+s2+$0x0], $0xffff;
	_ =	sdelay $0x4  }
0x1e4: {  	vm14 =	vne.s32 v2, v1  }
0x1e5: {  	v1 =	vsel vm14, $0x1, v5  }
0x1e6: {  	(xrf0) =	vadd.scan.msk.s32 $0xffff, v1;
	_ =	sdelay $0x5  }
0x1e7: {  	v61 =	vsel vm14, $0xFFFFFFFF, v5;
	s18 =	spop (v2sf);
	v62, _, _ =	vpop (xrf0)  }
0x1e8: {  	vm15 =	vlt.u32 v0, v24;
	s5 =	sadd.s32 s7, s18;
	v63 =	vadd.s32 v61, v62  }
0x1e9: {  	vm0 =	vmand vm15, vm14;
	v0 =	vadd.s32 s5, v63  }
0x1ea: {  	v0 =	vnsel vm0, $0x7F8, v0  }
0x1eb: {  	s19 =	simm.s32 $0x3;
	[tilespmem:$0x15AB0] =	vst v0  }
0x1ec: {  	_ =	swait.ge [sflag:s19], $0x2000  }
0x1ed: {  	[sflag:s19] =	ssyncset.done $0x0  }
0x1ee: {  	[sflag:s19] =	ssyncadd.s32 $0xFFFFE000  }
0x1ef: {  	_ =	swait.ge [sflag:s19], $0x2000  }
0x1f0: {  	[sflag:s19] =	ssyncset.done $0x0  }
0x1f1: {  	[sflag:s19] =	ssyncadd.s32 $0xFFFFE000  }
0x1f2: {  	_ =	swait.ge [sflag:s19], $0x2000  }
0x1f3: {  	[sflag:s19] =	ssyncset.done $0x0  }
0x1f4: {  	[sflag:s19] =	ssyncadd.s32 $0xFFFFE000  }
0x1f5: {  	_ =	swait.ge [sflag:s19], $0x2000  }
0x1f6: {  	[sflag:s19] =	ssyncset.done $0x0  }
0x1f7: {  	[sflag:s19] =	ssyncadd.s32 $0xFFFFE000  }
0x1f8: {  	_ =	swait.ge [sflag:s19], $0x2000  }
0x1f9: {  	[sflag:s19] =	ssyncset.done $0x0  }
0x1fa: {  	[sflag:s19] =	ssyncadd.s32 $0xFFFFE000  }
0x1fb: {  	s20 =	simm.s32 $0x15880;
	s21 =	simm.s32 $0xB480;
	[bflag:$0x0] =	sbarrier.arrive $0xFFFF  }
0x1fc: {  	[tilespmem:s21], [sflag:$0x4] =	stream.indirect.gather [spmem:s3], $0x80, s20, s6, $0xb8;
	[tilespmem:$0x1A480] =	vst v63  }
0x1fd: {  	s22 =	simm.s32 $0x15900;
	s23 =	simm.s32 $0xD480  }
0x1fe: {  	[tilespmem:s23], [sflag:$0x4] =	stream.indirect.gather [spmem:s3], $0x80, s22, s6, $0xb8;
	[tilespmem:$0x1A480] =	vst v63  }
0x1ff: {  	s24 =	simm.s32 $0x15980;
	s25 =	simm.s32 $0xF480  }
0x200: {  	[tilespmem:s25], [sflag:$0x4] =	stream.indirect.gather [spmem:s3], $0x80, s24, s6, $0xb8;
	[tilespmem:$0x1A480] =	vst v63  }
0x201: {  	s26 =	simm.s32 $0x15A00;
	s28 =	simm.s32 $0x11480  }
0x202: {  	[tilespmem:s28], [sflag:$0x4] =	stream.indirect.gather [spmem:s3], $0x80, s26, s6, $0xb8;
	[tilespmem:$0x1A480] =	vst v63  }
0x203: {  	s29 =	simm.s32 $0x15A80;
	s30 =	simm.s32 $0x13480;
	s31 =	simm.s32 $0x4  }
0x204: {  	[tilespmem:s30], [sflag:$0x4] =	stream.indirect.gather [spmem:s3], $0x80, s29, s6, $0xb8;
	[tilespmem:$0x1A480] =	vst v63  }
0x205: {  	_ =	swait.ge [sflag:s31], $0x2000  }
0x206: {  	[sflag:s31] =	ssyncset.done $0x0  }
0x207: {  	[sflag:s31] =	ssyncadd.s32 $0xFFFFE000  }
0x208: {  	[hbm4b:s11+s2] =	stream.linear.scatter [tilespmem:s21], [sflag:$0x1], $0x2000, $0x38;
	[tilespmem:$0x1A480] =	vst v63  }
0x209: {  	_ =	swait.ge [sflag:s31], $0x2000  }
0x20a: {  	[sflag:s31] =	ssyncset.done $0x0  }
0x20b: {  	[sflag:s31] =	ssyncadd.s32 $0xFFFFE000  }
0x20c: {  	[hbm4b:s9+s2] =	stream.linear.scatter [tilespmem:s23], [sflag:$0x1], $0x2000, $0x38;
	[tilespmem:$0x1A480] =	vst v63  }
0x20d: {  	_ =	swait.ge [sflag:s31], $0x2000  }
0x20e: {  	[sflag:s31] =	ssyncset.done $0x0  }
0x20f: {  	[sflag:s31] =	ssyncadd.s32 $0xFFFFE000  }
0x210: {  	[hbm4b:s12+s2] =	stream.linear.scatter [tilespmem:s25], [sflag:$0x1], $0x2000, $0x38;
	[tilespmem:$0x1A480] =	vst v63  }
0x211: {  	_ =	swait.ge [sflag:s31], $0x2000  }
0x212: {  	[sflag:s31] =	ssyncset.done $0x0  }
0x213: {  	[sflag:s31] =	ssyncadd.s32 $0xFFFFE000  }
0x214: {  	[hbm4b:s10+s2] =	stream.linear.scatter [tilespmem:s28], [sflag:$0x1], $0x2000, $0x38;
	[tilespmem:$0x1A480] =	vst v63  }
0x215: {  	_ =	swait.ge [sflag:s31], $0x2000  }
0x216: {  	[sflag:s31] =	ssyncset.done $0x0  }
0x217: {  	[sflag:s31] =	ssyncadd.s32 $0xFFFFE000  }
0x218: {  	[hbm4b:s8+s2] =	stream.linear.scatter [tilespmem:s30], [sflag:$0x1], $0x2000, $0x38;
	[tilespmem:$0x1A480] =	vst v63  }
0x219: {  	_ =	swait.ge [sflag:s4], $0x2000  }
0x21a: {  	[sflag:s4] =	ssyncset.done $0x0  }
0x21b: {  	[sflag:s4] =	ssyncadd.s32 $0xFFFFE000  }
0x21c: {  	_ =	swait.ge [sflag:s4], $0x2000  }
0x21d: {  	[sflag:s4] =	ssyncset.done $0x0  }
0x21e: {  	[sflag:s4] =	ssyncadd.s32 $0xFFFFE000  }
0x21f: {  	_ =	swait.ge [sflag:s4], $0x2000  }
0x220: {  	[sflag:s4] =	ssyncset.done $0x0  }
0x221: {  	[sflag:s4] =	ssyncadd.s32 $0xFFFFE000  }
0x222: {  	_ =	swait.ge [sflag:s4], $0x2000  }
0x223: {  	[sflag:s4] =	ssyncset.done $0x0  }
0x224: {  	[sflag:s4] =	ssyncadd.s32 $0xFFFFE000  }
0x225: {  	_ =	swait.ge [sflag:s4], $0x2000  }
0x226: {  	[sflag:s4] =	ssyncset.done $0x0  }
0x227: {  	[sflag:s4] =	ssyncadd.s32 $0xFFFFE000  }
0x228: {  	_ =	sfence.sel $0x180000  }
0x229: {  	[bflag:$0x0] =	sbarrier.arrive $0xFFFF  }
0x22a: {  	p0 =	sne.s32 s1, $0x0;
	_ =	strace $0x90000047  }
0x22b: {  	s0 =	sadd.s32 @!p0 $0x100000, s0;
	[bflag:$0x2] =	sbarrier.arrive $0xFFFF  }
0x22c: {  	[sflag:s0] =	ssyncadd.tile.s32 @!p0 $0x1;
	_ =	shalt  }
.LBB2_2:
.Ltmp4:
0x22d: {  	(pc) =	sbr.rel .LBB2_7-.Ltmp4, $2  }
0x22e: {  	_ =	sdelay $0x2  }
0x22f: {  	_ = 	snop  }
.LBB2_4:
.Ltmp5:
0x230: {  	(pc) =	sbr.rel .LBB2_7-.Ltmp5, $2  }
0x231: {  	_ =	sdelay $0x2  }
0x232: {  	v48 =	vmov v50;
	v51 =	vmov v49  }
.Lfunc_end2:
_tile_overlayer_lowered:
.L_overlay_start_2:
0x233: {  	(tag) =	ssettag $0x2  }
0x234: {  	s0 =	rddreg [dreg:$0x0];
	s2 =	stileid.u32  }
0x235: {  	s1 =	rddreg [dreg:$0x1];
	p0 =	sne.s32 s2, $0x0  }
0x236: {  	s3 =	rddreg [dreg:$0x2];
	[bflag:$0x3] =	sbarrier.arrive $0xFFFF;
	s2 =	simm.s32 @!p0 $0x1C05  }
0x237: {  	[timem:s3], [sflag:s2] =	dma.local @!p0 [hbm:s0], s1  }
0x238: {  	s0 =	simm.s32 @!p0 $0x5  }
0x239: {  	_ =	swait.ge @!p0 [sflag:s0], s1  }
0x23a: {  	s1 =	ssub.s32 @!p0 $0x0, s1;
	[sflag:s0] =	ssyncset.done @!p0 $0x0  }
0x23b: {  	[sflag:s0] =	ssyncadd.s32 @!p0 s1  }
0x23c: {  	[bflag:$0x3] =	sbarrier.arrive $0xFFFF  }
0x23d: {  	_ =	shalt  }

</sc_bundles>
